<compile_context>
chip_gen: v7x
topology: tpu7x:2x2x1
jax: 0.10.2.dev20260603
libtpu: 0.0.44.dev20260713+nightly
codegen_flags: <defaults>
</compile_context>

<pallas_src>
import functools

import jax
import jax.numpy as jnp
from jax import lax
from jax.experimental import pallas as pl
from jax.experimental.pallas import tpu as pltpu
from jax.experimental.pallas import tpu_sc as plsc

N = 10000
E = 640000
D = 128
H = 128
C = 6
HH = H // 2

NC = 2
NS = 16
NW = NC * NS
K = 80
EP = E
NCHA = EP // (NS * K)
NP = 10240
ROWS_PER_TILE = NP // NS
ZR = 128

_f32 = jnp.float32


def _mesh():
    return plsc.VectorSubcoreMesh(core_axis_name="c", subcore_axis_name="s",
                                  num_cores=NC, num_subcores=NS)


DW = 8
QW = 32
NQ = 4
NPH = 2
NB = 5


def _make_sc_agg():
    scratch = [
        pltpu.VMEM((NCHA, K), jnp.int32),
        pltpu.VMEM((NCHA, K), jnp.int32),
        *[pltpu.VMEM((K, QW), _f32) for _ in range(NB)],
        pltpu.VMEM((ZR, QW), _f32),
        pltpu.VMEM((K, DW), _f32),
        pltpu.VMEM((K, DW), _f32),
        *[pltpu.SemaphoreType.DMA for _ in range(NB)],
        pltpu.SemaphoreType.DMA,
        pltpu.VMEM_SHARED((NP, QW), _f32),
        pltpu.VMEM_SHARED((NP, DW), _f32),
    ]

    def body(htab_hbm, srcx_hbm, dst_hbm, ones_hbm, zdeg_hbm, agg_out, deg_out,
             src_v, dst_v, *rest):
        bufs = rest[:NB]
        zrow, ones_v, zones_v = rest[NB], rest[NB + 1], rest[NB + 2]
        semg = rest[NB + 3:2 * NB + 3]
        semd = rest[2 * NB + 3]
        sh_agg, sh_deg = rest[2 * NB + 4], rest[2 * NB + 5]
        c = lax.axis_index("c")
        s = lax.axis_index("s")
        z16 = jnp.zeros((16,), _f32)

        def fill_zrow(i, carry):
            zrow[i // (QW // 16), pl.ds((i % (QW // 16)) * 16, 16)] = z16
            return carry
        lax.fori_loop(0, ZR * (QW // 16), fill_zrow, 0)
        pltpu.sync_copy(ones_hbm, ones_v)
        pltpu.sync_copy(zdeg_hbm.at[pl.ds(0, K)], zones_v)
        pltpu.sync_copy(dst_hbm.at[s], dst_v)
        row0 = s * ROWS_PER_TILE

        for p in range(NPH):
            for zi in range(ROWS_PER_TILE // ZR):
                pltpu.sync_copy(zrow, sh_agg.at[pl.ds(row0 + zi * ZR, ZR)])
            if p == 0:
                pltpu.sync_copy(zdeg_hbm.at[pl.ds(row0, ROWS_PER_TILE)],
                                sh_deg.at[pl.ds(row0, ROWS_PER_TILE)])
            plsc.subcore_barrier()

            pltpu.sync_copy(srcx_hbm.at[c, p, s], src_v)

            for b in range(NB - 1):
                pltpu.async_copy(htab_hbm.at[src_v.at[b]], bufs[b], semg[b])
            if p == 0:
                pltpu.async_copy(ones_v, sh_deg.at[dst_v.at[0]], semd,
                                 add=True)

            def chunk(j, b, last=False):
                jn = jnp.minimum(j + NB - 1, NCHA - 1)
                bn = (b + NB - 1) % NB
                pltpu.async_copy(htab_hbm.at[src_v.at[jn]], bufs[bn], semg[bn])
                pltpu.make_async_copy(htab_hbm.at[src_v.at[j]],
                                      bufs[b], semg[b]).wait()
                pltpu.sync_copy(bufs[b], sh_agg.at[dst_v.at[j]], add=True)
                if p == 0:
                    pltpu.make_async_copy(ones_v, sh_deg.at[dst_v.at[0]],
                                          semd).wait()
                    vsrc = zones_v if last else ones_v
                    jd = jnp.minimum(j + 1, NCHA - 1)
                    pltpu.async_copy(vsrc, sh_deg.at[dst_v.at[jd]], semd,
                                     add=True)

            def step(j4, carry):
                j0 = j4 * NB
                for b in range(NB):
                    chunk(j0 + b, b)
                return carry
            lax.fori_loop(0, NCHA // NB - 1, step, 0)
            for b in range(NB):
                chunk(NCHA - NB + b, b, last=(b == NB - 1))
            for b in range(NB - 1):
                pltpu.make_async_copy(htab_hbm.at[src_v.at[0]],
                                      bufs[b], semg[b]).wait()
            if p == 0:
                pltpu.make_async_copy(ones_v, sh_deg.at[dst_v.at[0]],
                                      semd).wait()
            plsc.subcore_barrier()

            pltpu.sync_copy(sh_agg.at[pl.ds(row0, ROWS_PER_TILE)],
                            agg_out.at[c * NPH + p, pl.ds(row0, ROWS_PER_TILE)])
            if p == 0:
                pltpu.sync_copy(sh_deg.at[pl.ds(row0, ROWS_PER_TILE)],
                                deg_out.at[c, pl.ds(row0, ROWS_PER_TILE)])

    return pl.kernel(body,
                     out_type=[jax.ShapeDtypeStruct((NQ, NP, QW), _f32),
                               jax.ShapeDtypeStruct((NC, NP, DW), _f32)],
                     mesh=_mesh(), scratch_types=scratch,
                     compiler_params=pltpu.CompilerParams(
                         use_tc_tiling_on_sc=False))


@functools.cache
def _sc_kernels():
    return _make_sc_agg()


GRID = 10
BR = N // GRID


def _matT(a, w):
    return lax.dot_general(a, w, (((1,), (1,)), ((), ())),
                           preferred_element_type=_f32)


def _in_body(x_ref, w_ref, b_ref, o_ref):
    o_ref[...] = jnp.maximum(_matT(x_ref[...], w_ref[...]) + b_ref[...], 0.0)


def _tc_input(x, W_in, b_in):
    return pl.pallas_call(
        _in_body,
        grid=(GRID,),
        in_specs=[
            pl.BlockSpec((BR, D), lambda i: (i, 0)),
            pl.BlockSpec((H, D), lambda i: (0, 0)),
            pl.BlockSpec((1, H), lambda i: (0, 0)),
        ],
        out_specs=pl.BlockSpec((BR, H), lambda i: (i, 0)),
        out_shape=jax.ShapeDtypeStruct((N, H), _f32),
    )(x, W_in, b_in.reshape(1, H))


def _layer_body(h_ref, agg0_ref, agg1_ref, agg2_ref, agg3_ref, deg_ref,
                wl_ref, bl_ref, wr_ref, g_ref, be_ref, o_ref):
    h = h_ref[...]
    agg = jnp.concatenate([agg0_ref[0], agg1_ref[0], agg2_ref[0],
                           agg3_ref[0]], axis=-1)
    deg = deg_ref[0][:, :1]
    agg = agg * (1.0 / jnp.maximum(deg, 1.0))
    z = _matT(agg, wl_ref[...]) + bl_ref[...] + _matT(h, wr_ref[...])
    m = jnp.mean(z, axis=-1, keepdims=True)
    v = jnp.mean((z - m) ** 2, axis=-1, keepdims=True)
    y = (z - m) * lax.rsqrt(v + 1e-5) * g_ref[...] + be_ref[...]
    o_ref[...] = h + jnp.maximum(y, 0.0)


def _tc_layer(h, agg2, deg2, Wl, bl, Wr, g, be):
    return pl.pallas_call(
        _layer_body,
        grid=(GRID,),
        in_specs=[
            pl.BlockSpec((BR, H), lambda i: (i, 0)),
            pl.BlockSpec((1, BR, QW), lambda i: (0, i, 0)),
            pl.BlockSpec((1, BR, QW), lambda i: (1, i, 0)),
            pl.BlockSpec((1, BR, QW), lambda i: (2, i, 0)),
            pl.BlockSpec((1, BR, QW), lambda i: (3, i, 0)),
            pl.BlockSpec((1, BR, DW), lambda i: (0, i, 0)),
            pl.BlockSpec((H, H), lambda i: (0, 0)),
            pl.BlockSpec((1, H), lambda i: (0, 0)),
            pl.BlockSpec((H, H), lambda i: (0, 0)),
            pl.BlockSpec((1, H), lambda i: (0, 0)),
            pl.BlockSpec((1, H), lambda i: (0, 0)),
        ],
        out_specs=pl.BlockSpec((BR, H), lambda i: (i, 0)),
        out_shape=jax.ShapeDtypeStruct((N, H), _f32),
    )(h, agg2, agg2, agg2, agg2, deg2, Wl, bl.reshape(1, H), Wr,
      g.reshape(1, H), be.reshape(1, H))


def _cls_body(h_ref, w1_ref, b1_ref, w2_ref, b2_ref, o_ref):
    t = jnp.maximum(_matT(h_ref[...], w1_ref[...]) + b1_ref[...], 0.0)
    o_ref[...] = _matT(t, w2_ref[...]) + b2_ref[...]


def _tc_cls(h, Wc1, bc1, Wc2, bc2):
    return pl.pallas_call(
        _cls_body,
        grid=(GRID,),
        in_specs=[
            pl.BlockSpec((BR, H), lambda i: (i, 0)),
            pl.BlockSpec((H // 2, H), lambda i: (0, 0)),
            pl.BlockSpec((1, H // 2), lambda i: (0, 0)),
            pl.BlockSpec((C, H // 2), lambda i: (0, 0)),
            pl.BlockSpec((1, C), lambda i: (0, 0)),
        ],
        out_specs=pl.BlockSpec((BR, C), lambda i: (i, 0)),
        out_shape=jax.ShapeDtypeStruct((N, C), _f32),
    )(h, Wc1, bc1.reshape(1, H // 2), Wc2, bc2.reshape(1, C))


def kernel(x, edge_index, W_in, b_in, Wl0, bl0, Wr0, g0, be0,
           Wl1, bl1, Wr1, g1, be1, Wc1, bc1, Wc2, bc2):
    sc_agg = _sc_kernels()
    src = jnp.concatenate([edge_index[0], jnp.zeros((EP - E,), jnp.int32)])
    dst = jnp.concatenate([edge_index[1], jnp.full((EP - E,), N, jnp.int32)])
    srcx = jnp.stack([src + q * N for q in range(NQ)]).reshape(
        NC, NPH, NS, NCHA, K)
    dstA = dst.reshape(NS, NCHA, K)
    ones8 = jnp.ones((K, DW), _f32)
    zdeg = jnp.zeros((NP, DW), _f32)

    h0 = _tc_input(x, W_in, b_in)

    ws = (jnp.stack([Wl0, Wl1]), jnp.stack([bl0, bl1]),
          jnp.stack([Wr0, Wr1]), jnp.stack([g0, g1]), jnp.stack([be0, be1]))

    def layer(h, w):
        Wl, bl, Wr, g, be = w
        htab = jnp.concatenate([h[:, q * QW:(q + 1) * QW] for q in range(NQ)],
                               axis=0)
        agg2, deg2 = sc_agg(htab, srcx, dstA, ones8, zdeg)
        return _tc_layer(h, agg2, deg2, Wl, bl, Wr, g, be), None

    h2, _ = lax.scan(layer, h0, ws)
    return _tc_cls(h2, Wc1, bc1, Wc2, bc2)

# --- scband reference (transcript-rebuilt; emitter-appended) ---
"""Pipeline reference for scband-multi-modal-fake-news-gnn-79826262163921 (READ-ONLY COPY).

The authoritative reference and input builder live on the scoring server;
editing this copy changes nothing except your own understanding.
"""

import jax, jax.numpy as jnp
import numpy as np

N = 10000
E = 640000
D = 128
H = 128
C = 6

def layer_norm(h, g, b, eps=1e-5):
    m = jnp.mean(h, axis=-1, keepdims=True)
    v = jnp.var(h, axis=-1, keepdims=True)
    return (h - m) / jnp.sqrt(v + eps) * g + b

def sage_layer(h, src, dst, Wl, bl, Wr):
    deg = jax.ops.segment_sum(jnp.ones((E,), jnp.float32), dst, num_segments=N)
    agg = jax.ops.segment_sum(h[src], dst, num_segments=N)
    agg = agg / jnp.clip(deg, 1.0)[:, None]
    return agg @ Wl.T + bl + h @ Wr.T

def setup_inputs(seed: int = 0):
    key = jax.random.key(seed)
    ks = jax.random.split(key, 16)
    p = lambda k, shape: jax.random.normal(k, shape, jnp.float32) * 0.05
    inp = {}
    inp["x"] = jax.random.normal(ks[0], (N, D), jnp.float32)
    inp["edge_index"] = jax.random.randint(ks[1], (2, E), 0, N, jnp.int32)
    inp["W_in"] = p(ks[2], (H, D))
    inp["b_in"] = jnp.zeros((H,), jnp.float32)
    inp["Wl0"] = p(ks[3], (H, H))
    inp["bl0"] = jnp.zeros((H,), jnp.float32)
    inp["Wr0"] = p(ks[4], (H, H))
    inp["g0"] = jnp.ones((H,), jnp.float32)
    inp["be0"] = jnp.zeros((H,), jnp.float32)
    inp["Wl1"] = p(ks[5], (H, H))
    inp["bl1"] = jnp.zeros((H,), jnp.float32)
    inp["Wr1"] = p(ks[6], (H, H))
    inp["g1"] = jnp.ones((H,), jnp.float32)
    inp["be1"] = jnp.zeros((H,), jnp.float32)
    inp["Wc1"] = p(ks[7], (H // 2, H))
    inp["bc1"] = jnp.zeros((H // 2,), jnp.float32)
    inp["Wc2"] = p(ks[8], (C, H // 2))
    inp["bc2"] = jnp.zeros((C,), jnp.float32)
    return inp

def reference(x, edge_index, W_in, b_in, Wl0, bl0, Wr0, g0, be0, Wl1, bl1, Wr1, g1, be1, Wc1, bc1, Wc2, bc2):
    src, dst = edge_index[0], edge_index[1]
    h = jax.nn.relu(x @ W_in.T + b_in)
    # dropout is identity in eval mode
    h_new = jax.nn.relu(layer_norm(sage_layer(h, src, dst, Wl0, bl0, Wr0), g0, be0))
    h = h + h_new
    h_new = jax.nn.relu(layer_norm(sage_layer(h, src, dst, Wl1, bl1, Wr1), g1, be1))
    h = h + h_new
    logits = jax.nn.relu(h @ Wc1.T + bc1) @ Wc2.T + bc2
    return logits

if __name__ == "__main__":
    import jax
    _d = setup_inputs()
    print(jax.jit(kernel)(*tuple(_d.values())))

</pallas_src>

<mosaic_0001>
#map = affine_map<(d0, d1) -> (0, 0)>
#map1 = affine_map<(d0, d1) -> (0, 0, 0, 0, 0)>
#map2 = affine_map<(d0, d1) -> (0, 0, 0)>
module attributes {stable_mosaic.version = 14 : i64} {
  func.func @body(%arg0: i32, %arg1: i32, %arg2: memref<40000x32xf32, #tpu.memory_space<hbm>>, %arg3: memref<2x2x16x500x80xi32, #tpu.memory_space<hbm>>, %arg4: memref<16x500x80xi32, #tpu.memory_space<hbm>>, %arg5: memref<80x8xf32, #tpu.memory_space<hbm>>, %arg6: memref<10240x8xf32, #tpu.memory_space<hbm>>, %arg7: memref<4x10240x32xf32, #tpu.memory_space<hbm>>, %arg8: memref<2x10240x8xf32, #tpu.memory_space<hbm>>, %arg9: memref<500x80xi32, #tpu.memory_space<vmem>>, %arg10: memref<500x80xi32, #tpu.memory_space<vmem>>, %arg11: memref<80x32xf32, #tpu.memory_space<vmem>>, %arg12: memref<80x32xf32, #tpu.memory_space<vmem>>, %arg13: memref<80x32xf32, #tpu.memory_space<vmem>>, %arg14: memref<80x32xf32, #tpu.memory_space<vmem>>, %arg15: memref<80x32xf32, #tpu.memory_space<vmem>>, %arg16: memref<128x32xf32, #tpu.memory_space<vmem>>, %arg17: memref<80x8xf32, #tpu.memory_space<vmem>>, %arg18: memref<80x8xf32, #tpu.memory_space<vmem>>, %arg19: memref<!tpu.dma_semaphore, #tpu.memory_space<semaphore_mem>>, %arg20: memref<!tpu.dma_semaphore, #tpu.memory_space<semaphore_mem>>, %arg21: memref<!tpu.dma_semaphore, #tpu.memory_space<semaphore_mem>>, %arg22: memref<!tpu.dma_semaphore, #tpu.memory_space<semaphore_mem>>, %arg23: memref<!tpu.dma_semaphore, #tpu.memory_space<semaphore_mem>>, %arg24: memref<!tpu.dma_semaphore, #tpu.memory_space<semaphore_mem>>, %arg25: memref<10240x32xf32, #tpu.memory_space<vmem_shared>>, %arg26: memref<10240x8xf32, #tpu.memory_space<vmem_shared>>) attributes {dimension_semantics = [#tpu.dimension_semantics<core_parallel>, #tpu.dimension_semantics<subcore_parallel>], iteration_bounds = array<i64: 2, 16>, scalar_prefetch = 0 : i64, scratch_operands = 18 : i64, tpu.core_type = #tpu.core_type<sc_vector_subcore>, window_params = [{transform_indices = #map}, {transform_indices = #map1}, {transform_indices = #map2}, {transform_indices = #map}, {transform_indices = #map}, {transform_indices = #map2}, {transform_indices = #map2}]} {
    %broadcast_in_dim3A = arith.constant 0.000000e+00 : f32
    %broadcast_in_dim3A_0 = vector.broadcast %broadcast_in_dim3A : f32 to vector<16xf32>
    %scan3A = arith.constant 0 : i32
    %scan3A_1 = arith.constant 0 : i32
    %scan3A_2 = arith.constant 256 : i32
    %scan3A_3 = arith.addi %scan3A_1, %scan3A_2 : i32
    %scan3A_4 = arith.constant 1 : i32
    scf.for %scan3A_423 = %scan3A_1 to %scan3A_3 step %scan3A_4  : i32 {
      %jit3A = arith.constant 2 : i32
      %div3A = arith.divsi %scan3A_423, %jit3A : i32
      %sign3A = arith.constant 0 : i32
      %sign3A_424 = arith.cmpi sgt, %scan3A_423, %sign3A : i32
      %sign3A_425 = arith.extui %sign3A_424 : i1 to i32
      %sign3A_426 = arith.constant 0 : i32
      %sign3A_427 = arith.cmpi slt, %scan3A_423, %sign3A_426 : i32
      %sign3A_428 = arith.extui %sign3A_427 : i1 to i32
      %sign3A_429 = arith.subi %sign3A_425, %sign3A_428 : i32
      %sign3A_430 = arith.constant 0 : i32
      %sign3A_431 = arith.cmpi sgt, %jit3A, %sign3A_430 : i32
      %sign3A_432 = arith.extui %sign3A_431 : i1 to i32
      %sign3A_433 = arith.constant 0 : i32
      %sign3A_434 = arith.cmpi slt, %jit3A, %sign3A_433 : i32
      %sign3A_435 = arith.extui %sign3A_434 : i1 to i32
      %sign3A_436 = arith.subi %sign3A_432, %sign3A_435 : i32
      %ne3A = arith.cmpi ne, %sign3A_429, %sign3A_436 : i32
      %rem3A = arith.remsi %scan3A_423, %jit3A : i32
      %ne3A_437 = arith.constant 0 : i32
      %ne3A_438 = arith.cmpi ne, %rem3A, %ne3A_437 : i32
      %and3A = arith.andi %ne3A, %ne3A_438 : i1
      %sub3A = arith.constant 1 : i32
      %sub3A_439 = arith.subi %div3A, %sub3A : i32
      %select_n3A = arith.select %and3A, %sub3A_439, %div3A : i32
      %jit3A_440 = arith.constant 2 : i32
      %eq3A = arith.constant 0 : i32
      %eq3A_441 = arith.cmpi eq, %jit3A_440, %eq3A : i32
      %jit3A_442 = arith.constant 1 : i32
      %select_n3A_443 = arith.select %eq3A_441, %jit3A_442, %jit3A_440 : i32
      %rem3A_444 = arith.remsi %scan3A_423, %select_n3A_443 : i32
      %ne3A_445 = arith.constant 0 : i32
      %ne3A_446 = arith.cmpi ne, %rem3A_444, %ne3A_445 : i32
      %lt3A = arith.constant 0 : i32
      %lt3A_447 = arith.cmpi slt, %rem3A_444, %lt3A : i32
      %lt3A_448 = arith.constant 0 : i32
      %lt3A_449 = arith.cmpi slt, %select_n3A_443, %lt3A_448 : i32
      %ne3A_450 = arith.xori %lt3A_447, %lt3A_449 : i1
      %and3A_451 = arith.andi %ne3A_450, %ne3A_446 : i1
      %add3A_452 = arith.addi %rem3A_444, %select_n3A_443 : i32
      %select_n3A_453 = arith.select %and3A_451, %add3A_452, %rem3A_444 : i32
      %mul3A_454 = arith.constant 16 : i32
      %mul3A_455 = arith.muli %select_n3A_453, %mul3A_454 : i32
      %swap3A = arith.index_cast %select_n3A : i32 to index
      %swap3A_456 = arith.index_cast %mul3A_455 : i32 to index
      %swap3A_457 = tpu.vector_load %arg16[%swap3A, %swap3A_456] {strides = array<i32>} : memref<128x32xf32, #tpu.memory_space<vmem>>, vector<1x16xf32>,
      %swap3A_458 = vector.shape_cast %swap3A_457 : vector<1x16xf32> to vector<16xf32>
      %swap3A_459 = vector.shape_cast %broadcast_in_dim3A_0 : vector<16xf32> to vector<1x16xf32>
      tpu.vector_store %arg16[%swap3A, %swap3A_456], %swap3A_459 {strides = array<i32>} : memref<128x32xf32, #tpu.memory_space<vmem>>, vector<1x16xf32>,
    }
    %scan3A_5 = arith.constant 256 : i32
    "tpu.region"() ({
      %run_scoped3A_423 = tpu.sem_alloc : memref<!tpu.dma_semaphore, #tpu.memory_space<semaphore_mem>>
      tpu.enqueue_dma source(%arg5 : memref<80x8xf32, #tpu.memory_space<hbm>>) target(%arg17 : memref<80x8xf32, #tpu.memory_space<vmem>>) target_semaphore(%run_scoped3A_423 : memref<!tpu.dma_semaphore, #tpu.memory_space<semaphore_mem>>)
      tpu.wait_dma2 semaphore(%run_scoped3A_423 : memref<!tpu.dma_semaphore, #tpu.memory_space<semaphore_mem>>) src(%arg5 : memref<80x8xf32, #tpu.memory_space<hbm>>) dst(%arg17 : memref<80x8xf32, #tpu.memory_space<vmem>>)
      tpu.yield
    }) : () -> ()
    "tpu.region"() ({
      %run_scoped3A_423 = tpu.sem_alloc : memref<!tpu.dma_semaphore, #tpu.memory_space<semaphore_mem>>
      %dma_start3A_424 = arith.constant 0 : i32
      %dma_start3A_425 = arith.constant 0 : i32
      %dma_start3A_426 = tpu.memref_slice %arg6[%dma_start3A_424, %dma_start3A_425] : memref<10240x8xf32, #tpu.memory_space<hbm>> -> memref<80x8xf32, #tpu.memory_space<hbm>>
      %dma_start3A_427 = arith.constant 0 : i32
      %dma_start3A_428 = arith.constant 0 : i32
      %dma_start3A_429 = tpu.memref_slice %arg6[%dma_start3A_427, %dma_start3A_428] : memref<10240x8xf32, #tpu.memory_space<hbm>> -> memref<80x8xf32, #tpu.memory_space<hbm>>
      tpu.enqueue_dma source(%dma_start3A_429 : memref<80x8xf32, #tpu.memory_space<hbm>>) target(%arg18 : memref<80x8xf32, #tpu.memory_space<vmem>>) target_semaphore(%run_scoped3A_423 : memref<!tpu.dma_semaphore, #tpu.memory_space<semaphore_mem>>)
      %dma_wait3A_430 = arith.constant 0 : i32
      %dma_wait3A_431 = arith.constant 0 : i32
      %dma_wait3A_432 = tpu.memref_slice %arg6[%dma_wait3A_430, %dma_wait3A_431] : memref<10240x8xf32, #tpu.memory_space<hbm>> -> memref<80x8xf32, #tpu.memory_space<hbm>>
      %dma_wait3A_433 = arith.constant 0 : i32
      %dma_wait3A_434 = arith.constant 0 : i32
      %dma_wait3A_435 = tpu.memref_slice %arg6[%dma_wait3A_433, %dma_wait3A_434] : memref<10240x8xf32, #tpu.memory_space<hbm>> -> memref<80x8xf32, #tpu.memory_space<hbm>>
      tpu.wait_dma2 semaphore(%run_scoped3A_423 : memref<!tpu.dma_semaphore, #tpu.memory_space<semaphore_mem>>) src(%dma_wait3A_435 : memref<80x8xf32, #tpu.memory_space<hbm>>) dst(%arg18 : memref<80x8xf32, #tpu.memory_space<vmem>>)
      tpu.yield
    }) : () -> ()
    "tpu.region"() ({
      %run_scoped3A_423 = tpu.sem_alloc : memref<!tpu.dma_semaphore, #tpu.memory_space<semaphore_mem>>
      %dma_start3A_424 = arith.constant 0 : i32
      %dma_start3A_425 = arith.constant 0 : i32
      %dma_start3A_426 = tpu.memref_slice %arg4[%arg1, %dma_start3A_424, %dma_start3A_425] : memref<16x500x80xi32, #tpu.memory_space<hbm>> -> memref<1x500x80xi32, #tpu.memory_space<hbm>>
      %dma_start3A_427 = tpu.memref_squeeze %dma_start3A_426 : memref<1x500x80xi32, #tpu.memory_space<hbm>> -> memref<500x80xi32, #tpu.memory_space<hbm>>
      %dma_start3A_428 = arith.constant 0 : i32
      %dma_start3A_429 = arith.constant 0 : i32
      %dma_start3A_430 = tpu.memref_slice %arg4[%arg1, %dma_start3A_428, %dma_start3A_429] : memref<16x500x80xi32, #tpu.memory_space<hbm>> -> memref<1x500x80xi32, #tpu.memory_space<hbm>>
      %dma_start3A_431 = tpu.memref_squeeze %dma_start3A_430 : memref<1x500x80xi32, #tpu.memory_space<hbm>> -> memref<500x80xi32, #tpu.memory_space<hbm>>
      tpu.enqueue_dma source(%dma_start3A_431 : memref<500x80xi32, #tpu.memory_space<hbm>>) target(%arg10 : memref<500x80xi32, #tpu.memory_space<vmem>>) target_semaphore(%run_scoped3A_423 : memref<!tpu.dma_semaphore, #tpu.memory_space<semaphore_mem>>)
      %dma_wait3A_432 = arith.constant 0 : i32
      %dma_wait3A_433 = arith.constant 0 : i32
      %dma_wait3A_434 = tpu.memref_slice %arg4[%arg1, %dma_wait3A_432, %dma_wait3A_433] : memref<16x500x80xi32, #tpu.memory_space<hbm>> -> memref<1x500x80xi32, #tpu.memory_space<hbm>>
      %dma_wait3A_435 = tpu.memref_squeeze %dma_wait3A_434 : memref<1x500x80xi32, #tpu.memory_space<hbm>> -> memref<500x80xi32, #tpu.memory_space<hbm>>
      %dma_wait3A_436 = arith.constant 0 : i32
      %dma_wait3A_437 = arith.constant 0 : i32
      %dma_wait3A_438 = tpu.memref_slice %arg4[%arg1, %dma_wait3A_436, %dma_wait3A_437] : memref<16x500x80xi32, #tpu.memory_space<hbm>> -> memref<1x500x80xi32, #tpu.memory_space<hbm>>
      %dma_wait3A_439 = tpu.memref_squeeze %dma_wait3A_438 : memref<1x500x80xi32, #tpu.memory_space<hbm>> -> memref<500x80xi32, #tpu.memory_space<hbm>>
      tpu.wait_dma2 semaphore(%run_scoped3A_423 : memref<!tpu.dma_semaphore, #tpu.memory_space<semaphore_mem>>) src(%dma_wait3A_439 : memref<500x80xi32, #tpu.memory_space<hbm>>) dst(%arg10 : memref<500x80xi32, #tpu.memory_space<vmem>>)
      tpu.yield
    }) : () -> ()
    %mul3A = arith.constant 640 : i32
    %mul3A_6 = arith.muli %arg1, %mul3A : i32
    %add3A = arith.constant 0 : i32
    %add3A_7 = arith.addi %mul3A_6, %add3A : i32
    "tpu.region"() ({
      %run_scoped3A_423 = tpu.sem_alloc : memref<!tpu.dma_semaphore, #tpu.memory_space<semaphore_mem>>
      %dma_start3A_424 = arith.constant 0 : i32
      %dma_start3A_425 = tpu.memref_slice %arg25[%add3A_7, %dma_start3A_424] : memref<10240x32xf32, #tpu.memory_space<vmem_shared>> -> memref<128x32xf32, #tpu.memory_space<vmem_shared>>
      %dma_start3A_426 = arith.constant 0 : i32
      %dma_start3A_427 = tpu.memref_slice %arg25[%add3A_7, %dma_start3A_426] : memref<10240x32xf32, #tpu.memory_space<vmem_shared>> -> memref<128x32xf32, #tpu.memory_space<vmem_shared>>
      tpu.enqueue_dma source(%arg16 : memref<128x32xf32, #tpu.memory_space<vmem>>) target(%dma_start3A_427 : memref<128x32xf32, #tpu.memory_space<vmem_shared>>) target_semaphore(%run_scoped3A_423 : memref<!tpu.dma_semaphore, #tpu.memory_space<semaphore_mem>>)
      %dma_wait3A_428 = arith.constant 0 : i32
      %dma_wait3A_429 = tpu.memref_slice %arg25[%add3A_7, %dma_wait3A_428] : memref<10240x32xf32, #tpu.memory_space<vmem_shared>> -> memref<128x32xf32, #tpu.memory_space<vmem_shared>>
      %dma_wait3A_430 = arith.constant 0 : i32
      %dma_wait3A_431 = tpu.memref_slice %arg25[%add3A_7, %dma_wait3A_430] : memref<10240x32xf32, #tpu.memory_space<vmem_shared>> -> memref<128x32xf32, #tpu.memory_space<vmem_shared>>
      tpu.wait_dma2 semaphore(%run_scoped3A_423 : memref<!tpu.dma_semaphore, #tpu.memory_space<semaphore_mem>>) src(%arg16 : memref<128x32xf32, #tpu.memory_space<vmem>>) dst(%dma_wait3A_431 : memref<128x32xf32, #tpu.memory_space<vmem_shared>>)
      tpu.yield
    }) : () -> ()
    %add3A_8 = arith.constant 128 : i32
    %add3A_9 = arith.addi %mul3A_6, %add3A_8 : i32
    "tpu.region"() ({
      %run_scoped3A_423 = tpu.sem_alloc : memref<!tpu.dma_semaphore, #tpu.memory_space<semaphore_mem>>
      %dma_start3A_424 = arith.constant 0 : i32
      %dma_start3A_425 = tpu.memref_slice %arg25[%add3A_9, %dma_start3A_424] : memref<10240x32xf32, #tpu.memory_space<vmem_shared>> -> memref<128x32xf32, #tpu.memory_space<vmem_shared>>
      %dma_start3A_426 = arith.constant 0 : i32
      %dma_start3A_427 = tpu.memref_slice %arg25[%add3A_9, %dma_start3A_426] : memref<10240x32xf32, #tpu.memory_space<vmem_shared>> -> memref<128x32xf32, #tpu.memory_space<vmem_shared>>
      tpu.enqueue_dma source(%arg16 : memref<128x32xf32, #tpu.memory_space<vmem>>) target(%dma_start3A_427 : memref<128x32xf32, #tpu.memory_space<vmem_shared>>) target_semaphore(%run_scoped3A_423 : memref<!tpu.dma_semaphore, #tpu.memory_space<semaphore_mem>>)
      %dma_wait3A_428 = arith.constant 0 : i32
      %dma_wait3A_429 = tpu.memref_slice %arg25[%add3A_9, %dma_wait3A_428] : memref<10240x32xf32, #tpu.memory_space<vmem_shared>> -> memref<128x32xf32, #tpu.memory_space<vmem_shared>>
      %dma_wait3A_430 = arith.constant 0 : i32
      %dma_wait3A_431 = tpu.memref_slice %arg25[%add3A_9, %dma_wait3A_430] : memref<10240x32xf32, #tpu.memory_space<vmem_shared>> -> memref<128x32xf32, #tpu.memory_space<vmem_shared>>
      tpu.wait_dma2 semaphore(%run_scoped3A_423 : memref<!tpu.dma_semaphore, #tpu.memory_space<semaphore_mem>>) src(%arg16 : memref<128x32xf32, #tpu.memory_space<vmem>>) dst(%dma_wait3A_431 : memref<128x32xf32, #tpu.memory_space<vmem_shared>>)
      tpu.yield
    }) : () -> ()
    %add3A_10 = arith.constant 256 : i32
    %add3A_11 = arith.addi %mul3A_6, %add3A_10 : i32
    "tpu.region"() ({
      %run_scoped3A_423 = tpu.sem_alloc : memref<!tpu.dma_semaphore, #tpu.memory_space<semaphore_mem>>
      %dma_start3A_424 = arith.constant 0 : i32
      %dma_start3A_425 = tpu.memref_slice %arg25[%add3A_11, %dma_start3A_424] : memref<10240x32xf32, #tpu.memory_space<vmem_shared>> -> memref<128x32xf32, #tpu.memory_space<vmem_shared>>
      %dma_start3A_426 = arith.constant 0 : i32
      %dma_start3A_427 = tpu.memref_slice %arg25[%add3A_11, %dma_start3A_426] : memref<10240x32xf32, #tpu.memory_space<vmem_shared>> -> memref<128x32xf32, #tpu.memory_space<vmem_shared>>
      tpu.enqueue_dma source(%arg16 : memref<128x32xf32, #tpu.memory_space<vmem>>) target(%dma_start3A_427 : memref<128x32xf32, #tpu.memory_space<vmem_shared>>) target_semaphore(%run_scoped3A_423 : memref<!tpu.dma_semaphore, #tpu.memory_space<semaphore_mem>>)
      %dma_wait3A_428 = arith.constant 0 : i32
      %dma_wait3A_429 = tpu.memref_slice %arg25[%add3A_11, %dma_wait3A_428] : memref<10240x32xf32, #tpu.memory_space<vmem_shared>> -> memref<128x32xf32, #tpu.memory_space<vmem_shared>>
      %dma_wait3A_430 = arith.constant 0 : i32
      %dma_wait3A_431 = tpu.memref_slice %arg25[%add3A_11, %dma_wait3A_430] : memref<10240x32xf32, #tpu.memory_space<vmem_shared>> -> memref<128x32xf32, #tpu.memory_space<vmem_shared>>
      tpu.wait_dma2 semaphore(%run_scoped3A_423 : memref<!tpu.dma_semaphore, #tpu.memory_space<semaphore_mem>>) src(%arg16 : memref<128x32xf32, #tpu.memory_space<vmem>>) dst(%dma_wait3A_431 : memref<128x32xf32, #tpu.memory_space<vmem_shared>>)
      tpu.yield
    }) : () -> ()
    %add3A_12 = arith.constant 384 : i32
    %add3A_13 = arith.addi %mul3A_6, %add3A_12 : i32
    "tpu.region"() ({
      %run_scoped3A_423 = tpu.sem_alloc : memref<!tpu.dma_semaphore, #tpu.memory_space<semaphore_mem>>
      %dma_start3A_424 = arith.constant 0 : i32
      %dma_start3A_425 = tpu.memref_slice %arg25[%add3A_13, %dma_start3A_424] : memref<10240x32xf32, #tpu.memory_space<vmem_shared>> -> memref<128x32xf32, #tpu.memory_space<vmem_shared>>
      %dma_start3A_426 = arith.constant 0 : i32
      %dma_start3A_427 = tpu.memref_slice %arg25[%add3A_13, %dma_start3A_426] : memref<10240x32xf32, #tpu.memory_space<vmem_shared>> -> memref<128x32xf32, #tpu.memory_space<vmem_shared>>
      tpu.enqueue_dma source(%arg16 : memref<128x32xf32, #tpu.memory_space<vmem>>) target(%dma_start3A_427 : memref<128x32xf32, #tpu.memory_space<vmem_shared>>) target_semaphore(%run_scoped3A_423 : memref<!tpu.dma_semaphore, #tpu.memory_space<semaphore_mem>>)
      %dma_wait3A_428 = arith.constant 0 : i32
      %dma_wait3A_429 = tpu.memref_slice %arg25[%add3A_13, %dma_wait3A_428] : memref<10240x32xf32, #tpu.memory_space<vmem_shared>> -> memref<128x32xf32, #tpu.memory_space<vmem_shared>>
      %dma_wait3A_430 = arith.constant 0 : i32
      %dma_wait3A_431 = tpu.memref_slice %arg25[%add3A_13, %dma_wait3A_430] : memref<10240x32xf32, #tpu.memory_space<vmem_shared>> -> memref<128x32xf32, #tpu.memory_space<vmem_shared>>
      tpu.wait_dma2 semaphore(%run_scoped3A_423 : memref<!tpu.dma_semaphore, #tpu.memory_space<semaphore_mem>>) src(%arg16 : memref<128x32xf32, #tpu.memory_space<vmem>>) dst(%dma_wait3A_431 : memref<128x32xf32, #tpu.memory_space<vmem_shared>>)
      tpu.yield
    }) : () -> ()
    %add3A_14 = arith.constant 512 : i32
    %add3A_15 = arith.addi %mul3A_6, %add3A_14 : i32
    "tpu.region"() ({
      %run_scoped3A_423 = tpu.sem_alloc : memref<!tpu.dma_semaphore, #tpu.memory_space<semaphore_mem>>
      %dma_start3A_424 = arith.constant 0 : i32
      %dma_start3A_425 = tpu.memref_slice %arg25[%add3A_15, %dma_start3A_424] : memref<10240x32xf32, #tpu.memory_space<vmem_shared>> -> memref<128x32xf32, #tpu.memory_space<vmem_shared>>
      %dma_start3A_426 = arith.constant 0 : i32
      %dma_start3A_427 = tpu.memref_slice %arg25[%add3A_15, %dma_start3A_426] : memref<10240x32xf32, #tpu.memory_space<vmem_shared>> -> memref<128x32xf32, #tpu.memory_space<vmem_shared>>
      tpu.enqueue_dma source(%arg16 : memref<128x32xf32, #tpu.memory_space<vmem>>) target(%dma_start3A_427 : memref<128x32xf32, #tpu.memory_space<vmem_shared>>) target_semaphore(%run_scoped3A_423 : memref<!tpu.dma_semaphore, #tpu.memory_space<semaphore_mem>>)
      %dma_wait3A_428 = arith.constant 0 : i32
      %dma_wait3A_429 = tpu.memref_slice %arg25[%add3A_15, %dma_wait3A_428] : memref<10240x32xf32, #tpu.memory_space<vmem_shared>> -> memref<128x32xf32, #tpu.memory_space<vmem_shared>>
      %dma_wait3A_430 = arith.constant 0 : i32
      %dma_wait3A_431 = tpu.memref_slice %arg25[%add3A_15, %dma_wait3A_430] : memref<10240x32xf32, #tpu.memory_space<vmem_shared>> -> memref<128x32xf32, #tpu.memory_space<vmem_shared>>
      tpu.wait_dma2 semaphore(%run_scoped3A_423 : memref<!tpu.dma_semaphore, #tpu.memory_space<semaphore_mem>>) src(%arg16 : memref<128x32xf32, #tpu.memory_space<vmem>>) dst(%dma_wait3A_431 : memref<128x32xf32, #tpu.memory_space<vmem_shared>>)
      tpu.yield
    }) : () -> ()
    "tpu.region"() ({
      %run_scoped3A_423 = tpu.sem_alloc : memref<!tpu.dma_semaphore, #tpu.memory_space<semaphore_mem>>
      %dma_start3A_424 = arith.constant 0 : i32
      %dma_start3A_425 = tpu.memref_slice %arg26[%mul3A_6, %dma_start3A_424] : memref<10240x8xf32, #tpu.memory_space<vmem_shared>> -> memref<640x8xf32, #tpu.memory_space<vmem_shared>>
      %dma_start3A_426 = arith.constant 0 : i32
      %dma_start3A_427 = tpu.memref_slice %arg6[%mul3A_6, %dma_start3A_426] : memref<10240x8xf32, #tpu.memory_space<hbm>> -> memref<640x8xf32, #tpu.memory_space<hbm>>
      tpu.enqueue_dma source(%dma_start3A_427 : memref<640x8xf32, #tpu.memory_space<hbm>>) target(%dma_start3A_425 : memref<640x8xf32, #tpu.memory_space<vmem_shared>>) target_semaphore(%run_scoped3A_423 : memref<!tpu.dma_semaphore, #tpu.memory_space<semaphore_mem>>)
      %dma_wait3A_428 = arith.constant 0 : i32
      %dma_wait3A_429 = tpu.memref_slice %arg26[%mul3A_6, %dma_wait3A_428] : memref<10240x8xf32, #tpu.memory_space<vmem_shared>> -> memref<640x8xf32, #tpu.memory_space<vmem_shared>>
      %dma_wait3A_430 = arith.constant 0 : i32
      %dma_wait3A_431 = tpu.memref_slice %arg6[%mul3A_6, %dma_wait3A_430] : memref<10240x8xf32, #tpu.memory_space<hbm>> -> memref<640x8xf32, #tpu.memory_space<hbm>>
      tpu.wait_dma2 semaphore(%run_scoped3A_423 : memref<!tpu.dma_semaphore, #tpu.memory_space<semaphore_mem>>) src(%dma_wait3A_431 : memref<640x8xf32, #tpu.memory_space<hbm>>) dst(%dma_wait3A_429 : memref<640x8xf32, #tpu.memory_space<vmem_shared>>)
      tpu.yield
    }) : () -> ()
    %barrier3A = arith.constant 0 : index
    tpu.barrier barrier_id(%barrier3A)
    %run_scoped3A = arith.constant 0 : i32
    "tpu.region"() ({
      %run_scoped3A_423 = tpu.sem_alloc : memref<!tpu.dma_semaphore, #tpu.memory_space<semaphore_mem>>
      %dma_start3A_424 = arith.constant 0 : i32
      %dma_start3A_425 = arith.constant 0 : i32
      %dma_start3A_426 = tpu.memref_slice %arg3[%arg0, %run_scoped3A, %arg1, %dma_start3A_424, %dma_start3A_425] : memref<2x2x16x500x80xi32, #tpu.memory_space<hbm>> -> memref<1x1x1x500x80xi32, #tpu.memory_space<hbm>>
      %dma_start3A_427 = tpu.memref_squeeze %dma_start3A_426 : memref<1x1x1x500x80xi32, #tpu.memory_space<hbm>> -> memref<500x80xi32, #tpu.memory_space<hbm>>
      %dma_start3A_428 = arith.constant 0 : i32
      %dma_start3A_429 = arith.constant 0 : i32
      %dma_start3A_430 = tpu.memref_slice %arg3[%arg0, %run_scoped3A, %arg1, %dma_start3A_428, %dma_start3A_429] : memref<2x2x16x500x80xi32, #tpu.memory_space<hbm>> -> memref<1x1x1x500x80xi32, #tpu.memory_space<hbm>>
      %dma_start3A_431 = tpu.memref_squeeze %dma_start3A_430 : memref<1x1x1x500x80xi32, #tpu.memory_space<hbm>> -> memref<500x80xi32, #tpu.memory_space<hbm>>
      tpu.enqueue_dma source(%dma_start3A_431 : memref<500x80xi32, #tpu.memory_space<hbm>>) target(%arg9 : memref<500x80xi32, #tpu.memory_space<vmem>>) target_semaphore(%run_scoped3A_423 : memref<!tpu.dma_semaphore, #tpu.memory_space<semaphore_mem>>)
      %dma_wait3A_432 = arith.constant 0 : i32
      %dma_wait3A_433 = arith.constant 0 : i32
      %dma_wait3A_434 = tpu.memref_slice %arg3[%arg0, %run_scoped3A, %arg1, %dma_wait3A_432, %dma_wait3A_433] : memref<2x2x16x500x80xi32, #tpu.memory_space<hbm>> -> memref<1x1x1x500x80xi32, #tpu.memory_space<hbm>>
      %dma_wait3A_435 = tpu.memref_squeeze %dma_wait3A_434 : memref<1x1x1x500x80xi32, #tpu.memory_space<hbm>> -> memref<500x80xi32, #tpu.memory_space<hbm>>
      %dma_wait3A_436 = arith.constant 0 : i32
      %dma_wait3A_437 = arith.constant 0 : i32
      %dma_wait3A_438 = tpu.memref_slice %arg3[%arg0, %run_scoped3A, %arg1, %dma_wait3A_436, %dma_wait3A_437] : memref<2x2x16x500x80xi32, #tpu.memory_space<hbm>> -> memref<1x1x1x500x80xi32, #tpu.memory_space<hbm>>
      %dma_wait3A_439 = tpu.memref_squeeze %dma_wait3A_438 : memref<1x1x1x500x80xi32, #tpu.memory_space<hbm>> -> memref<500x80xi32, #tpu.memory_space<hbm>>
      tpu.wait_dma2 semaphore(%run_scoped3A_423 : memref<!tpu.dma_semaphore, #tpu.memory_space<semaphore_mem>>) src(%dma_wait3A_439 : memref<500x80xi32, #tpu.memory_space<hbm>>) dst(%arg9 : memref<500x80xi32, #tpu.memory_space<vmem>>)
      tpu.yield
    }) : () -> ()
    %dma_start3A = arith.constant 0 : i32
    %dma_start3A_16 = arith.constant 0 : i32
    %dma_start3A_17 = tpu.memref_slice %arg9[%dma_start3A, %dma_start3A_16] : memref<500x80xi32, #tpu.memory_space<vmem>> -> memref<1x80xi32, #tpu.memory_space<vmem>>
    %dma_start3A_18 = tpu.memref_squeeze %dma_start3A_17 : memref<1x80xi32, #tpu.memory_space<vmem>> -> memref<80xi32, #tpu.memory_space<vmem>>
    %dma_start3A_19 = arith.constant 0 : i32
    %dma_start3A_20 = arith.constant 0 : i32
    %dma_start3A_21 = tpu.memref_slice %arg2[%dma_start3A_19, %dma_start3A_20] : memref<40000x32xf32, #tpu.memory_space<hbm>> -> memref<40000x32xf32, #tpu.memory_space<hbm>>
    tpu.enqueue_indirect_dma source(%dma_start3A_21 : memref<40000x32xf32, #tpu.memory_space<hbm>>) target(%arg11 : memref<80x32xf32, #tpu.memory_space<vmem>>) offsets(%dma_start3A_18 : memref<80xi32, #tpu.memory_space<vmem>>) semaphore(%arg19 : memref<!tpu.dma_semaphore, #tpu.memory_space<semaphore_mem>>)
    %dma_start3A_22 = arith.constant 1 : i32
    %dma_start3A_23 = arith.constant 0 : i32
    %dma_start3A_24 = tpu.memref_slice %arg9[%dma_start3A_22, %dma_start3A_23] : memref<500x80xi32, #tpu.memory_space<vmem>> -> memref<1x80xi32, #tpu.memory_space<vmem>>
    %dma_start3A_25 = tpu.memref_squeeze %dma_start3A_24 : memref<1x80xi32, #tpu.memory_space<vmem>> -> memref<80xi32, #tpu.memory_space<vmem>>
    %dma_start3A_26 = arith.constant 0 : i32
    %dma_start3A_27 = arith.constant 0 : i32
    %dma_start3A_28 = tpu.memref_slice %arg2[%dma_start3A_26, %dma_start3A_27] : memref<40000x32xf32, #tpu.memory_space<hbm>> -> memref<40000x32xf32, #tpu.memory_space<hbm>>
    tpu.enqueue_indirect_dma source(%dma_start3A_28 : memref<40000x32xf32, #tpu.memory_space<hbm>>) target(%arg12 : memref<80x32xf32, #tpu.memory_space<vmem>>) offsets(%dma_start3A_25 : memref<80xi32, #tpu.memory_space<vmem>>) semaphore(%arg20 : memref<!tpu.dma_semaphore, #tpu.memory_space<semaphore_mem>>)
    %dma_start3A_29 = arith.constant 2 : i32
    %dma_start3A_30 = arith.constant 0 : i32
    %dma_start3A_31 = tpu.memref_slice %arg9[%dma_start3A_29, %dma_start3A_30] : memref<500x80xi32, #tpu.memory_space<vmem>> -> memref<1x80xi32, #tpu.memory_space<vmem>>
    %dma_start3A_32 = tpu.memref_squeeze %dma_start3A_31 : memref<1x80xi32, #tpu.memory_space<vmem>> -> memref<80xi32, #tpu.memory_space<vmem>>
    %dma_start3A_33 = arith.constant 0 : i32
    %dma_start3A_34 = arith.constant 0 : i32
    %dma_start3A_35 = tpu.memref_slice %arg2[%dma_start3A_33, %dma_start3A_34] : memref<40000x32xf32, #tpu.memory_space<hbm>> -> memref<40000x32xf32, #tpu.memory_space<hbm>>
    tpu.enqueue_indirect_dma source(%dma_start3A_35 : memref<40000x32xf32, #tpu.memory_space<hbm>>) target(%arg13 : memref<80x32xf32, #tpu.memory_space<vmem>>) offsets(%dma_start3A_32 : memref<80xi32, #tpu.memory_space<vmem>>) semaphore(%arg21 : memref<!tpu.dma_semaphore, #tpu.memory_space<semaphore_mem>>)
    %dma_start3A_36 = arith.constant 3 : i32
    %dma_start3A_37 = arith.constant 0 : i32
    %dma_start3A_38 = tpu.memref_slice %arg9[%dma_start3A_36, %dma_start3A_37] : memref<500x80xi32, #tpu.memory_space<vmem>> -> memref<1x80xi32, #tpu.memory_space<vmem>>
    %dma_start3A_39 = tpu.memref_squeeze %dma_start3A_38 : memref<1x80xi32, #tpu.memory_space<vmem>> -> memref<80xi32, #tpu.memory_space<vmem>>
    %dma_start3A_40 = arith.constant 0 : i32
    %dma_start3A_41 = arith.constant 0 : i32
    %dma_start3A_42 = tpu.memref_slice %arg2[%dma_start3A_40, %dma_start3A_41] : memref<40000x32xf32, #tpu.memory_space<hbm>> -> memref<40000x32xf32, #tpu.memory_space<hbm>>
    tpu.enqueue_indirect_dma source(%dma_start3A_42 : memref<40000x32xf32, #tpu.memory_space<hbm>>) target(%arg14 : memref<80x32xf32, #tpu.memory_space<vmem>>) offsets(%dma_start3A_39 : memref<80xi32, #tpu.memory_space<vmem>>) semaphore(%arg22 : memref<!tpu.dma_semaphore, #tpu.memory_space<semaphore_mem>>)
    %dma_start3A_43 = arith.constant 0 : i32
    %dma_start3A_44 = arith.constant 0 : i32
    %dma_start3A_45 = tpu.memref_slice %arg10[%dma_start3A_43, %dma_start3A_44] : memref<500x80xi32, #tpu.memory_space<vmem>> -> memref<1x80xi32, #tpu.memory_space<vmem>>
    %dma_start3A_46 = tpu.memref_squeeze %dma_start3A_45 : memref<1x80xi32, #tpu.memory_space<vmem>> -> memref<80xi32, #tpu.memory_space<vmem>>
    %dma_start3A_47 = arith.constant 0 : i32
    %dma_start3A_48 = arith.constant 0 : i32
    %dma_start3A_49 = tpu.memref_slice %arg26[%dma_start3A_47, %dma_start3A_48] : memref<10240x8xf32, #tpu.memory_space<vmem_shared>> -> memref<10240x8xf32, #tpu.memory_space<vmem_shared>>
    tpu.enqueue_indirect_dma source(%arg17 : memref<80x8xf32, #tpu.memory_space<vmem>>) target(%dma_start3A_49 : memref<10240x8xf32, #tpu.memory_space<vmem_shared>>) offsets(%dma_start3A_46 : memref<80xi32, #tpu.memory_space<vmem>>) semaphore(%arg24 : memref<!tpu.dma_semaphore, #tpu.memory_space<semaphore_mem>>) {add = true}
    %scan3A_50 = arith.constant 0 : i32
    %scan3A_51 = arith.constant 0 : i32
    %scan3A_52 = arith.constant 99 : i32
    %scan3A_53 = arith.addi %scan3A_51, %scan3A_52 : i32
    %scan3A_54 = arith.constant 1 : i32
    scf.for %scan3A_423 = %scan3A_51 to %scan3A_53 step %scan3A_54  : i32 {
      %mul3A_424 = arith.constant 5 : i32
      %mul3A_425 = arith.muli %scan3A_423, %mul3A_424 : i32
      %add3A_426 = arith.constant 0 : i32
      %add3A_427 = arith.addi %mul3A_425, %add3A_426 : i32
      %add3A_428 = arith.constant 5 : i32
      %add3A_429 = arith.addi %add3A_427, %add3A_428 : i32
      %sub3A = arith.constant 1 : i32
      %sub3A_430 = arith.subi %add3A_429, %sub3A : i32
      %min3A_431 = arith.constant 499 : i32
      %min3A_432 = arith.minsi %sub3A_430, %min3A_431 : i32
      %dma_start3A_433 = arith.constant 0 : i32
      %dma_start3A_434 = tpu.memref_slice %arg9[%min3A_432, %dma_start3A_433] : memref<500x80xi32, #tpu.memory_space<vmem>> -> memref<1x80xi32, #tpu.memory_space<vmem>>
      %dma_start3A_435 = tpu.memref_squeeze %dma_start3A_434 : memref<1x80xi32, #tpu.memory_space<vmem>> -> memref<80xi32, #tpu.memory_space<vmem>>
      %dma_start3A_436 = arith.constant 0 : i32
      %dma_start3A_437 = arith.constant 0 : i32
      %dma_start3A_438 = tpu.memref_slice %arg2[%dma_start3A_436, %dma_start3A_437] : memref<40000x32xf32, #tpu.memory_space<hbm>> -> memref<40000x32xf32, #tpu.memory_space<hbm>>
      tpu.enqueue_indirect_dma source(%dma_start3A_438 : memref<40000x32xf32, #tpu.memory_space<hbm>>) target(%arg15 : memref<80x32xf32, #tpu.memory_space<vmem>>) offsets(%dma_start3A_435 : memref<80xi32, #tpu.memory_space<vmem>>) semaphore(%arg23 : memref<!tpu.dma_semaphore, #tpu.memory_space<semaphore_mem>>)
      %dma_wait3A_439 = arith.constant 0 : i32
      %dma_wait3A_440 = tpu.memref_slice %arg9[%add3A_427, %dma_wait3A_439] : memref<500x80xi32, #tpu.memory_space<vmem>> -> memref<1x80xi32, #tpu.memory_space<vmem>>
      %dma_wait3A_441 = tpu.memref_squeeze %dma_wait3A_440 : memref<1x80xi32, #tpu.memory_space<vmem>> -> memref<80xi32, #tpu.memory_space<vmem>>
      %dma_wait3A_442 = arith.constant 0 : i32
      %dma_wait3A_443 = arith.constant 0 : i32
      %dma_wait3A_444 = tpu.memref_slice %arg2[%dma_wait3A_442, %dma_wait3A_443] : memref<40000x32xf32, #tpu.memory_space<hbm>> -> memref<40000x32xf32, #tpu.memory_space<hbm>>
      tpu.wait_indirect_dma semaphore(%arg19 : memref<!tpu.dma_semaphore, #tpu.memory_space<semaphore_mem>>) src(%dma_wait3A_444 : memref<40000x32xf32, #tpu.memory_space<hbm>>) dst(%arg11 : memref<80x32xf32, #tpu.memory_space<vmem>>)
      "tpu.region"() ({
        %run_scoped3A_610 = tpu.sem_alloc : memref<!tpu.dma_semaphore, #tpu.memory_space<semaphore_mem>>
        %dma_start3A_611 = arith.constant 0 : i32
        %dma_start3A_612 = tpu.memref_slice %arg10[%add3A_427, %dma_start3A_611] : memref<500x80xi32, #tpu.memory_space<vmem>> -> memref<1x80xi32, #tpu.memory_space<vmem>>
        %dma_start3A_613 = tpu.memref_squeeze %dma_start3A_612 : memref<1x80xi32, #tpu.memory_space<vmem>> -> memref<80xi32, #tpu.memory_space<vmem>>
        %dma_start3A_614 = arith.constant 0 : i32
        %dma_start3A_615 = arith.constant 0 : i32
        %dma_start3A_616 = tpu.memref_slice %arg25[%dma_start3A_614, %dma_start3A_615] : memref<10240x32xf32, #tpu.memory_space<vmem_shared>> -> memref<10240x32xf32, #tpu.memory_space<vmem_shared>>
        tpu.enqueue_indirect_dma source(%arg11 : memref<80x32xf32, #tpu.memory_space<vmem>>) target(%dma_start3A_616 : memref<10240x32xf32, #tpu.memory_space<vmem_shared>>) offsets(%dma_start3A_613 : memref<80xi32, #tpu.memory_space<vmem>>) semaphore(%run_scoped3A_610 : memref<!tpu.dma_semaphore, #tpu.memory_space<semaphore_mem>>) {add = true}
        %dma_wait3A_617 = arith.constant 0 : i32
        %dma_wait3A_618 = tpu.memref_slice %arg10[%add3A_427, %dma_wait3A_617] : memref<500x80xi32, #tpu.memory_space<vmem>> -> memref<1x80xi32, #tpu.memory_space<vmem>>
        %dma_wait3A_619 = tpu.memref_squeeze %dma_wait3A_618 : memref<1x80xi32, #tpu.memory_space<vmem>> -> memref<80xi32, #tpu.memory_space<vmem>>
        %dma_wait3A_620 = arith.constant 0 : i32
        %dma_wait3A_621 = arith.constant 0 : i32
        %dma_wait3A_622 = tpu.memref_slice %arg25[%dma_wait3A_620, %dma_wait3A_621] : memref<10240x32xf32, #tpu.memory_space<vmem_shared>> -> memref<10240x32xf32, #tpu.memory_space<vmem_shared>>
        tpu.wait_indirect_dma semaphore(%run_scoped3A_610 : memref<!tpu.dma_semaphore, #tpu.memory_space<semaphore_mem>>) src(%arg11 : memref<80x32xf32, #tpu.memory_space<vmem>>) dst(%dma_wait3A_622 : memref<10240x32xf32, #tpu.memory_space<vmem_shared>>)
        tpu.yield
      }) : () -> ()
      %dma_wait3A_445 = arith.constant 0 : i32
      %dma_wait3A_446 = arith.constant 0 : i32
      %dma_wait3A_447 = tpu.memref_slice %arg10[%dma_wait3A_445, %dma_wait3A_446] : memref<500x80xi32, #tpu.memory_space<vmem>> -> memref<1x80xi32, #tpu.memory_space<vmem>>
      %dma_wait3A_448 = tpu.memref_squeeze %dma_wait3A_447 : memref<1x80xi32, #tpu.memory_space<vmem>> -> memref<80xi32, #tpu.memory_space<vmem>>
      %dma_wait3A_449 = arith.constant 0 : i32
      %dma_wait3A_450 = arith.constant 0 : i32
      %dma_wait3A_451 = tpu.memref_slice %arg26[%dma_wait3A_449, %dma_wait3A_450] : memref<10240x8xf32, #tpu.memory_space<vmem_shared>> -> memref<10240x8xf32, #tpu.memory_space<vmem_shared>>
      tpu.wait_indirect_dma semaphore(%arg24 : memref<!tpu.dma_semaphore, #tpu.memory_space<semaphore_mem>>) src(%arg17 : memref<80x8xf32, #tpu.memory_space<vmem>>) dst(%dma_wait3A_451 : memref<10240x8xf32, #tpu.memory_space<vmem_shared>>)
      %add3A_452 = arith.constant 1 : i32
      %add3A_453 = arith.addi %add3A_427, %add3A_452 : i32
      %min3A_454 = arith.constant 499 : i32
      %min3A_455 = arith.minsi %add3A_453, %min3A_454 : i32
      %dma_start3A_456 = arith.constant 0 : i32
      %dma_start3A_457 = tpu.memref_slice %arg10[%min3A_455, %dma_start3A_456] : memref<500x80xi32, #tpu.memory_space<vmem>> -> memref<1x80xi32, #tpu.memory_space<vmem>>
      %dma_start3A_458 = tpu.memref_squeeze %dma_start3A_457 : memref<1x80xi32, #tpu.memory_space<vmem>> -> memref<80xi32, #tpu.memory_space<vmem>>
      %dma_start3A_459 = arith.constant 0 : i32
      %dma_start3A_460 = arith.constant 0 : i32
      %dma_start3A_461 = tpu.memref_slice %arg26[%dma_start3A_459, %dma_start3A_460] : memref<10240x8xf32, #tpu.memory_space<vmem_shared>> -> memref<10240x8xf32, #tpu.memory_space<vmem_shared>>
      tpu.enqueue_indirect_dma source(%arg17 : memref<80x8xf32, #tpu.memory_space<vmem>>) target(%dma_start3A_461 : memref<10240x8xf32, #tpu.memory_space<vmem_shared>>) offsets(%dma_start3A_458 : memref<80xi32, #tpu.memory_space<vmem>>) semaphore(%arg24 : memref<!tpu.dma_semaphore, #tpu.memory_space<semaphore_mem>>) {add = true}
      %add3A_462 = arith.constant 1 : i32
      %add3A_463 = arith.addi %mul3A_425, %add3A_462 : i32
      %add3A_464 = arith.constant 5 : i32
      %add3A_465 = arith.addi %add3A_463, %add3A_464 : i32
      %sub3A_466 = arith.constant 1 : i32
      %sub3A_467 = arith.subi %add3A_465, %sub3A_466 : i32
      %min3A_468 = arith.constant 499 : i32
      %min3A_469 = arith.minsi %sub3A_467, %min3A_468 : i32
      %dma_start3A_470 = arith.constant 0 : i32
      %dma_start3A_471 = tpu.memref_slice %arg9[%min3A_469, %dma_start3A_470] : memref<500x80xi32, #tpu.memory_space<vmem>> -> memref<1x80xi32, #tpu.memory_space<vmem>>
      %dma_start3A_472 = tpu.memref_squeeze %dma_start3A_471 : memref<1x80xi32, #tpu.memory_space<vmem>> -> memref<80xi32, #tpu.memory_space<vmem>>
      %dma_start3A_473 = arith.constant 0 : i32
      %dma_start3A_474 = arith.constant 0 : i32
      %dma_start3A_475 = tpu.memref_slice %arg2[%dma_start3A_473, %dma_start3A_474] : memref<40000x32xf32, #tpu.memory_space<hbm>> -> memref<40000x32xf32, #tpu.memory_space<hbm>>
      tpu.enqueue_indirect_dma source(%dma_start3A_475 : memref<40000x32xf32, #tpu.memory_space<hbm>>) target(%arg11 : memref<80x32xf32, #tpu.memory_space<vmem>>) offsets(%dma_start3A_472 : memref<80xi32, #tpu.memory_space<vmem>>) semaphore(%arg19 : memref<!tpu.dma_semaphore, #tpu.memory_space<semaphore_mem>>)
      %dma_wait3A_476 = arith.constant 0 : i32
      %dma_wait3A_477 = tpu.memref_slice %arg9[%add3A_463, %dma_wait3A_476] : memref<500x80xi32, #tpu.memory_space<vmem>> -> memref<1x80xi32, #tpu.memory_space<vmem>>
      %dma_wait3A_478 = tpu.memref_squeeze %dma_wait3A_477 : memref<1x80xi32, #tpu.memory_space<vmem>> -> memref<80xi32, #tpu.memory_space<vmem>>
      %dma_wait3A_479 = arith.constant 0 : i32
      %dma_wait3A_480 = arith.constant 0 : i32
      %dma_wait3A_481 = tpu.memref_slice %arg2[%dma_wait3A_479, %dma_wait3A_480] : memref<40000x32xf32, #tpu.memory_space<hbm>> -> memref<40000x32xf32, #tpu.memory_space<hbm>>
      tpu.wait_indirect_dma semaphore(%arg20 : memref<!tpu.dma_semaphore, #tpu.memory_space<semaphore_mem>>) src(%dma_wait3A_481 : memref<40000x32xf32, #tpu.memory_space<hbm>>) dst(%arg12 : memref<80x32xf32, #tpu.memory_space<vmem>>)
      "tpu.region"() ({
        %run_scoped3A_610 = tpu.sem_alloc : memref<!tpu.dma_semaphore, #tpu.memory_space<semaphore_mem>>
        %dma_start3A_611 = arith.constant 0 : i32
        %dma_start3A_612 = tpu.memref_slice %arg10[%add3A_463, %dma_start3A_611] : memref<500x80xi32, #tpu.memory_space<vmem>> -> memref<1x80xi32, #tpu.memory_space<vmem>>
        %dma_start3A_613 = tpu.memref_squeeze %dma_start3A_612 : memref<1x80xi32, #tpu.memory_space<vmem>> -> memref<80xi32, #tpu.memory_space<vmem>>
        %dma_start3A_614 = arith.constant 0 : i32
        %dma_start3A_615 = arith.constant 0 : i32
        %dma_start3A_616 = tpu.memref_slice %arg25[%dma_start3A_614, %dma_start3A_615] : memref<10240x32xf32, #tpu.memory_space<vmem_shared>> -> memref<10240x32xf32, #tpu.memory_space<vmem_shared>>
        tpu.enqueue_indirect_dma source(%arg12 : memref<80x32xf32, #tpu.memory_space<vmem>>) target(%dma_start3A_616 : memref<10240x32xf32, #tpu.memory_space<vmem_shared>>) offsets(%dma_start3A_613 : memref<80xi32, #tpu.memory_space<vmem>>) semaphore(%run_scoped3A_610 : memref<!tpu.dma_semaphore, #tpu.memory_space<semaphore_mem>>) {add = true}
        %dma_wait3A_617 = arith.constant 0 : i32
        %dma_wait3A_618 = tpu.memref_slice %arg10[%add3A_463, %dma_wait3A_617] : memref<500x80xi32, #tpu.memory_space<vmem>> -> memref<1x80xi32, #tpu.memory_space<vmem>>
        %dma_wait3A_619 = tpu.memref_squeeze %dma_wait3A_618 : memref<1x80xi32, #tpu.memory_space<vmem>> -> memref<80xi32, #tpu.memory_space<vmem>>
        %dma_wait3A_620 = arith.constant 0 : i32
        %dma_wait3A_621 = arith.constant 0 : i32
        %dma_wait3A_622 = tpu.memref_slice %arg25[%dma_wait3A_620, %dma_wait3A_621] : memref<10240x32xf32, #tpu.memory_space<vmem_shared>> -> memref<10240x32xf32, #tpu.memory_space<vmem_shared>>
        tpu.wait_indirect_dma semaphore(%run_scoped3A_610 : memref<!tpu.dma_semaphore, #tpu.memory_space<semaphore_mem>>) src(%arg12 : memref<80x32xf32, #tpu.memory_space<vmem>>) dst(%dma_wait3A_622 : memref<10240x32xf32, #tpu.memory_space<vmem_shared>>)
        tpu.yield
      }) : () -> ()
      %dma_wait3A_482 = arith.constant 0 : i32
      %dma_wait3A_483 = arith.constant 0 : i32
      %dma_wait3A_484 = tpu.memref_slice %arg10[%dma_wait3A_482, %dma_wait3A_483] : memref<500x80xi32, #tpu.memory_space<vmem>> -> memref<1x80xi32, #tpu.memory_space<vmem>>
      %dma_wait3A_485 = tpu.memref_squeeze %dma_wait3A_484 : memref<1x80xi32, #tpu.memory_space<vmem>> -> memref<80xi32, #tpu.memory_space<vmem>>
      %dma_wait3A_486 = arith.constant 0 : i32
      %dma_wait3A_487 = arith.constant 0 : i32
      %dma_wait3A_488 = tpu.memref_slice %arg26[%dma_wait3A_486, %dma_wait3A_487] : memref<10240x8xf32, #tpu.memory_space<vmem_shared>> -> memref<10240x8xf32, #tpu.memory_space<vmem_shared>>
      tpu.wait_indirect_dma semaphore(%arg24 : memref<!tpu.dma_semaphore, #tpu.memory_space<semaphore_mem>>) src(%arg17 : memref<80x8xf32, #tpu.memory_space<vmem>>) dst(%dma_wait3A_488 : memref<10240x8xf32, #tpu.memory_space<vmem_shared>>)
      %add3A_489 = arith.constant 1 : i32
      %add3A_490 = arith.addi %add3A_463, %add3A_489 : i32
      %min3A_491 = arith.constant 499 : i32
      %min3A_492 = arith.minsi %add3A_490, %min3A_491 : i32
      %dma_start3A_493 = arith.constant 0 : i32
      %dma_start3A_494 = tpu.memref_slice %arg10[%min3A_492, %dma_start3A_493] : memref<500x80xi32, #tpu.memory_space<vmem>> -> memref<1x80xi32, #tpu.memory_space<vmem>>
      %dma_start3A_495 = tpu.memref_squeeze %dma_start3A_494 : memref<1x80xi32, #tpu.memory_space<vmem>> -> memref<80xi32, #tpu.memory_space<vmem>>
      %dma_start3A_496 = arith.constant 0 : i32
      %dma_start3A_497 = arith.constant 0 : i32
      %dma_start3A_498 = tpu.memref_slice %arg26[%dma_start3A_496, %dma_start3A_497] : memref<10240x8xf32, #tpu.memory_space<vmem_shared>> -> memref<10240x8xf32, #tpu.memory_space<vmem_shared>>
      tpu.enqueue_indirect_dma source(%arg17 : memref<80x8xf32, #tpu.memory_space<vmem>>) target(%dma_start3A_498 : memref<10240x8xf32, #tpu.memory_space<vmem_shared>>) offsets(%dma_start3A_495 : memref<80xi32, #tpu.memory_space<vmem>>) semaphore(%arg24 : memref<!tpu.dma_semaphore, #tpu.memory_space<semaphore_mem>>) {add = true}
      %add3A_499 = arith.constant 2 : i32
      %add3A_500 = arith.addi %mul3A_425, %add3A_499 : i32
      %add3A_501 = arith.constant 5 : i32
      %add3A_502 = arith.addi %add3A_500, %add3A_501 : i32
      %sub3A_503 = arith.constant 1 : i32
      %sub3A_504 = arith.subi %add3A_502, %sub3A_503 : i32
      %min3A_505 = arith.constant 499 : i32
      %min3A_506 = arith.minsi %sub3A_504, %min3A_505 : i32
      %dma_start3A_507 = arith.constant 0 : i32
      %dma_start3A_508 = tpu.memref_slice %arg9[%min3A_506, %dma_start3A_507] : memref<500x80xi32, #tpu.memory_space<vmem>> -> memref<1x80xi32, #tpu.memory_space<vmem>>
      %dma_start3A_509 = tpu.memref_squeeze %dma_start3A_508 : memref<1x80xi32, #tpu.memory_space<vmem>> -> memref<80xi32, #tpu.memory_space<vmem>>
      %dma_start3A_510 = arith.constant 0 : i32
      %dma_start3A_511 = arith.constant 0 : i32
      %dma_start3A_512 = tpu.memref_slice %arg2[%dma_start3A_510, %dma_start3A_511] : memref<40000x32xf32, #tpu.memory_space<hbm>> -> memref<40000x32xf32, #tpu.memory_space<hbm>>
      tpu.enqueue_indirect_dma source(%dma_start3A_512 : memref<40000x32xf32, #tpu.memory_space<hbm>>) target(%arg12 : memref<80x32xf32, #tpu.memory_space<vmem>>) offsets(%dma_start3A_509 : memref<80xi32, #tpu.memory_space<vmem>>) semaphore(%arg20 : memref<!tpu.dma_semaphore, #tpu.memory_space<semaphore_mem>>)
      %dma_wait3A_513 = arith.constant 0 : i32
      %dma_wait3A_514 = tpu.memref_slice %arg9[%add3A_500, %dma_wait3A_513] : memref<500x80xi32, #tpu.memory_space<vmem>> -> memref<1x80xi32, #tpu.memory_space<vmem>>
      %dma_wait3A_515 = tpu.memref_squeeze %dma_wait3A_514 : memref<1x80xi32, #tpu.memory_space<vmem>> -> memref<80xi32, #tpu.memory_space<vmem>>
      %dma_wait3A_516 = arith.constant 0 : i32
      %dma_wait3A_517 = arith.constant 0 : i32
      %dma_wait3A_518 = tpu.memref_slice %arg2[%dma_wait3A_516, %dma_wait3A_517] : memref<40000x32xf32, #tpu.memory_space<hbm>> -> memref<40000x32xf32, #tpu.memory_space<hbm>>
      tpu.wait_indirect_dma semaphore(%arg21 : memref<!tpu.dma_semaphore, #tpu.memory_space<semaphore_mem>>) src(%dma_wait3A_518 : memref<40000x32xf32, #tpu.memory_space<hbm>>) dst(%arg13 : memref<80x32xf32, #tpu.memory_space<vmem>>)
      "tpu.region"() ({
        %run_scoped3A_610 = tpu.sem_alloc : memref<!tpu.dma_semaphore, #tpu.memory_space<semaphore_mem>>
        %dma_start3A_611 = arith.constant 0 : i32
        %dma_start3A_612 = tpu.memref_slice %arg10[%add3A_500, %dma_start3A_611] : memref<500x80xi32, #tpu.memory_space<vmem>> -> memref<1x80xi32, #tpu.memory_space<vmem>>
        %dma_start3A_613 = tpu.memref_squeeze %dma_start3A_612 : memref<1x80xi32, #tpu.memory_space<vmem>> -> memref<80xi32, #tpu.memory_space<vmem>>
        %dma_start3A_614 = arith.constant 0 : i32
        %dma_start3A_615 = arith.constant 0 : i32
        %dma_start3A_616 = tpu.memref_slice %arg25[%dma_start3A_614, %dma_start3A_615] : memref<10240x32xf32, #tpu.memory_space<vmem_shared>> -> memref<10240x32xf32, #tpu.memory_space<vmem_shared>>
        tpu.enqueue_indirect_dma source(%arg13 : memref<80x32xf32, #tpu.memory_space<vmem>>) target(%dma_start3A_616 : memref<10240x32xf32, #tpu.memory_space<vmem_shared>>) offsets(%dma_start3A_613 : memref<80xi32, #tpu.memory_space<vmem>>) semaphore(%run_scoped3A_610 : memref<!tpu.dma_semaphore, #tpu.memory_space<semaphore_mem>>) {add = true}
        %dma_wait3A_617 = arith.constant 0 : i32
        %dma_wait3A_618 = tpu.memref_slice %arg10[%add3A_500, %dma_wait3A_617] : memref<500x80xi32, #tpu.memory_space<vmem>> -> memref<1x80xi32, #tpu.memory_space<vmem>>
        %dma_wait3A_619 = tpu.memref_squeeze %dma_wait3A_618 : memref<1x80xi32, #tpu.memory_space<vmem>> -> memref<80xi32, #tpu.memory_space<vmem>>
        %dma_wait3A_620 = arith.constant 0 : i32
        %dma_wait3A_621 = arith.constant 0 : i32
        %dma_wait3A_622 = tpu.memref_slice %arg25[%dma_wait3A_620, %dma_wait3A_621] : memref<10240x32xf32, #tpu.memory_space<vmem_shared>> -> memref<10240x32xf32, #tpu.memory_space<vmem_shared>>
        tpu.wait_indirect_dma semaphore(%run_scoped3A_610 : memref<!tpu.dma_semaphore, #tpu.memory_space<semaphore_mem>>) src(%arg13 : memref<80x32xf32, #tpu.memory_space<vmem>>) dst(%dma_wait3A_622 : memref<10240x32xf32, #tpu.memory_space<vmem_shared>>)
        tpu.yield
      }) : () -> ()
      %dma_wait3A_519 = arith.constant 0 : i32
      %dma_wait3A_520 = arith.constant 0 : i32
      %dma_wait3A_521 = tpu.memref_slice %arg10[%dma_wait3A_519, %dma_wait3A_520] : memref<500x80xi32, #tpu.memory_space<vmem>> -> memref<1x80xi32, #tpu.memory_space<vmem>>
      %dma_wait3A_522 = tpu.memref_squeeze %dma_wait3A_521 : memref<1x80xi32, #tpu.memory_space<vmem>> -> memref<80xi32, #tpu.memory_space<vmem>>
      %dma_wait3A_523 = arith.constant 0 : i32
      %dma_wait3A_524 = arith.constant 0 : i32
      %dma_wait3A_525 = tpu.memref_slice %arg26[%dma_wait3A_523, %dma_wait3A_524] : memref<10240x8xf32, #tpu.memory_space<vmem_shared>> -> memref<10240x8xf32, #tpu.memory_space<vmem_shared>>
      tpu.wait_indirect_dma semaphore(%arg24 : memref<!tpu.dma_semaphore, #tpu.memory_space<semaphore_mem>>) src(%arg17 : memref<80x8xf32, #tpu.memory_space<vmem>>) dst(%dma_wait3A_525 : memref<10240x8xf32, #tpu.memory_space<vmem_shared>>)
      %add3A_526 = arith.constant 1 : i32
      %add3A_527 = arith.addi %add3A_500, %add3A_526 : i32
      %min3A_528 = arith.constant 499 : i32
      %min3A_529 = arith.minsi %add3A_527, %min3A_528 : i32
      %dma_start3A_530 = arith.constant 0 : i32
      %dma_start3A_531 = tpu.memref_slice %arg10[%min3A_529, %dma_start3A_530] : memref<500x80xi32, #tpu.memory_space<vmem>> -> memref<1x80xi32, #tpu.memory_space<vmem>>
      %dma_start3A_532 = tpu.memref_squeeze %dma_start3A_531 : memref<1x80xi32, #tpu.memory_space<vmem>> -> memref<80xi32, #tpu.memory_space<vmem>>
      %dma_start3A_533 = arith.constant 0 : i32
      %dma_start3A_534 = arith.constant 0 : i32
      %dma_start3A_535 = tpu.memref_slice %arg26[%dma_start3A_533, %dma_start3A_534] : memref<10240x8xf32, #tpu.memory_space<vmem_shared>> -> memref<10240x8xf32, #tpu.memory_space<vmem_shared>>
      tpu.enqueue_indirect_dma source(%arg17 : memref<80x8xf32, #tpu.memory_space<vmem>>) target(%dma_start3A_535 : memref<10240x8xf32, #tpu.memory_space<vmem_shared>>) offsets(%dma_start3A_532 : memref<80xi32, #tpu.memory_space<vmem>>) semaphore(%arg24 : memref<!tpu.dma_semaphore, #tpu.memory_space<semaphore_mem>>) {add = true}
      %add3A_536 = arith.constant 3 : i32
      %add3A_537 = arith.addi %mul3A_425, %add3A_536 : i32
      %add3A_538 = arith.constant 5 : i32
      %add3A_539 = arith.addi %add3A_537, %add3A_538 : i32
      %sub3A_540 = arith.constant 1 : i32
      %sub3A_541 = arith.subi %add3A_539, %sub3A_540 : i32
      %min3A_542 = arith.constant 499 : i32
      %min3A_543 = arith.minsi %sub3A_541, %min3A_542 : i32
      %dma_start3A_544 = arith.constant 0 : i32
      %dma_start3A_545 = tpu.memref_slice %arg9[%min3A_543, %dma_start3A_544] : memref<500x80xi32, #tpu.memory_space<vmem>> -> memref<1x80xi32, #tpu.memory_space<vmem>>
      %dma_start3A_546 = tpu.memref_squeeze %dma_start3A_545 : memref<1x80xi32, #tpu.memory_space<vmem>> -> memref<80xi32, #tpu.memory_space<vmem>>
      %dma_start3A_547 = arith.constant 0 : i32
      %dma_start3A_548 = arith.constant 0 : i32
      %dma_start3A_549 = tpu.memref_slice %arg2[%dma_start3A_547, %dma_start3A_548] : memref<40000x32xf32, #tpu.memory_space<hbm>> -> memref<40000x32xf32, #tpu.memory_space<hbm>>
      tpu.enqueue_indirect_dma source(%dma_start3A_549 : memref<40000x32xf32, #tpu.memory_space<hbm>>) target(%arg13 : memref<80x32xf32, #tpu.memory_space<vmem>>) offsets(%dma_start3A_546 : memref<80xi32, #tpu.memory_space<vmem>>) semaphore(%arg21 : memref<!tpu.dma_semaphore, #tpu.memory_space<semaphore_mem>>)
      %dma_wait3A_550 = arith.constant 0 : i32
      %dma_wait3A_551 = tpu.memref_slice %arg9[%add3A_537, %dma_wait3A_550] : memref<500x80xi32, #tpu.memory_space<vmem>> -> memref<1x80xi32, #tpu.memory_space<vmem>>
      %dma_wait3A_552 = tpu.memref_squeeze %dma_wait3A_551 : memref<1x80xi32, #tpu.memory_space<vmem>> -> memref<80xi32, #tpu.memory_space<vmem>>
      %dma_wait3A_553 = arith.constant 0 : i32
      %dma_wait3A_554 = arith.constant 0 : i32
      %dma_wait3A_555 = tpu.memref_slice %arg2[%dma_wait3A_553, %dma_wait3A_554] : memref<40000x32xf32, #tpu.memory_space<hbm>> -> memref<40000x32xf32, #tpu.memory_space<hbm>>
      tpu.wait_indirect_dma semaphore(%arg22 : memref<!tpu.dma_semaphore, #tpu.memory_space<semaphore_mem>>) src(%dma_wait3A_555 : memref<40000x32xf32, #tpu.memory_space<hbm>>) dst(%arg14 : memref<80x32xf32, #tpu.memory_space<vmem>>)
      "tpu.region"() ({
        %run_scoped3A_610 = tpu.sem_alloc : memref<!tpu.dma_semaphore, #tpu.memory_space<semaphore_mem>>
        %dma_start3A_611 = arith.constant 0 : i32
        %dma_start3A_612 = tpu.memref_slice %arg10[%add3A_537, %dma_start3A_611] : memref<500x80xi32, #tpu.memory_space<vmem>> -> memref<1x80xi32, #tpu.memory_space<vmem>>
        %dma_start3A_613 = tpu.memref_squeeze %dma_start3A_612 : memref<1x80xi32, #tpu.memory_space<vmem>> -> memref<80xi32, #tpu.memory_space<vmem>>
        %dma_start3A_614 = arith.constant 0 : i32
        %dma_start3A_615 = arith.constant 0 : i32
        %dma_start3A_616 = tpu.memref_slice %arg25[%dma_start3A_614, %dma_start3A_615] : memref<10240x32xf32, #tpu.memory_space<vmem_shared>> -> memref<10240x32xf32, #tpu.memory_space<vmem_shared>>
        tpu.enqueue_indirect_dma source(%arg14 : memref<80x32xf32, #tpu.memory_space<vmem>>) target(%dma_start3A_616 : memref<10240x32xf32, #tpu.memory_space<vmem_shared>>) offsets(%dma_start3A_613 : memref<80xi32, #tpu.memory_space<vmem>>) semaphore(%run_scoped3A_610 : memref<!tpu.dma_semaphore, #tpu.memory_space<semaphore_mem>>) {add = true}
        %dma_wait3A_617 = arith.constant 0 : i32
        %dma_wait3A_618 = tpu.memref_slice %arg10[%add3A_537, %dma_wait3A_617] : memref<500x80xi32, #tpu.memory_space<vmem>> -> memref<1x80xi32, #tpu.memory_space<vmem>>
        %dma_wait3A_619 = tpu.memref_squeeze %dma_wait3A_618 : memref<1x80xi32, #tpu.memory_space<vmem>> -> memref<80xi32, #tpu.memory_space<vmem>>
        %dma_wait3A_620 = arith.constant 0 : i32
        %dma_wait3A_621 = arith.constant 0 : i32
        %dma_wait3A_622 = tpu.memref_slice %arg25[%dma_wait3A_620, %dma_wait3A_621] : memref<10240x32xf32, #tpu.memory_space<vmem_shared>> -> memref<10240x32xf32, #tpu.memory_space<vmem_shared>>
        tpu.wait_indirect_dma semaphore(%run_scoped3A_610 : memref<!tpu.dma_semaphore, #tpu.memory_space<semaphore_mem>>) src(%arg14 : memref<80x32xf32, #tpu.memory_space<vmem>>) dst(%dma_wait3A_622 : memref<10240x32xf32, #tpu.memory_space<vmem_shared>>)
        tpu.yield
      }) : () -> ()
      %dma_wait3A_556 = arith.constant 0 : i32
      %dma_wait3A_557 = arith.constant 0 : i32
      %dma_wait3A_558 = tpu.memref_slice %arg10[%dma_wait3A_556, %dma_wait3A_557] : memref<500x80xi32, #tpu.memory_space<vmem>> -> memref<1x80xi32, #tpu.memory_space<vmem>>
      %dma_wait3A_559 = tpu.memref_squeeze %dma_wait3A_558 : memref<1x80xi32, #tpu.memory_space<vmem>> -> memref<80xi32, #tpu.memory_space<vmem>>
      %dma_wait3A_560 = arith.constant 0 : i32
      %dma_wait3A_561 = arith.constant 0 : i32
      %dma_wait3A_562 = tpu.memref_slice %arg26[%dma_wait3A_560, %dma_wait3A_561] : memref<10240x8xf32, #tpu.memory_space<vmem_shared>> -> memref<10240x8xf32, #tpu.memory_space<vmem_shared>>
      tpu.wait_indirect_dma semaphore(%arg24 : memref<!tpu.dma_semaphore, #tpu.memory_space<semaphore_mem>>) src(%arg17 : memref<80x8xf32, #tpu.memory_space<vmem>>) dst(%dma_wait3A_562 : memref<10240x8xf32, #tpu.memory_space<vmem_shared>>)
      %add3A_563 = arith.constant 1 : i32
      %add3A_564 = arith.addi %add3A_537, %add3A_563 : i32
      %min3A_565 = arith.constant 499 : i32
      %min3A_566 = arith.minsi %add3A_564, %min3A_565 : i32
      %dma_start3A_567 = arith.constant 0 : i32
      %dma_start3A_568 = tpu.memref_slice %arg10[%min3A_566, %dma_start3A_567] : memref<500x80xi32, #tpu.memory_space<vmem>> -> memref<1x80xi32, #tpu.memory_space<vmem>>
      %dma_start3A_569 = tpu.memref_squeeze %dma_start3A_568 : memref<1x80xi32, #tpu.memory_space<vmem>> -> memref<80xi32, #tpu.memory_space<vmem>>
      %dma_start3A_570 = arith.constant 0 : i32
      %dma_start3A_571 = arith.constant 0 : i32
      %dma_start3A_572 = tpu.memref_slice %arg26[%dma_start3A_570, %dma_start3A_571] : memref<10240x8xf32, #tpu.memory_space<vmem_shared>> -> memref<10240x8xf32, #tpu.memory_space<vmem_shared>>
      tpu.enqueue_indirect_dma source(%arg17 : memref<80x8xf32, #tpu.memory_space<vmem>>) target(%dma_start3A_572 : memref<10240x8xf32, #tpu.memory_space<vmem_shared>>) offsets(%dma_start3A_569 : memref<80xi32, #tpu.memory_space<vmem>>) semaphore(%arg24 : memref<!tpu.dma_semaphore, #tpu.memory_space<semaphore_mem>>) {add = true}
      %add3A_573 = arith.constant 4 : i32
      %add3A_574 = arith.addi %mul3A_425, %add3A_573 : i32
      %add3A_575 = arith.constant 5 : i32
      %add3A_576 = arith.addi %add3A_574, %add3A_575 : i32
      %sub3A_577 = arith.constant 1 : i32
      %sub3A_578 = arith.subi %add3A_576, %sub3A_577 : i32
      %min3A_579 = arith.constant 499 : i32
      %min3A_580 = arith.minsi %sub3A_578, %min3A_579 : i32
      %dma_start3A_581 = arith.constant 0 : i32
      %dma_start3A_582 = tpu.memref_slice %arg9[%min3A_580, %dma_start3A_581] : memref<500x80xi32, #tpu.memory_space<vmem>> -> memref<1x80xi32, #tpu.memory_space<vmem>>
      %dma_start3A_583 = tpu.memref_squeeze %dma_start3A_582 : memref<1x80xi32, #tpu.memory_space<vmem>> -> memref<80xi32, #tpu.memory_space<vmem>>
      %dma_start3A_584 = arith.constant 0 : i32
      %dma_start3A_585 = arith.constant 0 : i32
      %dma_start3A_586 = tpu.memref_slice %arg2[%dma_start3A_584, %dma_start3A_585] : memref<40000x32xf32, #tpu.memory_space<hbm>> -> memref<40000x32xf32, #tpu.memory_space<hbm>>
      tpu.enqueue_indirect_dma source(%dma_start3A_586 : memref<40000x32xf32, #tpu.memory_space<hbm>>) target(%arg14 : memref<80x32xf32, #tpu.memory_space<vmem>>) offsets(%dma_start3A_583 : memref<80xi32, #tpu.memory_space<vmem>>) semaphore(%arg22 : memref<!tpu.dma_semaphore, #tpu.memory_space<semaphore_mem>>)
      %dma_wait3A_587 = arith.constant 0 : i32
      %dma_wait3A_588 = tpu.memref_slice %arg9[%add3A_574, %dma_wait3A_587] : memref<500x80xi32, #tpu.memory_space<vmem>> -> memref<1x80xi32, #tpu.memory_space<vmem>>
      %dma_wait3A_589 = tpu.memref_squeeze %dma_wait3A_588 : memref<1x80xi32, #tpu.memory_space<vmem>> -> memref<80xi32, #tpu.memory_space<vmem>>
      %dma_wait3A_590 = arith.constant 0 : i32
      %dma_wait3A_591 = arith.constant 0 : i32
      %dma_wait3A_592 = tpu.memref_slice %arg2[%dma_wait3A_590, %dma_wait3A_591] : memref<40000x32xf32, #tpu.memory_space<hbm>> -> memref<40000x32xf32, #tpu.memory_space<hbm>>
      tpu.wait_indirect_dma semaphore(%arg23 : memref<!tpu.dma_semaphore, #tpu.memory_space<semaphore_mem>>) src(%dma_wait3A_592 : memref<40000x32xf32, #tpu.memory_space<hbm>>) dst(%arg15 : memref<80x32xf32, #tpu.memory_space<vmem>>)
      "tpu.region"() ({
        %run_scoped3A_610 = tpu.sem_alloc : memref<!tpu.dma_semaphore, #tpu.memory_space<semaphore_mem>>
        %dma_start3A_611 = arith.constant 0 : i32
        %dma_start3A_612 = tpu.memref_slice %arg10[%add3A_574, %dma_start3A_611] : memref<500x80xi32, #tpu.memory_space<vmem>> -> memref<1x80xi32, #tpu.memory_space<vmem>>
        %dma_start3A_613 = tpu.memref_squeeze %dma_start3A_612 : memref<1x80xi32, #tpu.memory_space<vmem>> -> memref<80xi32, #tpu.memory_space<vmem>>
        %dma_start3A_614 = arith.constant 0 : i32
        %dma_start3A_615 = arith.constant 0 : i32
        %dma_start3A_616 = tpu.memref_slice %arg25[%dma_start3A_614, %dma_start3A_615] : memref<10240x32xf32, #tpu.memory_space<vmem_shared>> -> memref<10240x32xf32, #tpu.memory_space<vmem_shared>>
        tpu.enqueue_indirect_dma source(%arg15 : memref<80x32xf32, #tpu.memory_space<vmem>>) target(%dma_start3A_616 : memref<10240x32xf32, #tpu.memory_space<vmem_shared>>) offsets(%dma_start3A_613 : memref<80xi32, #tpu.memory_space<vmem>>) semaphore(%run_scoped3A_610 : memref<!tpu.dma_semaphore, #tpu.memory_space<semaphore_mem>>) {add = true}
        %dma_wait3A_617 = arith.constant 0 : i32
        %dma_wait3A_618 = tpu.memref_slice %arg10[%add3A_574, %dma_wait3A_617] : memref<500x80xi32, #tpu.memory_space<vmem>> -> memref<1x80xi32, #tpu.memory_space<vmem>>
        %dma_wait3A_619 = tpu.memref_squeeze %dma_wait3A_618 : memref<1x80xi32, #tpu.memory_space<vmem>> -> memref<80xi32, #tpu.memory_space<vmem>>
        %dma_wait3A_620 = arith.constant 0 : i32
        %dma_wait3A_621 = arith.constant 0 : i32
        %dma_wait3A_622 = tpu.memref_slice %arg25[%dma_wait3A_620, %dma_wait3A_621] : memref<10240x32xf32, #tpu.memory_space<vmem_shared>> -> memref<10240x32xf32, #tpu.memory_space<vmem_shared>>
        tpu.wait_indirect_dma semaphore(%run_scoped3A_610 : memref<!tpu.dma_semaphore, #tpu.memory_space<semaphore_mem>>) src(%arg15 : memref<80x32xf32, #tpu.memory_space<vmem>>) dst(%dma_wait3A_622 : memref<10240x32xf32, #tpu.memory_space<vmem_shared>>)
        tpu.yield
      }) : () -> ()
      %dma_wait3A_593 = arith.constant 0 : i32
      %dma_wait3A_594 = arith.constant 0 : i32
      %dma_wait3A_595 = tpu.memref_slice %arg10[%dma_wait3A_593, %dma_wait3A_594] : memref<500x80xi32, #tpu.memory_space<vmem>> -> memref<1x80xi32, #tpu.memory_space<vmem>>
      %dma_wait3A_596 = tpu.memref_squeeze %dma_wait3A_595 : memref<1x80xi32, #tpu.memory_space<vmem>> -> memref<80xi32, #tpu.memory_space<vmem>>
      %dma_wait3A_597 = arith.constant 0 : i32
      %dma_wait3A_598 = arith.constant 0 : i32
      %dma_wait3A_599 = tpu.memref_slice %arg26[%dma_wait3A_597, %dma_wait3A_598] : memref<10240x8xf32, #tpu.memory_space<vmem_shared>> -> memref<10240x8xf32, #tpu.memory_space<vmem_shared>>
      tpu.wait_indirect_dma semaphore(%arg24 : memref<!tpu.dma_semaphore, #tpu.memory_space<semaphore_mem>>) src(%arg17 : memref<80x8xf32, #tpu.memory_space<vmem>>) dst(%dma_wait3A_599 : memref<10240x8xf32, #tpu.memory_space<vmem_shared>>)
      %add3A_600 = arith.constant 1 : i32
      %add3A_601 = arith.addi %add3A_574, %add3A_600 : i32
      %min3A_602 = arith.constant 499 : i32
      %min3A_603 = arith.minsi %add3A_601, %min3A_602 : i32
      %dma_start3A_604 = arith.constant 0 : i32
      %dma_start3A_605 = tpu.memref_slice %arg10[%min3A_603, %dma_start3A_604] : memref<500x80xi32, #tpu.memory_space<vmem>> -> memref<1x80xi32, #tpu.memory_space<vmem>>
      %dma_start3A_606 = tpu.memref_squeeze %dma_start3A_605 : memref<1x80xi32, #tpu.memory_space<vmem>> -> memref<80xi32, #tpu.memory_space<vmem>>
      %dma_start3A_607 = arith.constant 0 : i32
      %dma_start3A_608 = arith.constant 0 : i32
      %dma_start3A_609 = tpu.memref_slice %arg26[%dma_start3A_607, %dma_start3A_608] : memref<10240x8xf32, #tpu.memory_space<vmem_shared>> -> memref<10240x8xf32, #tpu.memory_space<vmem_shared>>
      tpu.enqueue_indirect_dma source(%arg17 : memref<80x8xf32, #tpu.memory_space<vmem>>) target(%dma_start3A_609 : memref<10240x8xf32, #tpu.memory_space<vmem_shared>>) offsets(%dma_start3A_606 : memref<80xi32, #tpu.memory_space<vmem>>) semaphore(%arg24 : memref<!tpu.dma_semaphore, #tpu.memory_space<semaphore_mem>>) {add = true}
    }
    %scan3A_55 = arith.constant 99 : i32
    %min3A = arith.constant 499 : i32
    %min3A_56 = arith.constant 499 : i32
    %min3A_57 = arith.minsi %min3A, %min3A_56 : i32
    %dma_start3A_58 = arith.constant 0 : i32
    %dma_start3A_59 = tpu.memref_slice %arg9[%min3A_57, %dma_start3A_58] : memref<500x80xi32, #tpu.memory_space<vmem>> -> memref<1x80xi32, #tpu.memory_space<vmem>>
    %dma_start3A_60 = tpu.memref_squeeze %dma_start3A_59 : memref<1x80xi32, #tpu.memory_space<vmem>> -> memref<80xi32, #tpu.memory_space<vmem>>
    %dma_start3A_61 = arith.constant 0 : i32
    %dma_start3A_62 = arith.constant 0 : i32
    %dma_start3A_63 = tpu.memref_slice %arg2[%dma_start3A_61, %dma_start3A_62] : memref<40000x32xf32, #tpu.memory_space<hbm>> -> memref<40000x32xf32, #tpu.memory_space<hbm>>
    tpu.enqueue_indirect_dma source(%dma_start3A_63 : memref<40000x32xf32, #tpu.memory_space<hbm>>) target(%arg15 : memref<80x32xf32, #tpu.memory_space<vmem>>) offsets(%dma_start3A_60 : memref<80xi32, #tpu.memory_space<vmem>>) semaphore(%arg23 : memref<!tpu.dma_semaphore, #tpu.memory_space<semaphore_mem>>)
    %dma_wait3A = arith.constant 495 : i32
    %dma_wait3A_64 = arith.constant 0 : i32
    %dma_wait3A_65 = tpu.memref_slice %arg9[%dma_wait3A, %dma_wait3A_64] : memref<500x80xi32, #tpu.memory_space<vmem>> -> memref<1x80xi32, #tpu.memory_space<vmem>>
    %dma_wait3A_66 = tpu.memref_squeeze %dma_wait3A_65 : memref<1x80xi32, #tpu.memory_space<vmem>> -> memref<80xi32, #tpu.memory_space<vmem>>
    %dma_wait3A_67 = arith.constant 0 : i32
    %dma_wait3A_68 = arith.constant 0 : i32
    %dma_wait3A_69 = tpu.memref_slice %arg2[%dma_wait3A_67, %dma_wait3A_68] : memref<40000x32xf32, #tpu.memory_space<hbm>> -> memref<40000x32xf32, #tpu.memory_space<hbm>>
    tpu.wait_indirect_dma semaphore(%arg19 : memref<!tpu.dma_semaphore, #tpu.memory_space<semaphore_mem>>) src(%dma_wait3A_69 : memref<40000x32xf32, #tpu.memory_space<hbm>>) dst(%arg11 : memref<80x32xf32, #tpu.memory_space<vmem>>)
    %run_scoped3A_70 = arith.constant 495 : i32
    "tpu.region"() ({
      %run_scoped3A_423 = tpu.sem_alloc : memref<!tpu.dma_semaphore, #tpu.memory_space<semaphore_mem>>
      %dma_start3A_424 = arith.constant 0 : i32
      %dma_start3A_425 = tpu.memref_slice %arg10[%run_scoped3A_70, %dma_start3A_424] : memref<500x80xi32, #tpu.memory_space<vmem>> -> memref<1x80xi32, #tpu.memory_space<vmem>>
      %dma_start3A_426 = tpu.memref_squeeze %dma_start3A_425 : memref<1x80xi32, #tpu.memory_space<vmem>> -> memref<80xi32, #tpu.memory_space<vmem>>
      %dma_start3A_427 = arith.constant 0 : i32
      %dma_start3A_428 = arith.constant 0 : i32
      %dma_start3A_429 = tpu.memref_slice %arg25[%dma_start3A_427, %dma_start3A_428] : memref<10240x32xf32, #tpu.memory_space<vmem_shared>> -> memref<10240x32xf32, #tpu.memory_space<vmem_shared>>
      tpu.enqueue_indirect_dma source(%arg11 : memref<80x32xf32, #tpu.memory_space<vmem>>) target(%dma_start3A_429 : memref<10240x32xf32, #tpu.memory_space<vmem_shared>>) offsets(%dma_start3A_426 : memref<80xi32, #tpu.memory_space<vmem>>) semaphore(%run_scoped3A_423 : memref<!tpu.dma_semaphore, #tpu.memory_space<semaphore_mem>>) {add = true}
      %dma_wait3A_430 = arith.constant 0 : i32
      %dma_wait3A_431 = tpu.memref_slice %arg10[%run_scoped3A_70, %dma_wait3A_430] : memref<500x80xi32, #tpu.memory_space<vmem>> -> memref<1x80xi32, #tpu.memory_space<vmem>>
      %dma_wait3A_432 = tpu.memref_squeeze %dma_wait3A_431 : memref<1x80xi32, #tpu.memory_space<vmem>> -> memref<80xi32, #tpu.memory_space<vmem>>
      %dma_wait3A_433 = arith.constant 0 : i32
      %dma_wait3A_434 = arith.constant 0 : i32
      %dma_wait3A_435 = tpu.memref_slice %arg25[%dma_wait3A_433, %dma_wait3A_434] : memref<10240x32xf32, #tpu.memory_space<vmem_shared>> -> memref<10240x32xf32, #tpu.memory_space<vmem_shared>>
      tpu.wait_indirect_dma semaphore(%run_scoped3A_423 : memref<!tpu.dma_semaphore, #tpu.memory_space<semaphore_mem>>) src(%arg11 : memref<80x32xf32, #tpu.memory_space<vmem>>) dst(%dma_wait3A_435 : memref<10240x32xf32, #tpu.memory_space<vmem_shared>>)
      tpu.yield
    }) : () -> ()
    %dma_wait3A_71 = arith.constant 0 : i32
    %dma_wait3A_72 = arith.constant 0 : i32
    %dma_wait3A_73 = tpu.memref_slice %arg10[%dma_wait3A_71, %dma_wait3A_72] : memref<500x80xi32, #tpu.memory_space<vmem>> -> memref<1x80xi32, #tpu.memory_space<vmem>>
    %dma_wait3A_74 = tpu.memref_squeeze %dma_wait3A_73 : memref<1x80xi32, #tpu.memory_space<vmem>> -> memref<80xi32, #tpu.memory_space<vmem>>
    %dma_wait3A_75 = arith.constant 0 : i32
    %dma_wait3A_76 = arith.constant 0 : i32
    %dma_wait3A_77 = tpu.memref_slice %arg26[%dma_wait3A_75, %dma_wait3A_76] : memref<10240x8xf32, #tpu.memory_space<vmem_shared>> -> memref<10240x8xf32, #tpu.memory_space<vmem_shared>>
    tpu.wait_indirect_dma semaphore(%arg24 : memref<!tpu.dma_semaphore, #tpu.memory_space<semaphore_mem>>) src(%arg17 : memref<80x8xf32, #tpu.memory_space<vmem>>) dst(%dma_wait3A_77 : memref<10240x8xf32, #tpu.memory_space<vmem_shared>>)
    %min3A_78 = arith.constant 496 : i32
    %min3A_79 = arith.constant 499 : i32
    %min3A_80 = arith.minsi %min3A_78, %min3A_79 : i32
    %dma_start3A_81 = arith.constant 0 : i32
    %dma_start3A_82 = tpu.memref_slice %arg10[%min3A_80, %dma_start3A_81] : memref<500x80xi32, #tpu.memory_space<vmem>> -> memref<1x80xi32, #tpu.memory_space<vmem>>
    %dma_start3A_83 = tpu.memref_squeeze %dma_start3A_82 : memref<1x80xi32, #tpu.memory_space<vmem>> -> memref<80xi32, #tpu.memory_space<vmem>>
    %dma_start3A_84 = arith.constant 0 : i32
    %dma_start3A_85 = arith.constant 0 : i32
    %dma_start3A_86 = tpu.memref_slice %arg26[%dma_start3A_84, %dma_start3A_85] : memref<10240x8xf32, #tpu.memory_space<vmem_shared>> -> memref<10240x8xf32, #tpu.memory_space<vmem_shared>>
    tpu.enqueue_indirect_dma source(%arg17 : memref<80x8xf32, #tpu.memory_space<vmem>>) target(%dma_start3A_86 : memref<10240x8xf32, #tpu.memory_space<vmem_shared>>) offsets(%dma_start3A_83 : memref<80xi32, #tpu.memory_space<vmem>>) semaphore(%arg24 : memref<!tpu.dma_semaphore, #tpu.memory_space<semaphore_mem>>) {add = true}
    %min3A_87 = arith.constant 500 : i32
    %min3A_88 = arith.constant 499 : i32
    %min3A_89 = arith.minsi %min3A_87, %min3A_88 : i32
    %dma_start3A_90 = arith.constant 0 : i32
    %dma_start3A_91 = tpu.memref_slice %arg9[%min3A_89, %dma_start3A_90] : memref<500x80xi32, #tpu.memory_space<vmem>> -> memref<1x80xi32, #tpu.memory_space<vmem>>
    %dma_start3A_92 = tpu.memref_squeeze %dma_start3A_91 : memref<1x80xi32, #tpu.memory_space<vmem>> -> memref<80xi32, #tpu.memory_space<vmem>>
    %dma_start3A_93 = arith.constant 0 : i32
    %dma_start3A_94 = arith.constant 0 : i32
    %dma_start3A_95 = tpu.memref_slice %arg2[%dma_start3A_93, %dma_start3A_94] : memref<40000x32xf32, #tpu.memory_space<hbm>> -> memref<40000x32xf32, #tpu.memory_space<hbm>>
    tpu.enqueue_indirect_dma source(%dma_start3A_95 : memref<40000x32xf32, #tpu.memory_space<hbm>>) target(%arg11 : memref<80x32xf32, #tpu.memory_space<vmem>>) offsets(%dma_start3A_92 : memref<80xi32, #tpu.memory_space<vmem>>) semaphore(%arg19 : memref<!tpu.dma_semaphore, #tpu.memory_space<semaphore_mem>>)
    %dma_wait3A_96 = arith.constant 496 : i32
    %dma_wait3A_97 = arith.constant 0 : i32
    %dma_wait3A_98 = tpu.memref_slice %arg9[%dma_wait3A_96, %dma_wait3A_97] : memref<500x80xi32, #tpu.memory_space<vmem>> -> memref<1x80xi32, #tpu.memory_space<vmem>>
    %dma_wait3A_99 = tpu.memref_squeeze %dma_wait3A_98 : memref<1x80xi32, #tpu.memory_space<vmem>> -> memref<80xi32, #tpu.memory_space<vmem>>
    %dma_wait3A_100 = arith.constant 0 : i32
    %dma_wait3A_101 = arith.constant 0 : i32
    %dma_wait3A_102 = tpu.memref_slice %arg2[%dma_wait3A_100, %dma_wait3A_101] : memref<40000x32xf32, #tpu.memory_space<hbm>> -> memref<40000x32xf32, #tpu.memory_space<hbm>>
    tpu.wait_indirect_dma semaphore(%arg20 : memref<!tpu.dma_semaphore, #tpu.memory_space<semaphore_mem>>) src(%dma_wait3A_102 : memref<40000x32xf32, #tpu.memory_space<hbm>>) dst(%arg12 : memref<80x32xf32, #tpu.memory_space<vmem>>)
    %run_scoped3A_103 = arith.constant 496 : i32
    "tpu.region"() ({
      %run_scoped3A_423 = tpu.sem_alloc : memref<!tpu.dma_semaphore, #tpu.memory_space<semaphore_mem>>
      %dma_start3A_424 = arith.constant 0 : i32
      %dma_start3A_425 = tpu.memref_slice %arg10[%run_scoped3A_103, %dma_start3A_424] : memref<500x80xi32, #tpu.memory_space<vmem>> -> memref<1x80xi32, #tpu.memory_space<vmem>>
      %dma_start3A_426 = tpu.memref_squeeze %dma_start3A_425 : memref<1x80xi32, #tpu.memory_space<vmem>> -> memref<80xi32, #tpu.memory_space<vmem>>
      %dma_start3A_427 = arith.constant 0 : i32
      %dma_start3A_428 = arith.constant 0 : i32
      %dma_start3A_429 = tpu.memref_slice %arg25[%dma_start3A_427, %dma_start3A_428] : memref<10240x32xf32, #tpu.memory_space<vmem_shared>> -> memref<10240x32xf32, #tpu.memory_space<vmem_shared>>
      tpu.enqueue_indirect_dma source(%arg12 : memref<80x32xf32, #tpu.memory_space<vmem>>) target(%dma_start3A_429 : memref<10240x32xf32, #tpu.memory_space<vmem_shared>>) offsets(%dma_start3A_426 : memref<80xi32, #tpu.memory_space<vmem>>) semaphore(%run_scoped3A_423 : memref<!tpu.dma_semaphore, #tpu.memory_space<semaphore_mem>>) {add = true}
      %dma_wait3A_430 = arith.constant 0 : i32
      %dma_wait3A_431 = tpu.memref_slice %arg10[%run_scoped3A_103, %dma_wait3A_430] : memref<500x80xi32, #tpu.memory_space<vmem>> -> memref<1x80xi32, #tpu.memory_space<vmem>>
      %dma_wait3A_432 = tpu.memref_squeeze %dma_wait3A_431 : memref<1x80xi32, #tpu.memory_space<vmem>> -> memref<80xi32, #tpu.memory_space<vmem>>
      %dma_wait3A_433 = arith.constant 0 : i32
      %dma_wait3A_434 = arith.constant 0 : i32
      %dma_wait3A_435 = tpu.memref_slice %arg25[%dma_wait3A_433, %dma_wait3A_434] : memref<10240x32xf32, #tpu.memory_space<vmem_shared>> -> memref<10240x32xf32, #tpu.memory_space<vmem_shared>>
      tpu.wait_indirect_dma semaphore(%run_scoped3A_423 : memref<!tpu.dma_semaphore, #tpu.memory_space<semaphore_mem>>) src(%arg12 : memref<80x32xf32, #tpu.memory_space<vmem>>) dst(%dma_wait3A_435 : memref<10240x32xf32, #tpu.memory_space<vmem_shared>>)
      tpu.yield
    }) : () -> ()
    %dma_wait3A_104 = arith.constant 0 : i32
    %dma_wait3A_105 = arith.constant 0 : i32
    %dma_wait3A_106 = tpu.memref_slice %arg10[%dma_wait3A_104, %dma_wait3A_105] : memref<500x80xi32, #tpu.memory_space<vmem>> -> memref<1x80xi32, #tpu.memory_space<vmem>>
    %dma_wait3A_107 = tpu.memref_squeeze %dma_wait3A_106 : memref<1x80xi32, #tpu.memory_space<vmem>> -> memref<80xi32, #tpu.memory_space<vmem>>
    %dma_wait3A_108 = arith.constant 0 : i32
    %dma_wait3A_109 = arith.constant 0 : i32
    %dma_wait3A_110 = tpu.memref_slice %arg26[%dma_wait3A_108, %dma_wait3A_109] : memref<10240x8xf32, #tpu.memory_space<vmem_shared>> -> memref<10240x8xf32, #tpu.memory_space<vmem_shared>>
    tpu.wait_indirect_dma semaphore(%arg24 : memref<!tpu.dma_semaphore, #tpu.memory_space<semaphore_mem>>) src(%arg17 : memref<80x8xf32, #tpu.memory_space<vmem>>) dst(%dma_wait3A_110 : memref<10240x8xf32, #tpu.memory_space<vmem_shared>>)
    %min3A_111 = arith.constant 497 : i32
    %min3A_112 = arith.constant 499 : i32
    %min3A_113 = arith.minsi %min3A_111, %min3A_112 : i32
    %dma_start3A_114 = arith.constant 0 : i32
    %dma_start3A_115 = tpu.memref_slice %arg10[%min3A_113, %dma_start3A_114] : memref<500x80xi32, #tpu.memory_space<vmem>> -> memref<1x80xi32, #tpu.memory_space<vmem>>
    %dma_start3A_116 = tpu.memref_squeeze %dma_start3A_115 : memref<1x80xi32, #tpu.memory_space<vmem>> -> memref<80xi32, #tpu.memory_space<vmem>>
    %dma_start3A_117 = arith.constant 0 : i32
    %dma_start3A_118 = arith.constant 0 : i32
    %dma_start3A_119 = tpu.memref_slice %arg26[%dma_start3A_117, %dma_start3A_118] : memref<10240x8xf32, #tpu.memory_space<vmem_shared>> -> memref<10240x8xf32, #tpu.memory_space<vmem_shared>>
    tpu.enqueue_indirect_dma source(%arg17 : memref<80x8xf32, #tpu.memory_space<vmem>>) target(%dma_start3A_119 : memref<10240x8xf32, #tpu.memory_space<vmem_shared>>) offsets(%dma_start3A_116 : memref<80xi32, #tpu.memory_space<vmem>>) semaphore(%arg24 : memref<!tpu.dma_semaphore, #tpu.memory_space<semaphore_mem>>) {add = true}
    %min3A_120 = arith.constant 501 : i32
    %min3A_121 = arith.constant 499 : i32
    %min3A_122 = arith.minsi %min3A_120, %min3A_121 : i32
    %dma_start3A_123 = arith.constant 0 : i32
    %dma_start3A_124 = tpu.memref_slice %arg9[%min3A_122, %dma_start3A_123] : memref<500x80xi32, #tpu.memory_space<vmem>> -> memref<1x80xi32, #tpu.memory_space<vmem>>
    %dma_start3A_125 = tpu.memref_squeeze %dma_start3A_124 : memref<1x80xi32, #tpu.memory_space<vmem>> -> memref<80xi32, #tpu.memory_space<vmem>>
    %dma_start3A_126 = arith.constant 0 : i32
    %dma_start3A_127 = arith.constant 0 : i32
    %dma_start3A_128 = tpu.memref_slice %arg2[%dma_start3A_126, %dma_start3A_127] : memref<40000x32xf32, #tpu.memory_space<hbm>> -> memref<40000x32xf32, #tpu.memory_space<hbm>>
    tpu.enqueue_indirect_dma source(%dma_start3A_128 : memref<40000x32xf32, #tpu.memory_space<hbm>>) target(%arg12 : memref<80x32xf32, #tpu.memory_space<vmem>>) offsets(%dma_start3A_125 : memref<80xi32, #tpu.memory_space<vmem>>) semaphore(%arg20 : memref<!tpu.dma_semaphore, #tpu.memory_space<semaphore_mem>>)
    %dma_wait3A_129 = arith.constant 497 : i32
    %dma_wait3A_130 = arith.constant 0 : i32
    %dma_wait3A_131 = tpu.memref_slice %arg9[%dma_wait3A_129, %dma_wait3A_130] : memref<500x80xi32, #tpu.memory_space<vmem>> -> memref<1x80xi32, #tpu.memory_space<vmem>>
    %dma_wait3A_132 = tpu.memref_squeeze %dma_wait3A_131 : memref<1x80xi32, #tpu.memory_space<vmem>> -> memref<80xi32, #tpu.memory_space<vmem>>
    %dma_wait3A_133 = arith.constant 0 : i32
    %dma_wait3A_134 = arith.constant 0 : i32
    %dma_wait3A_135 = tpu.memref_slice %arg2[%dma_wait3A_133, %dma_wait3A_134] : memref<40000x32xf32, #tpu.memory_space<hbm>> -> memref<40000x32xf32, #tpu.memory_space<hbm>>
    tpu.wait_indirect_dma semaphore(%arg21 : memref<!tpu.dma_semaphore, #tpu.memory_space<semaphore_mem>>) src(%dma_wait3A_135 : memref<40000x32xf32, #tpu.memory_space<hbm>>) dst(%arg13 : memref<80x32xf32, #tpu.memory_space<vmem>>)
    %run_scoped3A_136 = arith.constant 497 : i32
    "tpu.region"() ({
      %run_scoped3A_423 = tpu.sem_alloc : memref<!tpu.dma_semaphore, #tpu.memory_space<semaphore_mem>>
      %dma_start3A_424 = arith.constant 0 : i32
      %dma_start3A_425 = tpu.memref_slice %arg10[%run_scoped3A_136, %dma_start3A_424] : memref<500x80xi32, #tpu.memory_space<vmem>> -> memref<1x80xi32, #tpu.memory_space<vmem>>
      %dma_start3A_426 = tpu.memref_squeeze %dma_start3A_425 : memref<1x80xi32, #tpu.memory_space<vmem>> -> memref<80xi32, #tpu.memory_space<vmem>>
      %dma_start3A_427 = arith.constant 0 : i32
      %dma_start3A_428 = arith.constant 0 : i32
      %dma_start3A_429 = tpu.memref_slice %arg25[%dma_start3A_427, %dma_start3A_428] : memref<10240x32xf32, #tpu.memory_space<vmem_shared>> -> memref<10240x32xf32, #tpu.memory_space<vmem_shared>>
      tpu.enqueue_indirect_dma source(%arg13 : memref<80x32xf32, #tpu.memory_space<vmem>>) target(%dma_start3A_429 : memref<10240x32xf32, #tpu.memory_space<vmem_shared>>) offsets(%dma_start3A_426 : memref<80xi32, #tpu.memory_space<vmem>>) semaphore(%run_scoped3A_423 : memref<!tpu.dma_semaphore, #tpu.memory_space<semaphore_mem>>) {add = true}
      %dma_wait3A_430 = arith.constant 0 : i32
      %dma_wait3A_431 = tpu.memref_slice %arg10[%run_scoped3A_136, %dma_wait3A_430] : memref<500x80xi32, #tpu.memory_space<vmem>> -> memref<1x80xi32, #tpu.memory_space<vmem>>
      %dma_wait3A_432 = tpu.memref_squeeze %dma_wait3A_431 : memref<1x80xi32, #tpu.memory_space<vmem>> -> memref<80xi32, #tpu.memory_space<vmem>>
      %dma_wait3A_433 = arith.constant 0 : i32
      %dma_wait3A_434 = arith.constant 0 : i32
      %dma_wait3A_435 = tpu.memref_slice %arg25[%dma_wait3A_433, %dma_wait3A_434] : memref<10240x32xf32, #tpu.memory_space<vmem_shared>> -> memref<10240x32xf32, #tpu.memory_space<vmem_shared>>
      tpu.wait_indirect_dma semaphore(%run_scoped3A_423 : memref<!tpu.dma_semaphore, #tpu.memory_space<semaphore_mem>>) src(%arg13 : memref<80x32xf32, #tpu.memory_space<vmem>>) dst(%dma_wait3A_435 : memref<10240x32xf32, #tpu.memory_space<vmem_shared>>)
      tpu.yield
    }) : () -> ()
    %dma_wait3A_137 = arith.constant 0 : i32
    %dma_wait3A_138 = arith.constant 0 : i32
    %dma_wait3A_139 = tpu.memref_slice %arg10[%dma_wait3A_137, %dma_wait3A_138] : memref<500x80xi32, #tpu.memory_space<vmem>> -> memref<1x80xi32, #tpu.memory_space<vmem>>
    %dma_wait3A_140 = tpu.memref_squeeze %dma_wait3A_139 : memref<1x80xi32, #tpu.memory_space<vmem>> -> memref<80xi32, #tpu.memory_space<vmem>>
    %dma_wait3A_141 = arith.constant 0 : i32
    %dma_wait3A_142 = arith.constant 0 : i32
    %dma_wait3A_143 = tpu.memref_slice %arg26[%dma_wait3A_141, %dma_wait3A_142] : memref<10240x8xf32, #tpu.memory_space<vmem_shared>> -> memref<10240x8xf32, #tpu.memory_space<vmem_shared>>
    tpu.wait_indirect_dma semaphore(%arg24 : memref<!tpu.dma_semaphore, #tpu.memory_space<semaphore_mem>>) src(%arg17 : memref<80x8xf32, #tpu.memory_space<vmem>>) dst(%dma_wait3A_143 : memref<10240x8xf32, #tpu.memory_space<vmem_shared>>)
    %min3A_144 = arith.constant 498 : i32
    %min3A_145 = arith.constant 499 : i32
    %min3A_146 = arith.minsi %min3A_144, %min3A_145 : i32
    %dma_start3A_147 = arith.constant 0 : i32
    %dma_start3A_148 = tpu.memref_slice %arg10[%min3A_146, %dma_start3A_147] : memref<500x80xi32, #tpu.memory_space<vmem>> -> memref<1x80xi32, #tpu.memory_space<vmem>>
    %dma_start3A_149 = tpu.memref_squeeze %dma_start3A_148 : memref<1x80xi32, #tpu.memory_space<vmem>> -> memref<80xi32, #tpu.memory_space<vmem>>
    %dma_start3A_150 = arith.constant 0 : i32
    %dma_start3A_151 = arith.constant 0 : i32
    %dma_start3A_152 = tpu.memref_slice %arg26[%dma_start3A_150, %dma_start3A_151] : memref<10240x8xf32, #tpu.memory_space<vmem_shared>> -> memref<10240x8xf32, #tpu.memory_space<vmem_shared>>
    tpu.enqueue_indirect_dma source(%arg17 : memref<80x8xf32, #tpu.memory_space<vmem>>) target(%dma_start3A_152 : memref<10240x8xf32, #tpu.memory_space<vmem_shared>>) offsets(%dma_start3A_149 : memref<80xi32, #tpu.memory_space<vmem>>) semaphore(%arg24 : memref<!tpu.dma_semaphore, #tpu.memory_space<semaphore_mem>>) {add = true}
    %min3A_153 = arith.constant 502 : i32
    %min3A_154 = arith.constant 499 : i32
    %min3A_155 = arith.minsi %min3A_153, %min3A_154 : i32
    %dma_start3A_156 = arith.constant 0 : i32
    %dma_start3A_157 = tpu.memref_slice %arg9[%min3A_155, %dma_start3A_156] : memref<500x80xi32, #tpu.memory_space<vmem>> -> memref<1x80xi32, #tpu.memory_space<vmem>>
    %dma_start3A_158 = tpu.memref_squeeze %dma_start3A_157 : memref<1x80xi32, #tpu.memory_space<vmem>> -> memref<80xi32, #tpu.memory_space<vmem>>
    %dma_start3A_159 = arith.constant 0 : i32
    %dma_start3A_160 = arith.constant 0 : i32
    %dma_start3A_161 = tpu.memref_slice %arg2[%dma_start3A_159, %dma_start3A_160] : memref<40000x32xf32, #tpu.memory_space<hbm>> -> memref<40000x32xf32, #tpu.memory_space<hbm>>
    tpu.enqueue_indirect_dma source(%dma_start3A_161 : memref<40000x32xf32, #tpu.memory_space<hbm>>) target(%arg13 : memref<80x32xf32, #tpu.memory_space<vmem>>) offsets(%dma_start3A_158 : memref<80xi32, #tpu.memory_space<vmem>>) semaphore(%arg21 : memref<!tpu.dma_semaphore, #tpu.memory_space<semaphore_mem>>)
    %dma_wait3A_162 = arith.constant 498 : i32
    %dma_wait3A_163 = arith.constant 0 : i32
    %dma_wait3A_164 = tpu.memref_slice %arg9[%dma_wait3A_162, %dma_wait3A_163] : memref<500x80xi32, #tpu.memory_space<vmem>> -> memref<1x80xi32, #tpu.memory_space<vmem>>
    %dma_wait3A_165 = tpu.memref_squeeze %dma_wait3A_164 : memref<1x80xi32, #tpu.memory_space<vmem>> -> memref<80xi32, #tpu.memory_space<vmem>>
    %dma_wait3A_166 = arith.constant 0 : i32
    %dma_wait3A_167 = arith.constant 0 : i32
    %dma_wait3A_168 = tpu.memref_slice %arg2[%dma_wait3A_166, %dma_wait3A_167] : memref<40000x32xf32, #tpu.memory_space<hbm>> -> memref<40000x32xf32, #tpu.memory_space<hbm>>
    tpu.wait_indirect_dma semaphore(%arg22 : memref<!tpu.dma_semaphore, #tpu.memory_space<semaphore_mem>>) src(%dma_wait3A_168 : memref<40000x32xf32, #tpu.memory_space<hbm>>) dst(%arg14 : memref<80x32xf32, #tpu.memory_space<vmem>>)
    %run_scoped3A_169 = arith.constant 498 : i32
    "tpu.region"() ({
      %run_scoped3A_423 = tpu.sem_alloc : memref<!tpu.dma_semaphore, #tpu.memory_space<semaphore_mem>>
      %dma_start3A_424 = arith.constant 0 : i32
      %dma_start3A_425 = tpu.memref_slice %arg10[%run_scoped3A_169, %dma_start3A_424] : memref<500x80xi32, #tpu.memory_space<vmem>> -> memref<1x80xi32, #tpu.memory_space<vmem>>
      %dma_start3A_426 = tpu.memref_squeeze %dma_start3A_425 : memref<1x80xi32, #tpu.memory_space<vmem>> -> memref<80xi32, #tpu.memory_space<vmem>>
      %dma_start3A_427 = arith.constant 0 : i32
      %dma_start3A_428 = arith.constant 0 : i32
      %dma_start3A_429 = tpu.memref_slice %arg25[%dma_start3A_427, %dma_start3A_428] : memref<10240x32xf32, #tpu.memory_space<vmem_shared>> -> memref<10240x32xf32, #tpu.memory_space<vmem_shared>>
      tpu.enqueue_indirect_dma source(%arg14 : memref<80x32xf32, #tpu.memory_space<vmem>>) target(%dma_start3A_429 : memref<10240x32xf32, #tpu.memory_space<vmem_shared>>) offsets(%dma_start3A_426 : memref<80xi32, #tpu.memory_space<vmem>>) semaphore(%run_scoped3A_423 : memref<!tpu.dma_semaphore, #tpu.memory_space<semaphore_mem>>) {add = true}
      %dma_wait3A_430 = arith.constant 0 : i32
      %dma_wait3A_431 = tpu.memref_slice %arg10[%run_scoped3A_169, %dma_wait3A_430] : memref<500x80xi32, #tpu.memory_space<vmem>> -> memref<1x80xi32, #tpu.memory_space<vmem>>
      %dma_wait3A_432 = tpu.memref_squeeze %dma_wait3A_431 : memref<1x80xi32, #tpu.memory_space<vmem>> -> memref<80xi32, #tpu.memory_space<vmem>>
      %dma_wait3A_433 = arith.constant 0 : i32
      %dma_wait3A_434 = arith.constant 0 : i32
      %dma_wait3A_435 = tpu.memref_slice %arg25[%dma_wait3A_433, %dma_wait3A_434] : memref<10240x32xf32, #tpu.memory_space<vmem_shared>> -> memref<10240x32xf32, #tpu.memory_space<vmem_shared>>
      tpu.wait_indirect_dma semaphore(%run_scoped3A_423 : memref<!tpu.dma_semaphore, #tpu.memory_space<semaphore_mem>>) src(%arg14 : memref<80x32xf32, #tpu.memory_space<vmem>>) dst(%dma_wait3A_435 : memref<10240x32xf32, #tpu.memory_space<vmem_shared>>)
      tpu.yield
    }) : () -> ()
    %dma_wait3A_170 = arith.constant 0 : i32
    %dma_wait3A_171 = arith.constant 0 : i32
    %dma_wait3A_172 = tpu.memref_slice %arg10[%dma_wait3A_170, %dma_wait3A_171] : memref<500x80xi32, #tpu.memory_space<vmem>> -> memref<1x80xi32, #tpu.memory_space<vmem>>
    %dma_wait3A_173 = tpu.memref_squeeze %dma_wait3A_172 : memref<1x80xi32, #tpu.memory_space<vmem>> -> memref<80xi32, #tpu.memory_space<vmem>>
    %dma_wait3A_174 = arith.constant 0 : i32
    %dma_wait3A_175 = arith.constant 0 : i32
    %dma_wait3A_176 = tpu.memref_slice %arg26[%dma_wait3A_174, %dma_wait3A_175] : memref<10240x8xf32, #tpu.memory_space<vmem_shared>> -> memref<10240x8xf32, #tpu.memory_space<vmem_shared>>
    tpu.wait_indirect_dma semaphore(%arg24 : memref<!tpu.dma_semaphore, #tpu.memory_space<semaphore_mem>>) src(%arg17 : memref<80x8xf32, #tpu.memory_space<vmem>>) dst(%dma_wait3A_176 : memref<10240x8xf32, #tpu.memory_space<vmem_shared>>)
    %min3A_177 = arith.constant 499 : i32
    %min3A_178 = arith.constant 499 : i32
    %min3A_179 = arith.minsi %min3A_177, %min3A_178 : i32
    %dma_start3A_180 = arith.constant 0 : i32
    %dma_start3A_181 = tpu.memref_slice %arg10[%min3A_179, %dma_start3A_180] : memref<500x80xi32, #tpu.memory_space<vmem>> -> memref<1x80xi32, #tpu.memory_space<vmem>>
    %dma_start3A_182 = tpu.memref_squeeze %dma_start3A_181 : memref<1x80xi32, #tpu.memory_space<vmem>> -> memref<80xi32, #tpu.memory_space<vmem>>
    %dma_start3A_183 = arith.constant 0 : i32
    %dma_start3A_184 = arith.constant 0 : i32
    %dma_start3A_185 = tpu.memref_slice %arg26[%dma_start3A_183, %dma_start3A_184] : memref<10240x8xf32, #tpu.memory_space<vmem_shared>> -> memref<10240x8xf32, #tpu.memory_space<vmem_shared>>
    tpu.enqueue_indirect_dma source(%arg17 : memref<80x8xf32, #tpu.memory_space<vmem>>) target(%dma_start3A_185 : memref<10240x8xf32, #tpu.memory_space<vmem_shared>>) offsets(%dma_start3A_182 : memref<80xi32, #tpu.memory_space<vmem>>) semaphore(%arg24 : memref<!tpu.dma_semaphore, #tpu.memory_space<semaphore_mem>>) {add = true}
    %min3A_186 = arith.constant 503 : i32
    %min3A_187 = arith.constant 499 : i32
    %min3A_188 = arith.minsi %min3A_186, %min3A_187 : i32
    %dma_start3A_189 = arith.constant 0 : i32
    %dma_start3A_190 = tpu.memref_slice %arg9[%min3A_188, %dma_start3A_189] : memref<500x80xi32, #tpu.memory_space<vmem>> -> memref<1x80xi32, #tpu.memory_space<vmem>>
    %dma_start3A_191 = tpu.memref_squeeze %dma_start3A_190 : memref<1x80xi32, #tpu.memory_space<vmem>> -> memref<80xi32, #tpu.memory_space<vmem>>
    %dma_start3A_192 = arith.constant 0 : i32
    %dma_start3A_193 = arith.constant 0 : i32
    %dma_start3A_194 = tpu.memref_slice %arg2[%dma_start3A_192, %dma_start3A_193] : memref<40000x32xf32, #tpu.memory_space<hbm>> -> memref<40000x32xf32, #tpu.memory_space<hbm>>
    tpu.enqueue_indirect_dma source(%dma_start3A_194 : memref<40000x32xf32, #tpu.memory_space<hbm>>) target(%arg14 : memref<80x32xf32, #tpu.memory_space<vmem>>) offsets(%dma_start3A_191 : memref<80xi32, #tpu.memory_space<vmem>>) semaphore(%arg22 : memref<!tpu.dma_semaphore, #tpu.memory_space<semaphore_mem>>)
    %dma_wait3A_195 = arith.constant 499 : i32
    %dma_wait3A_196 = arith.constant 0 : i32
    %dma_wait3A_197 = tpu.memref_slice %arg9[%dma_wait3A_195, %dma_wait3A_196] : memref<500x80xi32, #tpu.memory_space<vmem>> -> memref<1x80xi32, #tpu.memory_space<vmem>>
    %dma_wait3A_198 = tpu.memref_squeeze %dma_wait3A_197 : memref<1x80xi32, #tpu.memory_space<vmem>> -> memref<80xi32, #tpu.memory_space<vmem>>
    %dma_wait3A_199 = arith.constant 0 : i32
    %dma_wait3A_200 = arith.constant 0 : i32
    %dma_wait3A_201 = tpu.memref_slice %arg2[%dma_wait3A_199, %dma_wait3A_200] : memref<40000x32xf32, #tpu.memory_space<hbm>> -> memref<40000x32xf32, #tpu.memory_space<hbm>>
    tpu.wait_indirect_dma semaphore(%arg23 : memref<!tpu.dma_semaphore, #tpu.memory_space<semaphore_mem>>) src(%dma_wait3A_201 : memref<40000x32xf32, #tpu.memory_space<hbm>>) dst(%arg15 : memref<80x32xf32, #tpu.memory_space<vmem>>)
    %run_scoped3A_202 = arith.constant 499 : i32
    "tpu.region"() ({
      %run_scoped3A_423 = tpu.sem_alloc : memref<!tpu.dma_semaphore, #tpu.memory_space<semaphore_mem>>
      %dma_start3A_424 = arith.constant 0 : i32
      %dma_start3A_425 = tpu.memref_slice %arg10[%run_scoped3A_202, %dma_start3A_424] : memref<500x80xi32, #tpu.memory_space<vmem>> -> memref<1x80xi32, #tpu.memory_space<vmem>>
      %dma_start3A_426 = tpu.memref_squeeze %dma_start3A_425 : memref<1x80xi32, #tpu.memory_space<vmem>> -> memref<80xi32, #tpu.memory_space<vmem>>
      %dma_start3A_427 = arith.constant 0 : i32
      %dma_start3A_428 = arith.constant 0 : i32
      %dma_start3A_429 = tpu.memref_slice %arg25[%dma_start3A_427, %dma_start3A_428] : memref<10240x32xf32, #tpu.memory_space<vmem_shared>> -> memref<10240x32xf32, #tpu.memory_space<vmem_shared>>
      tpu.enqueue_indirect_dma source(%arg15 : memref<80x32xf32, #tpu.memory_space<vmem>>) target(%dma_start3A_429 : memref<10240x32xf32, #tpu.memory_space<vmem_shared>>) offsets(%dma_start3A_426 : memref<80xi32, #tpu.memory_space<vmem>>) semaphore(%run_scoped3A_423 : memref<!tpu.dma_semaphore, #tpu.memory_space<semaphore_mem>>) {add = true}
      %dma_wait3A_430 = arith.constant 0 : i32
      %dma_wait3A_431 = tpu.memref_slice %arg10[%run_scoped3A_202, %dma_wait3A_430] : memref<500x80xi32, #tpu.memory_space<vmem>> -> memref<1x80xi32, #tpu.memory_space<vmem>>
      %dma_wait3A_432 = tpu.memref_squeeze %dma_wait3A_431 : memref<1x80xi32, #tpu.memory_space<vmem>> -> memref<80xi32, #tpu.memory_space<vmem>>
      %dma_wait3A_433 = arith.constant 0 : i32
      %dma_wait3A_434 = arith.constant 0 : i32
      %dma_wait3A_435 = tpu.memref_slice %arg25[%dma_wait3A_433, %dma_wait3A_434] : memref<10240x32xf32, #tpu.memory_space<vmem_shared>> -> memref<10240x32xf32, #tpu.memory_space<vmem_shared>>
      tpu.wait_indirect_dma semaphore(%run_scoped3A_423 : memref<!tpu.dma_semaphore, #tpu.memory_space<semaphore_mem>>) src(%arg15 : memref<80x32xf32, #tpu.memory_space<vmem>>) dst(%dma_wait3A_435 : memref<10240x32xf32, #tpu.memory_space<vmem_shared>>)
      tpu.yield
    }) : () -> ()
    %dma_wait3A_203 = arith.constant 0 : i32
    %dma_wait3A_204 = arith.constant 0 : i32
    %dma_wait3A_205 = tpu.memref_slice %arg10[%dma_wait3A_203, %dma_wait3A_204] : memref<500x80xi32, #tpu.memory_space<vmem>> -> memref<1x80xi32, #tpu.memory_space<vmem>>
    %dma_wait3A_206 = tpu.memref_squeeze %dma_wait3A_205 : memref<1x80xi32, #tpu.memory_space<vmem>> -> memref<80xi32, #tpu.memory_space<vmem>>
    %dma_wait3A_207 = arith.constant 0 : i32
    %dma_wait3A_208 = arith.constant 0 : i32
    %dma_wait3A_209 = tpu.memref_slice %arg26[%dma_wait3A_207, %dma_wait3A_208] : memref<10240x8xf32, #tpu.memory_space<vmem_shared>> -> memref<10240x8xf32, #tpu.memory_space<vmem_shared>>
    tpu.wait_indirect_dma semaphore(%arg24 : memref<!tpu.dma_semaphore, #tpu.memory_space<semaphore_mem>>) src(%arg17 : memref<80x8xf32, #tpu.memory_space<vmem>>) dst(%dma_wait3A_209 : memref<10240x8xf32, #tpu.memory_space<vmem_shared>>)
    %min3A_210 = arith.constant 500 : i32
    %min3A_211 = arith.constant 499 : i32
    %min3A_212 = arith.minsi %min3A_210, %min3A_211 : i32
    %dma_start3A_213 = arith.constant 0 : i32
    %dma_start3A_214 = tpu.memref_slice %arg10[%min3A_212, %dma_start3A_213] : memref<500x80xi32, #tpu.memory_space<vmem>> -> memref<1x80xi32, #tpu.memory_space<vmem>>
    %dma_start3A_215 = tpu.memref_squeeze %dma_start3A_214 : memref<1x80xi32, #tpu.memory_space<vmem>> -> memref<80xi32, #tpu.memory_space<vmem>>
    %dma_start3A_216 = arith.constant 0 : i32
    %dma_start3A_217 = arith.constant 0 : i32
    %dma_start3A_218 = tpu.memref_slice %arg26[%dma_start3A_216, %dma_start3A_217] : memref<10240x8xf32, #tpu.memory_space<vmem_shared>> -> memref<10240x8xf32, #tpu.memory_space<vmem_shared>>
    tpu.enqueue_indirect_dma source(%arg18 : memref<80x8xf32, #tpu.memory_space<vmem>>) target(%dma_start3A_218 : memref<10240x8xf32, #tpu.memory_space<vmem_shared>>) offsets(%dma_start3A_215 : memref<80xi32, #tpu.memory_space<vmem>>) semaphore(%arg24 : memref<!tpu.dma_semaphore, #tpu.memory_space<semaphore_mem>>) {add = true}
    %dma_wait3A_219 = arith.constant 0 : i32
    %dma_wait3A_220 = arith.constant 0 : i32
    %dma_wait3A_221 = tpu.memref_slice %arg9[%dma_wait3A_219, %dma_wait3A_220] : memref<500x80xi32, #tpu.memory_space<vmem>> -> memref<1x80xi32, #tpu.memory_space<vmem>>
    %dma_wait3A_222 = tpu.memref_squeeze %dma_wait3A_221 : memref<1x80xi32, #tpu.memory_space<vmem>> -> memref<80xi32, #tpu.memory_space<vmem>>
    %dma_wait3A_223 = arith.constant 0 : i32
    %dma_wait3A_224 = arith.constant 0 : i32
    %dma_wait3A_225 = tpu.memref_slice %arg2[%dma_wait3A_223, %dma_wait3A_224] : memref<40000x32xf32, #tpu.memory_space<hbm>> -> memref<40000x32xf32, #tpu.memory_space<hbm>>
    tpu.wait_indirect_dma semaphore(%arg19 : memref<!tpu.dma_semaphore, #tpu.memory_space<semaphore_mem>>) src(%dma_wait3A_225 : memref<40000x32xf32, #tpu.memory_space<hbm>>) dst(%arg11 : memref<80x32xf32, #tpu.memory_space<vmem>>)
    %dma_wait3A_226 = arith.constant 0 : i32
    %dma_wait3A_227 = arith.constant 0 : i32
    %dma_wait3A_228 = tpu.memref_slice %arg9[%dma_wait3A_226, %dma_wait3A_227] : memref<500x80xi32, #tpu.memory_space<vmem>> -> memref<1x80xi32, #tpu.memory_space<vmem>>
    %dma_wait3A_229 = tpu.memref_squeeze %dma_wait3A_228 : memref<1x80xi32, #tpu.memory_space<vmem>> -> memref<80xi32, #tpu.memory_space<vmem>>
    %dma_wait3A_230 = arith.constant 0 : i32
    %dma_wait3A_231 = arith.constant 0 : i32
    %dma_wait3A_232 = tpu.memref_slice %arg2[%dma_wait3A_230, %dma_wait3A_231] : memref<40000x32xf32, #tpu.memory_space<hbm>> -> memref<40000x32xf32, #tpu.memory_space<hbm>>
    tpu.wait_indirect_dma semaphore(%arg20 : memref<!tpu.dma_semaphore, #tpu.memory_space<semaphore_mem>>) src(%dma_wait3A_232 : memref<40000x32xf32, #tpu.memory_space<hbm>>) dst(%arg12 : memref<80x32xf32, #tpu.memory_space<vmem>>)
    %dma_wait3A_233 = arith.constant 0 : i32
    %dma_wait3A_234 = arith.constant 0 : i32
    %dma_wait3A_235 = tpu.memref_slice %arg9[%dma_wait3A_233, %dma_wait3A_234] : memref<500x80xi32, #tpu.memory_space<vmem>> -> memref<1x80xi32, #tpu.memory_space<vmem>>
    %dma_wait3A_236 = tpu.memref_squeeze %dma_wait3A_235 : memref<1x80xi32, #tpu.memory_space<vmem>> -> memref<80xi32, #tpu.memory_space<vmem>>
    %dma_wait3A_237 = arith.constant 0 : i32
    %dma_wait3A_238 = arith.constant 0 : i32
    %dma_wait3A_239 = tpu.memref_slice %arg2[%dma_wait3A_237, %dma_wait3A_238] : memref<40000x32xf32, #tpu.memory_space<hbm>> -> memref<40000x32xf32, #tpu.memory_space<hbm>>
    tpu.wait_indirect_dma semaphore(%arg21 : memref<!tpu.dma_semaphore, #tpu.memory_space<semaphore_mem>>) src(%dma_wait3A_239 : memref<40000x32xf32, #tpu.memory_space<hbm>>) dst(%arg13 : memref<80x32xf32, #tpu.memory_space<vmem>>)
    %dma_wait3A_240 = arith.constant 0 : i32
    %dma_wait3A_241 = arith.constant 0 : i32
    %dma_wait3A_242 = tpu.memref_slice %arg9[%dma_wait3A_240, %dma_wait3A_241] : memref<500x80xi32, #tpu.memory_space<vmem>> -> memref<1x80xi32, #tpu.memory_space<vmem>>
    %dma_wait3A_243 = tpu.memref_squeeze %dma_wait3A_242 : memref<1x80xi32, #tpu.memory_space<vmem>> -> memref<80xi32, #tpu.memory_space<vmem>>
    %dma_wait3A_244 = arith.constant 0 : i32
    %dma_wait3A_245 = arith.constant 0 : i32
    %dma_wait3A_246 = tpu.memref_slice %arg2[%dma_wait3A_244, %dma_wait3A_245] : memref<40000x32xf32, #tpu.memory_space<hbm>> -> memref<40000x32xf32, #tpu.memory_space<hbm>>
    tpu.wait_indirect_dma semaphore(%arg22 : memref<!tpu.dma_semaphore, #tpu.memory_space<semaphore_mem>>) src(%dma_wait3A_246 : memref<40000x32xf32, #tpu.memory_space<hbm>>) dst(%arg14 : memref<80x32xf32, #tpu.memory_space<vmem>>)
    %dma_wait3A_247 = arith.constant 0 : i32
    %dma_wait3A_248 = arith.constant 0 : i32
    %dma_wait3A_249 = tpu.memref_slice %arg10[%dma_wait3A_247, %dma_wait3A_248] : memref<500x80xi32, #tpu.memory_space<vmem>> -> memref<1x80xi32, #tpu.memory_space<vmem>>
    %dma_wait3A_250 = tpu.memref_squeeze %dma_wait3A_249 : memref<1x80xi32, #tpu.memory_space<vmem>> -> memref<80xi32, #tpu.memory_space<vmem>>
    %dma_wait3A_251 = arith.constant 0 : i32
    %dma_wait3A_252 = arith.constant 0 : i32
    %dma_wait3A_253 = tpu.memref_slice %arg26[%dma_wait3A_251, %dma_wait3A_252] : memref<10240x8xf32, #tpu.memory_space<vmem_shared>> -> memref<10240x8xf32, #tpu.memory_space<vmem_shared>>
    tpu.wait_indirect_dma semaphore(%arg24 : memref<!tpu.dma_semaphore, #tpu.memory_space<semaphore_mem>>) src(%arg17 : memref<80x8xf32, #tpu.memory_space<vmem>>) dst(%dma_wait3A_253 : memref<10240x8xf32, #tpu.memory_space<vmem_shared>>)
    %barrier3A_254 = arith.constant 0 : index
    tpu.barrier barrier_id(%barrier3A_254)
    %mul3A_255 = arith.constant 2 : i32
    %mul3A_256 = arith.muli %arg0, %mul3A_255 : i32
    %add3A_257 = arith.constant 0 : i32
    %add3A_258 = arith.addi %mul3A_256, %add3A_257 : i32
    "tpu.region"() ({
      %run_scoped3A_423 = tpu.sem_alloc : memref<!tpu.dma_semaphore, #tpu.memory_space<semaphore_mem>>
      %dma_start3A_424 = arith.constant 0 : i32
      %dma_start3A_425 = tpu.memref_slice %arg7[%add3A_258, %mul3A_6, %dma_start3A_424] : memref<4x10240x32xf32, #tpu.memory_space<hbm>> -> memref<1x640x32xf32, #tpu.memory_space<hbm>>
      %dma_start3A_426 = tpu.memref_squeeze %dma_start3A_425 : memref<1x640x32xf32, #tpu.memory_space<hbm>> -> memref<640x32xf32, #tpu.memory_space<hbm>>
      %dma_start3A_427 = arith.constant 0 : i32
      %dma_start3A_428 = tpu.memref_slice %arg25[%mul3A_6, %dma_start3A_427] : memref<10240x32xf32, #tpu.memory_space<vmem_shared>> -> memref<640x32xf32, #tpu.memory_space<vmem_shared>>
      tpu.enqueue_dma source(%dma_start3A_428 : memref<640x32xf32, #tpu.memory_space<vmem_shared>>) target(%dma_start3A_426 : memref<640x32xf32, #tpu.memory_space<hbm>>) target_semaphore(%run_scoped3A_423 : memref<!tpu.dma_semaphore, #tpu.memory_space<semaphore_mem>>)
      %dma_wait3A_429 = arith.constant 0 : i32
      %dma_wait3A_430 = tpu.memref_slice %arg7[%add3A_258, %mul3A_6, %dma_wait3A_429] : memref<4x10240x32xf32, #tpu.memory_space<hbm>> -> memref<1x640x32xf32, #tpu.memory_space<hbm>>
      %dma_wait3A_431 = tpu.memref_squeeze %dma_wait3A_430 : memref<1x640x32xf32, #tpu.memory_space<hbm>> -> memref<640x32xf32, #tpu.memory_space<hbm>>
      %dma_wait3A_432 = arith.constant 0 : i32
      %dma_wait3A_433 = tpu.memref_slice %arg25[%mul3A_6, %dma_wait3A_432] : memref<10240x32xf32, #tpu.memory_space<vmem_shared>> -> memref<640x32xf32, #tpu.memory_space<vmem_shared>>
      tpu.wait_dma2 semaphore(%run_scoped3A_423 : memref<!tpu.dma_semaphore, #tpu.memory_space<semaphore_mem>>) src(%dma_wait3A_433 : memref<640x32xf32, #tpu.memory_space<vmem_shared>>) dst(%dma_wait3A_431 : memref<640x32xf32, #tpu.memory_space<hbm>>)
      tpu.yield
    }) : () -> ()
    "tpu.region"() ({
      %run_scoped3A_423 = tpu.sem_alloc : memref<!tpu.dma_semaphore, #tpu.memory_space<semaphore_mem>>
      %dma_start3A_424 = arith.constant 0 : i32
      %dma_start3A_425 = tpu.memref_slice %arg8[%arg0, %mul3A_6, %dma_start3A_424] : memref<2x10240x8xf32, #tpu.memory_space<hbm>> -> memref<1x640x8xf32, #tpu.memory_space<hbm>>
      %dma_start3A_426 = tpu.memref_squeeze %dma_start3A_425 : memref<1x640x8xf32, #tpu.memory_space<hbm>> -> memref<640x8xf32, #tpu.memory_space<hbm>>
      %dma_start3A_427 = arith.constant 0 : i32
      %dma_start3A_428 = tpu.memref_slice %arg26[%mul3A_6, %dma_start3A_427] : memref<10240x8xf32, #tpu.memory_space<vmem_shared>> -> memref<640x8xf32, #tpu.memory_space<vmem_shared>>
      tpu.enqueue_dma source(%dma_start3A_428 : memref<640x8xf32, #tpu.memory_space<vmem_shared>>) target(%dma_start3A_426 : memref<640x8xf32, #tpu.memory_space<hbm>>) target_semaphore(%run_scoped3A_423 : memref<!tpu.dma_semaphore, #tpu.memory_space<semaphore_mem>>)
      %dma_wait3A_429 = arith.constant 0 : i32
      %dma_wait3A_430 = tpu.memref_slice %arg8[%arg0, %mul3A_6, %dma_wait3A_429] : memref<2x10240x8xf32, #tpu.memory_space<hbm>> -> memref<1x640x8xf32, #tpu.memory_space<hbm>>
      %dma_wait3A_431 = tpu.memref_squeeze %dma_wait3A_430 : memref<1x640x8xf32, #tpu.memory_space<hbm>> -> memref<640x8xf32, #tpu.memory_space<hbm>>
      %dma_wait3A_432 = arith.constant 0 : i32
      %dma_wait3A_433 = tpu.memref_slice %arg26[%mul3A_6, %dma_wait3A_432] : memref<10240x8xf32, #tpu.memory_space<vmem_shared>> -> memref<640x8xf32, #tpu.memory_space<vmem_shared>>
      tpu.wait_dma2 semaphore(%run_scoped3A_423 : memref<!tpu.dma_semaphore, #tpu.memory_space<semaphore_mem>>) src(%dma_wait3A_433 : memref<640x8xf32, #tpu.memory_space<vmem_shared>>) dst(%dma_wait3A_431 : memref<640x8xf32, #tpu.memory_space<hbm>>)
      tpu.yield
    }) : () -> ()
    %add3A_259 = arith.constant 0 : i32
    %add3A_260 = arith.addi %mul3A_6, %add3A_259 : i32
    "tpu.region"() ({
      %run_scoped3A_423 = tpu.sem_alloc : memref<!tpu.dma_semaphore, #tpu.memory_space<semaphore_mem>>
      %dma_start3A_424 = arith.constant 0 : i32
      %dma_start3A_425 = tpu.memref_slice %arg25[%add3A_260, %dma_start3A_424] : memref<10240x32xf32, #tpu.memory_space<vmem_shared>> -> memref<128x32xf32, #tpu.memory_space<vmem_shared>>
      %dma_start3A_426 = arith.constant 0 : i32
      %dma_start3A_427 = tpu.memref_slice %arg25[%add3A_260, %dma_start3A_426] : memref<10240x32xf32, #tpu.memory_space<vmem_shared>> -> memref<128x32xf32, #tpu.memory_space<vmem_shared>>
      tpu.enqueue_dma source(%arg16 : memref<128x32xf32, #tpu.memory_space<vmem>>) target(%dma_start3A_427 : memref<128x32xf32, #tpu.memory_space<vmem_shared>>) target_semaphore(%run_scoped3A_423 : memref<!tpu.dma_semaphore, #tpu.memory_space<semaphore_mem>>)
      %dma_wait3A_428 = arith.constant 0 : i32
      %dma_wait3A_429 = tpu.memref_slice %arg25[%add3A_260, %dma_wait3A_428] : memref<10240x32xf32, #tpu.memory_space<vmem_shared>> -> memref<128x32xf32, #tpu.memory_space<vmem_shared>>
      %dma_wait3A_430 = arith.constant 0 : i32
      %dma_wait3A_431 = tpu.memref_slice %arg25[%add3A_260, %dma_wait3A_430] : memref<10240x32xf32, #tpu.memory_space<vmem_shared>> -> memref<128x32xf32, #tpu.memory_space<vmem_shared>>
      tpu.wait_dma2 semaphore(%run_scoped3A_423 : memref<!tpu.dma_semaphore, #tpu.memory_space<semaphore_mem>>) src(%arg16 : memref<128x32xf32, #tpu.memory_space<vmem>>) dst(%dma_wait3A_431 : memref<128x32xf32, #tpu.memory_space<vmem_shared>>)
      tpu.yield
    }) : () -> ()
    %add3A_261 = arith.constant 128 : i32
    %add3A_262 = arith.addi %mul3A_6, %add3A_261 : i32
    "tpu.region"() ({
      %run_scoped3A_423 = tpu.sem_alloc : memref<!tpu.dma_semaphore, #tpu.memory_space<semaphore_mem>>
      %dma_start3A_424 = arith.constant 0 : i32
      %dma_start3A_425 = tpu.memref_slice %arg25[%add3A_262, %dma_start3A_424] : memref<10240x32xf32, #tpu.memory_space<vmem_shared>> -> memref<128x32xf32, #tpu.memory_space<vmem_shared>>
      %dma_start3A_426 = arith.constant 0 : i32
      %dma_start3A_427 = tpu.memref_slice %arg25[%add3A_262, %dma_start3A_426] : memref<10240x32xf32, #tpu.memory_space<vmem_shared>> -> memref<128x32xf32, #tpu.memory_space<vmem_shared>>
      tpu.enqueue_dma source(%arg16 : memref<128x32xf32, #tpu.memory_space<vmem>>) target(%dma_start3A_427 : memref<128x32xf32, #tpu.memory_space<vmem_shared>>) target_semaphore(%run_scoped3A_423 : memref<!tpu.dma_semaphore, #tpu.memory_space<semaphore_mem>>)
      %dma_wait3A_428 = arith.constant 0 : i32
      %dma_wait3A_429 = tpu.memref_slice %arg25[%add3A_262, %dma_wait3A_428] : memref<10240x32xf32, #tpu.memory_space<vmem_shared>> -> memref<128x32xf32, #tpu.memory_space<vmem_shared>>
      %dma_wait3A_430 = arith.constant 0 : i32
      %dma_wait3A_431 = tpu.memref_slice %arg25[%add3A_262, %dma_wait3A_430] : memref<10240x32xf32, #tpu.memory_space<vmem_shared>> -> memref<128x32xf32, #tpu.memory_space<vmem_shared>>
      tpu.wait_dma2 semaphore(%run_scoped3A_423 : memref<!tpu.dma_semaphore, #tpu.memory_space<semaphore_mem>>) src(%arg16 : memref<128x32xf32, #tpu.memory_space<vmem>>) dst(%dma_wait3A_431 : memref<128x32xf32, #tpu.memory_space<vmem_shared>>)
      tpu.yield
    }) : () -> ()
    %add3A_263 = arith.constant 256 : i32
    %add3A_264 = arith.addi %mul3A_6, %add3A_263 : i32
    "tpu.region"() ({
      %run_scoped3A_423 = tpu.sem_alloc : memref<!tpu.dma_semaphore, #tpu.memory_space<semaphore_mem>>
      %dma_start3A_424 = arith.constant 0 : i32
      %dma_start3A_425 = tpu.memref_slice %arg25[%add3A_264, %dma_start3A_424] : memref<10240x32xf32, #tpu.memory_space<vmem_shared>> -> memref<128x32xf32, #tpu.memory_space<vmem_shared>>
      %dma_start3A_426 = arith.constant 0 : i32
      %dma_start3A_427 = tpu.memref_slice %arg25[%add3A_264, %dma_start3A_426] : memref<10240x32xf32, #tpu.memory_space<vmem_shared>> -> memref<128x32xf32, #tpu.memory_space<vmem_shared>>
      tpu.enqueue_dma source(%arg16 : memref<128x32xf32, #tpu.memory_space<vmem>>) target(%dma_start3A_427 : memref<128x32xf32, #tpu.memory_space<vmem_shared>>) target_semaphore(%run_scoped3A_423 : memref<!tpu.dma_semaphore, #tpu.memory_space<semaphore_mem>>)
      %dma_wait3A_428 = arith.constant 0 : i32
      %dma_wait3A_429 = tpu.memref_slice %arg25[%add3A_264, %dma_wait3A_428] : memref<10240x32xf32, #tpu.memory_space<vmem_shared>> -> memref<128x32xf32, #tpu.memory_space<vmem_shared>>
      %dma_wait3A_430 = arith.constant 0 : i32
      %dma_wait3A_431 = tpu.memref_slice %arg25[%add3A_264, %dma_wait3A_430] : memref<10240x32xf32, #tpu.memory_space<vmem_shared>> -> memref<128x32xf32, #tpu.memory_space<vmem_shared>>
      tpu.wait_dma2 semaphore(%run_scoped3A_423 : memref<!tpu.dma_semaphore, #tpu.memory_space<semaphore_mem>>) src(%arg16 : memref<128x32xf32, #tpu.memory_space<vmem>>) dst(%dma_wait3A_431 : memref<128x32xf32, #tpu.memory_space<vmem_shared>>)
      tpu.yield
    }) : () -> ()
    %add3A_265 = arith.constant 384 : i32
    %add3A_266 = arith.addi %mul3A_6, %add3A_265 : i32
    "tpu.region"() ({
      %run_scoped3A_423 = tpu.sem_alloc : memref<!tpu.dma_semaphore, #tpu.memory_space<semaphore_mem>>
      %dma_start3A_424 = arith.constant 0 : i32
      %dma_start3A_425 = tpu.memref_slice %arg25[%add3A_266, %dma_start3A_424] : memref<10240x32xf32, #tpu.memory_space<vmem_shared>> -> memref<128x32xf32, #tpu.memory_space<vmem_shared>>
      %dma_start3A_426 = arith.constant 0 : i32
      %dma_start3A_427 = tpu.memref_slice %arg25[%add3A_266, %dma_start3A_426] : memref<10240x32xf32, #tpu.memory_space<vmem_shared>> -> memref<128x32xf32, #tpu.memory_space<vmem_shared>>
      tpu.enqueue_dma source(%arg16 : memref<128x32xf32, #tpu.memory_space<vmem>>) target(%dma_start3A_427 : memref<128x32xf32, #tpu.memory_space<vmem_shared>>) target_semaphore(%run_scoped3A_423 : memref<!tpu.dma_semaphore, #tpu.memory_space<semaphore_mem>>)
      %dma_wait3A_428 = arith.constant 0 : i32
      %dma_wait3A_429 = tpu.memref_slice %arg25[%add3A_266, %dma_wait3A_428] : memref<10240x32xf32, #tpu.memory_space<vmem_shared>> -> memref<128x32xf32, #tpu.memory_space<vmem_shared>>
      %dma_wait3A_430 = arith.constant 0 : i32
      %dma_wait3A_431 = tpu.memref_slice %arg25[%add3A_266, %dma_wait3A_430] : memref<10240x32xf32, #tpu.memory_space<vmem_shared>> -> memref<128x32xf32, #tpu.memory_space<vmem_shared>>
      tpu.wait_dma2 semaphore(%run_scoped3A_423 : memref<!tpu.dma_semaphore, #tpu.memory_space<semaphore_mem>>) src(%arg16 : memref<128x32xf32, #tpu.memory_space<vmem>>) dst(%dma_wait3A_431 : memref<128x32xf32, #tpu.memory_space<vmem_shared>>)
      tpu.yield
    }) : () -> ()
    %add3A_267 = arith.constant 512 : i32
    %add3A_268 = arith.addi %mul3A_6, %add3A_267 : i32
    "tpu.region"() ({
      %run_scoped3A_423 = tpu.sem_alloc : memref<!tpu.dma_semaphore, #tpu.memory_space<semaphore_mem>>
      %dma_start3A_424 = arith.constant 0 : i32
      %dma_start3A_425 = tpu.memref_slice %arg25[%add3A_268, %dma_start3A_424] : memref<10240x32xf32, #tpu.memory_space<vmem_shared>> -> memref<128x32xf32, #tpu.memory_space<vmem_shared>>
      %dma_start3A_426 = arith.constant 0 : i32
      %dma_start3A_427 = tpu.memref_slice %arg25[%add3A_268, %dma_start3A_426] : memref<10240x32xf32, #tpu.memory_space<vmem_shared>> -> memref<128x32xf32, #tpu.memory_space<vmem_shared>>
      tpu.enqueue_dma source(%arg16 : memref<128x32xf32, #tpu.memory_space<vmem>>) target(%dma_start3A_427 : memref<128x32xf32, #tpu.memory_space<vmem_shared>>) target_semaphore(%run_scoped3A_423 : memref<!tpu.dma_semaphore, #tpu.memory_space<semaphore_mem>>)
      %dma_wait3A_428 = arith.constant 0 : i32
      %dma_wait3A_429 = tpu.memref_slice %arg25[%add3A_268, %dma_wait3A_428] : memref<10240x32xf32, #tpu.memory_space<vmem_shared>> -> memref<128x32xf32, #tpu.memory_space<vmem_shared>>
      %dma_wait3A_430 = arith.constant 0 : i32
      %dma_wait3A_431 = tpu.memref_slice %arg25[%add3A_268, %dma_wait3A_430] : memref<10240x32xf32, #tpu.memory_space<vmem_shared>> -> memref<128x32xf32, #tpu.memory_space<vmem_shared>>
      tpu.wait_dma2 semaphore(%run_scoped3A_423 : memref<!tpu.dma_semaphore, #tpu.memory_space<semaphore_mem>>) src(%arg16 : memref<128x32xf32, #tpu.memory_space<vmem>>) dst(%dma_wait3A_431 : memref<128x32xf32, #tpu.memory_space<vmem_shared>>)
      tpu.yield
    }) : () -> ()
    %barrier3A_269 = arith.constant 0 : index
    tpu.barrier barrier_id(%barrier3A_269)
    %run_scoped3A_270 = arith.constant 1 : i32
    "tpu.region"() ({
      %run_scoped3A_423 = tpu.sem_alloc : memref<!tpu.dma_semaphore, #tpu.memory_space<semaphore_mem>>
      %dma_start3A_424 = arith.constant 0 : i32
      %dma_start3A_425 = arith.constant 0 : i32
      %dma_start3A_426 = tpu.memref_slice %arg3[%arg0, %run_scoped3A_270, %arg1, %dma_start3A_424, %dma_start3A_425] : memref<2x2x16x500x80xi32, #tpu.memory_space<hbm>> -> memref<1x1x1x500x80xi32, #tpu.memory_space<hbm>>
      %dma_start3A_427 = tpu.memref_squeeze %dma_start3A_426 : memref<1x1x1x500x80xi32, #tpu.memory_space<hbm>> -> memref<500x80xi32, #tpu.memory_space<hbm>>
      %dma_start3A_428 = arith.constant 0 : i32
      %dma_start3A_429 = arith.constant 0 : i32
      %dma_start3A_430 = tpu.memref_slice %arg3[%arg0, %run_scoped3A_270, %arg1, %dma_start3A_428, %dma_start3A_429] : memref<2x2x16x500x80xi32, #tpu.memory_space<hbm>> -> memref<1x1x1x500x80xi32, #tpu.memory_space<hbm>>
      %dma_start3A_431 = tpu.memref_squeeze %dma_start3A_430 : memref<1x1x1x500x80xi32, #tpu.memory_space<hbm>> -> memref<500x80xi32, #tpu.memory_space<hbm>>
      tpu.enqueue_dma source(%dma_start3A_431 : memref<500x80xi32, #tpu.memory_space<hbm>>) target(%arg9 : memref<500x80xi32, #tpu.memory_space<vmem>>) target_semaphore(%run_scoped3A_423 : memref<!tpu.dma_semaphore, #tpu.memory_space<semaphore_mem>>)
      %dma_wait3A_432 = arith.constant 0 : i32
      %dma_wait3A_433 = arith.constant 0 : i32
      %dma_wait3A_434 = tpu.memref_slice %arg3[%arg0, %run_scoped3A_270, %arg1, %dma_wait3A_432, %dma_wait3A_433] : memref<2x2x16x500x80xi32, #tpu.memory_space<hbm>> -> memref<1x1x1x500x80xi32, #tpu.memory_space<hbm>>
      %dma_wait3A_435 = tpu.memref_squeeze %dma_wait3A_434 : memref<1x1x1x500x80xi32, #tpu.memory_space<hbm>> -> memref<500x80xi32, #tpu.memory_space<hbm>>
      %dma_wait3A_436 = arith.constant 0 : i32
      %dma_wait3A_437 = arith.constant 0 : i32
      %dma_wait3A_438 = tpu.memref_slice %arg3[%arg0, %run_scoped3A_270, %arg1, %dma_wait3A_436, %dma_wait3A_437] : memref<2x2x16x500x80xi32, #tpu.memory_space<hbm>> -> memref<1x1x1x500x80xi32, #tpu.memory_space<hbm>>
      %dma_wait3A_439 = tpu.memref_squeeze %dma_wait3A_438 : memref<1x1x1x500x80xi32, #tpu.memory_space<hbm>> -> memref<500x80xi32, #tpu.memory_space<hbm>>
      tpu.wait_dma2 semaphore(%run_scoped3A_423 : memref<!tpu.dma_semaphore, #tpu.memory_space<semaphore_mem>>) src(%dma_wait3A_439 : memref<500x80xi32, #tpu.memory_space<hbm>>) dst(%arg9 : memref<500x80xi32, #tpu.memory_space<vmem>>)
      tpu.yield
    }) : () -> ()
    %dma_start3A_271 = arith.constant 0 : i32
    %dma_start3A_272 = arith.constant 0 : i32
    %dma_start3A_273 = tpu.memref_slice %arg9[%dma_start3A_271, %dma_start3A_272] : memref<500x80xi32, #tpu.memory_space<vmem>> -> memref<1x80xi32, #tpu.memory_space<vmem>>
    %dma_start3A_274 = tpu.memref_squeeze %dma_start3A_273 : memref<1x80xi32, #tpu.memory_space<vmem>> -> memref<80xi32, #tpu.memory_space<vmem>>
    %dma_start3A_275 = arith.constant 0 : i32
    %dma_start3A_276 = arith.constant 0 : i32
    %dma_start3A_277 = tpu.memref_slice %arg2[%dma_start3A_275, %dma_start3A_276] : memref<40000x32xf32, #tpu.memory_space<hbm>> -> memref<40000x32xf32, #tpu.memory_space<hbm>>
    tpu.enqueue_indirect_dma source(%dma_start3A_277 : memref<40000x32xf32, #tpu.memory_space<hbm>>) target(%arg11 : memref<80x32xf32, #tpu.memory_space<vmem>>) offsets(%dma_start3A_274 : memref<80xi32, #tpu.memory_space<vmem>>) semaphore(%arg19 : memref<!tpu.dma_semaphore, #tpu.memory_space<semaphore_mem>>)
    %dma_start3A_278 = arith.constant 1 : i32
    %dma_start3A_279 = arith.constant 0 : i32
    %dma_start3A_280 = tpu.memref_slice %arg9[%dma_start3A_278, %dma_start3A_279] : memref<500x80xi32, #tpu.memory_space<vmem>> -> memref<1x80xi32, #tpu.memory_space<vmem>>
    %dma_start3A_281 = tpu.memref_squeeze %dma_start3A_280 : memref<1x80xi32, #tpu.memory_space<vmem>> -> memref<80xi32, #tpu.memory_space<vmem>>
    %dma_start3A_282 = arith.constant 0 : i32
    %dma_start3A_283 = arith.constant 0 : i32
    %dma_start3A_284 = tpu.memref_slice %arg2[%dma_start3A_282, %dma_start3A_283] : memref<40000x32xf32, #tpu.memory_space<hbm>> -> memref<40000x32xf32, #tpu.memory_space<hbm>>
    tpu.enqueue_indirect_dma source(%dma_start3A_284 : memref<40000x32xf32, #tpu.memory_space<hbm>>) target(%arg12 : memref<80x32xf32, #tpu.memory_space<vmem>>) offsets(%dma_start3A_281 : memref<80xi32, #tpu.memory_space<vmem>>) semaphore(%arg20 : memref<!tpu.dma_semaphore, #tpu.memory_space<semaphore_mem>>)
    %dma_start3A_285 = arith.constant 2 : i32
    %dma_start3A_286 = arith.constant 0 : i32
    %dma_start3A_287 = tpu.memref_slice %arg9[%dma_start3A_285, %dma_start3A_286] : memref<500x80xi32, #tpu.memory_space<vmem>> -> memref<1x80xi32, #tpu.memory_space<vmem>>
    %dma_start3A_288 = tpu.memref_squeeze %dma_start3A_287 : memref<1x80xi32, #tpu.memory_space<vmem>> -> memref<80xi32, #tpu.memory_space<vmem>>
    %dma_start3A_289 = arith.constant 0 : i32
    %dma_start3A_290 = arith.constant 0 : i32
    %dma_start3A_291 = tpu.memref_slice %arg2[%dma_start3A_289, %dma_start3A_290] : memref<40000x32xf32, #tpu.memory_space<hbm>> -> memref<40000x32xf32, #tpu.memory_space<hbm>>
    tpu.enqueue_indirect_dma source(%dma_start3A_291 : memref<40000x32xf32, #tpu.memory_space<hbm>>) target(%arg13 : memref<80x32xf32, #tpu.memory_space<vmem>>) offsets(%dma_start3A_288 : memref<80xi32, #tpu.memory_space<vmem>>) semaphore(%arg21 : memref<!tpu.dma_semaphore, #tpu.memory_space<semaphore_mem>>)
    %dma_start3A_292 = arith.constant 3 : i32
    %dma_start3A_293 = arith.constant 0 : i32
    %dma_start3A_294 = tpu.memref_slice %arg9[%dma_start3A_292, %dma_start3A_293] : memref<500x80xi32, #tpu.memory_space<vmem>> -> memref<1x80xi32, #tpu.memory_space<vmem>>
    %dma_start3A_295 = tpu.memref_squeeze %dma_start3A_294 : memref<1x80xi32, #tpu.memory_space<vmem>> -> memref<80xi32, #tpu.memory_space<vmem>>
    %dma_start3A_296 = arith.constant 0 : i32
    %dma_start3A_297 = arith.constant 0 : i32
    %dma_start3A_298 = tpu.memref_slice %arg2[%dma_start3A_296, %dma_start3A_297] : memref<40000x32xf32, #tpu.memory_space<hbm>> -> memref<40000x32xf32, #tpu.memory_space<hbm>>
    tpu.enqueue_indirect_dma source(%dma_start3A_298 : memref<40000x32xf32, #tpu.memory_space<hbm>>) target(%arg14 : memref<80x32xf32, #tpu.memory_space<vmem>>) offsets(%dma_start3A_295 : memref<80xi32, #tpu.memory_space<vmem>>) semaphore(%arg22 : memref<!tpu.dma_semaphore, #tpu.memory_space<semaphore_mem>>)
    %scan3A_299 = arith.constant 0 : i32
    %scan3A_300 = arith.constant 0 : i32
    %scan3A_301 = arith.constant 99 : i32
    %scan3A_302 = arith.addi %scan3A_300, %scan3A_301 : i32
    %scan3A_303 = arith.constant 1 : i32
    scf.for %scan3A_423 = %scan3A_300 to %scan3A_302 step %scan3A_303  : i32 {
      %mul3A_424 = arith.constant 5 : i32
      %mul3A_425 = arith.muli %scan3A_423, %mul3A_424 : i32
      %add3A_426 = arith.constant 0 : i32
      %add3A_427 = arith.addi %mul3A_425, %add3A_426 : i32
      %add3A_428 = arith.constant 5 : i32
      %add3A_429 = arith.addi %add3A_427, %add3A_428 : i32
      %sub3A = arith.constant 1 : i32
      %sub3A_430 = arith.subi %add3A_429, %sub3A : i32
      %min3A_431 = arith.constant 499 : i32
      %min3A_432 = arith.minsi %sub3A_430, %min3A_431 : i32
      %dma_start3A_433 = arith.constant 0 : i32
      %dma_start3A_434 = tpu.memref_slice %arg9[%min3A_432, %dma_start3A_433] : memref<500x80xi32, #tpu.memory_space<vmem>> -> memref<1x80xi32, #tpu.memory_space<vmem>>
      %dma_start3A_435 = tpu.memref_squeeze %dma_start3A_434 : memref<1x80xi32, #tpu.memory_space<vmem>> -> memref<80xi32, #tpu.memory_space<vmem>>
      %dma_start3A_436 = arith.constant 0 : i32
      %dma_start3A_437 = arith.constant 0 : i32
      %dma_start3A_438 = tpu.memref_slice %arg2[%dma_start3A_436, %dma_start3A_437] : memref<40000x32xf32, #tpu.memory_space<hbm>> -> memref<40000x32xf32, #tpu.memory_space<hbm>>
      tpu.enqueue_indirect_dma source(%dma_start3A_438 : memref<40000x32xf32, #tpu.memory_space<hbm>>) target(%arg15 : memref<80x32xf32, #tpu.memory_space<vmem>>) offsets(%dma_start3A_435 : memref<80xi32, #tpu.memory_space<vmem>>) semaphore(%arg23 : memref<!tpu.dma_semaphore, #tpu.memory_space<semaphore_mem>>)
      %dma_wait3A_439 = arith.constant 0 : i32
      %dma_wait3A_440 = tpu.memref_slice %arg9[%add3A_427, %dma_wait3A_439] : memref<500x80xi32, #tpu.memory_space<vmem>> -> memref<1x80xi32, #tpu.memory_space<vmem>>
      %dma_wait3A_441 = tpu.memref_squeeze %dma_wait3A_440 : memref<1x80xi32, #tpu.memory_space<vmem>> -> memref<80xi32, #tpu.memory_space<vmem>>
      %dma_wait3A_442 = arith.constant 0 : i32
      %dma_wait3A_443 = arith.constant 0 : i32
      %dma_wait3A_444 = tpu.memref_slice %arg2[%dma_wait3A_442, %dma_wait3A_443] : memref<40000x32xf32, #tpu.memory_space<hbm>> -> memref<40000x32xf32, #tpu.memory_space<hbm>>
      tpu.wait_indirect_dma semaphore(%arg19 : memref<!tpu.dma_semaphore, #tpu.memory_space<semaphore_mem>>) src(%dma_wait3A_444 : memref<40000x32xf32, #tpu.memory_space<hbm>>) dst(%arg11 : memref<80x32xf32, #tpu.memory_space<vmem>>)
      "tpu.region"() ({
        %run_scoped3A_525 = tpu.sem_alloc : memref<!tpu.dma_semaphore, #tpu.memory_space<semaphore_mem>>
        %dma_start3A_526 = arith.constant 0 : i32
        %dma_start3A_527 = tpu.memref_slice %arg10[%add3A_427, %dma_start3A_526] : memref<500x80xi32, #tpu.memory_space<vmem>> -> memref<1x80xi32, #tpu.memory_space<vmem>>
        %dma_start3A_528 = tpu.memref_squeeze %dma_start3A_527 : memref<1x80xi32, #tpu.memory_space<vmem>> -> memref<80xi32, #tpu.memory_space<vmem>>
        %dma_start3A_529 = arith.constant 0 : i32
        %dma_start3A_530 = arith.constant 0 : i32
        %dma_start3A_531 = tpu.memref_slice %arg25[%dma_start3A_529, %dma_start3A_530] : memref<10240x32xf32, #tpu.memory_space<vmem_shared>> -> memref<10240x32xf32, #tpu.memory_space<vmem_shared>>
        tpu.enqueue_indirect_dma source(%arg11 : memref<80x32xf32, #tpu.memory_space<vmem>>) target(%dma_start3A_531 : memref<10240x32xf32, #tpu.memory_space<vmem_shared>>) offsets(%dma_start3A_528 : memref<80xi32, #tpu.memory_space<vmem>>) semaphore(%run_scoped3A_525 : memref<!tpu.dma_semaphore, #tpu.memory_space<semaphore_mem>>) {add = true}
        %dma_wait3A_532 = arith.constant 0 : i32
        %dma_wait3A_533 = tpu.memref_slice %arg10[%add3A_427, %dma_wait3A_532] : memref<500x80xi32, #tpu.memory_space<vmem>> -> memref<1x80xi32, #tpu.memory_space<vmem>>
        %dma_wait3A_534 = tpu.memref_squeeze %dma_wait3A_533 : memref<1x80xi32, #tpu.memory_space<vmem>> -> memref<80xi32, #tpu.memory_space<vmem>>
        %dma_wait3A_535 = arith.constant 0 : i32
        %dma_wait3A_536 = arith.constant 0 : i32
        %dma_wait3A_537 = tpu.memref_slice %arg25[%dma_wait3A_535, %dma_wait3A_536] : memref<10240x32xf32, #tpu.memory_space<vmem_shared>> -> memref<10240x32xf32, #tpu.memory_space<vmem_shared>>
        tpu.wait_indirect_dma semaphore(%run_scoped3A_525 : memref<!tpu.dma_semaphore, #tpu.memory_space<semaphore_mem>>) src(%arg11 : memref<80x32xf32, #tpu.memory_space<vmem>>) dst(%dma_wait3A_537 : memref<10240x32xf32, #tpu.memory_space<vmem_shared>>)
        tpu.yield
      }) : () -> ()
      %add3A_445 = arith.constant 1 : i32
      %add3A_446 = arith.addi %mul3A_425, %add3A_445 : i32
      %add3A_447 = arith.constant 5 : i32
      %add3A_448 = arith.addi %add3A_446, %add3A_447 : i32
      %sub3A_449 = arith.constant 1 : i32
      %sub3A_450 = arith.subi %add3A_448, %sub3A_449 : i32
      %min3A_451 = arith.constant 499 : i32
      %min3A_452 = arith.minsi %sub3A_450, %min3A_451 : i32
      %dma_start3A_453 = arith.constant 0 : i32
      %dma_start3A_454 = tpu.memref_slice %arg9[%min3A_452, %dma_start3A_453] : memref<500x80xi32, #tpu.memory_space<vmem>> -> memref<1x80xi32, #tpu.memory_space<vmem>>
      %dma_start3A_455 = tpu.memref_squeeze %dma_start3A_454 : memref<1x80xi32, #tpu.memory_space<vmem>> -> memref<80xi32, #tpu.memory_space<vmem>>
      %dma_start3A_456 = arith.constant 0 : i32
      %dma_start3A_457 = arith.constant 0 : i32
      %dma_start3A_458 = tpu.memref_slice %arg2[%dma_start3A_456, %dma_start3A_457] : memref<40000x32xf32, #tpu.memory_space<hbm>> -> memref<40000x32xf32, #tpu.memory_space<hbm>>
      tpu.enqueue_indirect_dma source(%dma_start3A_458 : memref<40000x32xf32, #tpu.memory_space<hbm>>) target(%arg11 : memref<80x32xf32, #tpu.memory_space<vmem>>) offsets(%dma_start3A_455 : memref<80xi32, #tpu.memory_space<vmem>>) semaphore(%arg19 : memref<!tpu.dma_semaphore, #tpu.memory_space<semaphore_mem>>)
      %dma_wait3A_459 = arith.constant 0 : i32
      %dma_wait3A_460 = tpu.memref_slice %arg9[%add3A_446, %dma_wait3A_459] : memref<500x80xi32, #tpu.memory_space<vmem>> -> memref<1x80xi32, #tpu.memory_space<vmem>>
      %dma_wait3A_461 = tpu.memref_squeeze %dma_wait3A_460 : memref<1x80xi32, #tpu.memory_space<vmem>> -> memref<80xi32, #tpu.memory_space<vmem>>
      %dma_wait3A_462 = arith.constant 0 : i32
      %dma_wait3A_463 = arith.constant 0 : i32
      %dma_wait3A_464 = tpu.memref_slice %arg2[%dma_wait3A_462, %dma_wait3A_463] : memref<40000x32xf32, #tpu.memory_space<hbm>> -> memref<40000x32xf32, #tpu.memory_space<hbm>>
      tpu.wait_indirect_dma semaphore(%arg20 : memref<!tpu.dma_semaphore, #tpu.memory_space<semaphore_mem>>) src(%dma_wait3A_464 : memref<40000x32xf32, #tpu.memory_space<hbm>>) dst(%arg12 : memref<80x32xf32, #tpu.memory_space<vmem>>)
      "tpu.region"() ({
        %run_scoped3A_525 = tpu.sem_alloc : memref<!tpu.dma_semaphore, #tpu.memory_space<semaphore_mem>>
        %dma_start3A_526 = arith.constant 0 : i32
        %dma_start3A_527 = tpu.memref_slice %arg10[%add3A_446, %dma_start3A_526] : memref<500x80xi32, #tpu.memory_space<vmem>> -> memref<1x80xi32, #tpu.memory_space<vmem>>
        %dma_start3A_528 = tpu.memref_squeeze %dma_start3A_527 : memref<1x80xi32, #tpu.memory_space<vmem>> -> memref<80xi32, #tpu.memory_space<vmem>>
        %dma_start3A_529 = arith.constant 0 : i32
        %dma_start3A_530 = arith.constant 0 : i32
        %dma_start3A_531 = tpu.memref_slice %arg25[%dma_start3A_529, %dma_start3A_530] : memref<10240x32xf32, #tpu.memory_space<vmem_shared>> -> memref<10240x32xf32, #tpu.memory_space<vmem_shared>>
        tpu.enqueue_indirect_dma source(%arg12 : memref<80x32xf32, #tpu.memory_space<vmem>>) target(%dma_start3A_531 : memref<10240x32xf32, #tpu.memory_space<vmem_shared>>) offsets(%dma_start3A_528 : memref<80xi32, #tpu.memory_space<vmem>>) semaphore(%run_scoped3A_525 : memref<!tpu.dma_semaphore, #tpu.memory_space<semaphore_mem>>) {add = true}
        %dma_wait3A_532 = arith.constant 0 : i32
        %dma_wait3A_533 = tpu.memref_slice %arg10[%add3A_446, %dma_wait3A_532] : memref<500x80xi32, #tpu.memory_space<vmem>> -> memref<1x80xi32, #tpu.memory_space<vmem>>
        %dma_wait3A_534 = tpu.memref_squeeze %dma_wait3A_533 : memref<1x80xi32, #tpu.memory_space<vmem>> -> memref<80xi32, #tpu.memory_space<vmem>>
        %dma_wait3A_535 = arith.constant 0 : i32
        %dma_wait3A_536 = arith.constant 0 : i32
        %dma_wait3A_537 = tpu.memref_slice %arg25[%dma_wait3A_535, %dma_wait3A_536] : memref<10240x32xf32, #tpu.memory_space<vmem_shared>> -> memref<10240x32xf32, #tpu.memory_space<vmem_shared>>
        tpu.wait_indirect_dma semaphore(%run_scoped3A_525 : memref<!tpu.dma_semaphore, #tpu.memory_space<semaphore_mem>>) src(%arg12 : memref<80x32xf32, #tpu.memory_space<vmem>>) dst(%dma_wait3A_537 : memref<10240x32xf32, #tpu.memory_space<vmem_shared>>)
        tpu.yield
      }) : () -> ()
      %add3A_465 = arith.constant 2 : i32
      %add3A_466 = arith.addi %mul3A_425, %add3A_465 : i32
      %add3A_467 = arith.constant 5 : i32
      %add3A_468 = arith.addi %add3A_466, %add3A_467 : i32
      %sub3A_469 = arith.constant 1 : i32
      %sub3A_470 = arith.subi %add3A_468, %sub3A_469 : i32
      %min3A_471 = arith.constant 499 : i32
      %min3A_472 = arith.minsi %sub3A_470, %min3A_471 : i32
      %dma_start3A_473 = arith.constant 0 : i32
      %dma_start3A_474 = tpu.memref_slice %arg9[%min3A_472, %dma_start3A_473] : memref<500x80xi32, #tpu.memory_space<vmem>> -> memref<1x80xi32, #tpu.memory_space<vmem>>
      %dma_start3A_475 = tpu.memref_squeeze %dma_start3A_474 : memref<1x80xi32, #tpu.memory_space<vmem>> -> memref<80xi32, #tpu.memory_space<vmem>>
      %dma_start3A_476 = arith.constant 0 : i32
      %dma_start3A_477 = arith.constant 0 : i32
      %dma_start3A_478 = tpu.memref_slice %arg2[%dma_start3A_476, %dma_start3A_477] : memref<40000x32xf32, #tpu.memory_space<hbm>> -> memref<40000x32xf32, #tpu.memory_space<hbm>>
      tpu.enqueue_indirect_dma source(%dma_start3A_478 : memref<40000x32xf32, #tpu.memory_space<hbm>>) target(%arg12 : memref<80x32xf32, #tpu.memory_space<vmem>>) offsets(%dma_start3A_475 : memref<80xi32, #tpu.memory_space<vmem>>) semaphore(%arg20 : memref<!tpu.dma_semaphore, #tpu.memory_space<semaphore_mem>>)
      %dma_wait3A_479 = arith.constant 0 : i32
      %dma_wait3A_480 = tpu.memref_slice %arg9[%add3A_466, %dma_wait3A_479] : memref<500x80xi32, #tpu.memory_space<vmem>> -> memref<1x80xi32, #tpu.memory_space<vmem>>
      %dma_wait3A_481 = tpu.memref_squeeze %dma_wait3A_480 : memref<1x80xi32, #tpu.memory_space<vmem>> -> memref<80xi32, #tpu.memory_space<vmem>>
      %dma_wait3A_482 = arith.constant 0 : i32
      %dma_wait3A_483 = arith.constant 0 : i32
      %dma_wait3A_484 = tpu.memref_slice %arg2[%dma_wait3A_482, %dma_wait3A_483] : memref<40000x32xf32, #tpu.memory_space<hbm>> -> memref<40000x32xf32, #tpu.memory_space<hbm>>
      tpu.wait_indirect_dma semaphore(%arg21 : memref<!tpu.dma_semaphore, #tpu.memory_space<semaphore_mem>>) src(%dma_wait3A_484 : memref<40000x32xf32, #tpu.memory_space<hbm>>) dst(%arg13 : memref<80x32xf32, #tpu.memory_space<vmem>>)
      "tpu.region"() ({
        %run_scoped3A_525 = tpu.sem_alloc : memref<!tpu.dma_semaphore, #tpu.memory_space<semaphore_mem>>
        %dma_start3A_526 = arith.constant 0 : i32
        %dma_start3A_527 = tpu.memref_slice %arg10[%add3A_466, %dma_start3A_526] : memref<500x80xi32, #tpu.memory_space<vmem>> -> memref<1x80xi32, #tpu.memory_space<vmem>>
        %dma_start3A_528 = tpu.memref_squeeze %dma_start3A_527 : memref<1x80xi32, #tpu.memory_space<vmem>> -> memref<80xi32, #tpu.memory_space<vmem>>
        %dma_start3A_529 = arith.constant 0 : i32
        %dma_start3A_530 = arith.constant 0 : i32
        %dma_start3A_531 = tpu.memref_slice %arg25[%dma_start3A_529, %dma_start3A_530] : memref<10240x32xf32, #tpu.memory_space<vmem_shared>> -> memref<10240x32xf32, #tpu.memory_space<vmem_shared>>
        tpu.enqueue_indirect_dma source(%arg13 : memref<80x32xf32, #tpu.memory_space<vmem>>) target(%dma_start3A_531 : memref<10240x32xf32, #tpu.memory_space<vmem_shared>>) offsets(%dma_start3A_528 : memref<80xi32, #tpu.memory_space<vmem>>) semaphore(%run_scoped3A_525 : memref<!tpu.dma_semaphore, #tpu.memory_space<semaphore_mem>>) {add = true}
        %dma_wait3A_532 = arith.constant 0 : i32
        %dma_wait3A_533 = tpu.memref_slice %arg10[%add3A_466, %dma_wait3A_532] : memref<500x80xi32, #tpu.memory_space<vmem>> -> memref<1x80xi32, #tpu.memory_space<vmem>>
        %dma_wait3A_534 = tpu.memref_squeeze %dma_wait3A_533 : memref<1x80xi32, #tpu.memory_space<vmem>> -> memref<80xi32, #tpu.memory_space<vmem>>
        %dma_wait3A_535 = arith.constant 0 : i32
        %dma_wait3A_536 = arith.constant 0 : i32
        %dma_wait3A_537 = tpu.memref_slice %arg25[%dma_wait3A_535, %dma_wait3A_536] : memref<10240x32xf32, #tpu.memory_space<vmem_shared>> -> memref<10240x32xf32, #tpu.memory_space<vmem_shared>>
        tpu.wait_indirect_dma semaphore(%run_scoped3A_525 : memref<!tpu.dma_semaphore, #tpu.memory_space<semaphore_mem>>) src(%arg13 : memref<80x32xf32, #tpu.memory_space<vmem>>) dst(%dma_wait3A_537 : memref<10240x32xf32, #tpu.memory_space<vmem_shared>>)
        tpu.yield
      }) : () -> ()
      %add3A_485 = arith.constant 3 : i32
      %add3A_486 = arith.addi %mul3A_425, %add3A_485 : i32
      %add3A_487 = arith.constant 5 : i32
      %add3A_488 = arith.addi %add3A_486, %add3A_487 : i32
      %sub3A_489 = arith.constant 1 : i32
      %sub3A_490 = arith.subi %add3A_488, %sub3A_489 : i32
      %min3A_491 = arith.constant 499 : i32
      %min3A_492 = arith.minsi %sub3A_490, %min3A_491 : i32
      %dma_start3A_493 = arith.constant 0 : i32
      %dma_start3A_494 = tpu.memref_slice %arg9[%min3A_492, %dma_start3A_493] : memref<500x80xi32, #tpu.memory_space<vmem>> -> memref<1x80xi32, #tpu.memory_space<vmem>>
      %dma_start3A_495 = tpu.memref_squeeze %dma_start3A_494 : memref<1x80xi32, #tpu.memory_space<vmem>> -> memref<80xi32, #tpu.memory_space<vmem>>
      %dma_start3A_496 = arith.constant 0 : i32
      %dma_start3A_497 = arith.constant 0 : i32
      %dma_start3A_498 = tpu.memref_slice %arg2[%dma_start3A_496, %dma_start3A_497] : memref<40000x32xf32, #tpu.memory_space<hbm>> -> memref<40000x32xf32, #tpu.memory_space<hbm>>
      tpu.enqueue_indirect_dma source(%dma_start3A_498 : memref<40000x32xf32, #tpu.memory_space<hbm>>) target(%arg13 : memref<80x32xf32, #tpu.memory_space<vmem>>) offsets(%dma_start3A_495 : memref<80xi32, #tpu.memory_space<vmem>>) semaphore(%arg21 : memref<!tpu.dma_semaphore, #tpu.memory_space<semaphore_mem>>)
      %dma_wait3A_499 = arith.constant 0 : i32
      %dma_wait3A_500 = tpu.memref_slice %arg9[%add3A_486, %dma_wait3A_499] : memref<500x80xi32, #tpu.memory_space<vmem>> -> memref<1x80xi32, #tpu.memory_space<vmem>>
      %dma_wait3A_501 = tpu.memref_squeeze %dma_wait3A_500 : memref<1x80xi32, #tpu.memory_space<vmem>> -> memref<80xi32, #tpu.memory_space<vmem>>
      %dma_wait3A_502 = arith.constant 0 : i32
      %dma_wait3A_503 = arith.constant 0 : i32
      %dma_wait3A_504 = tpu.memref_slice %arg2[%dma_wait3A_502, %dma_wait3A_503] : memref<40000x32xf32, #tpu.memory_space<hbm>> -> memref<40000x32xf32, #tpu.memory_space<hbm>>
      tpu.wait_indirect_dma semaphore(%arg22 : memref<!tpu.dma_semaphore, #tpu.memory_space<semaphore_mem>>) src(%dma_wait3A_504 : memref<40000x32xf32, #tpu.memory_space<hbm>>) dst(%arg14 : memref<80x32xf32, #tpu.memory_space<vmem>>)
      "tpu.region"() ({
        %run_scoped3A_525 = tpu.sem_alloc : memref<!tpu.dma_semaphore, #tpu.memory_space<semaphore_mem>>
        %dma_start3A_526 = arith.constant 0 : i32
        %dma_start3A_527 = tpu.memref_slice %arg10[%add3A_486, %dma_start3A_526] : memref<500x80xi32, #tpu.memory_space<vmem>> -> memref<1x80xi32, #tpu.memory_space<vmem>>
        %dma_start3A_528 = tpu.memref_squeeze %dma_start3A_527 : memref<1x80xi32, #tpu.memory_space<vmem>> -> memref<80xi32, #tpu.memory_space<vmem>>
        %dma_start3A_529 = arith.constant 0 : i32
        %dma_start3A_530 = arith.constant 0 : i32
        %dma_start3A_531 = tpu.memref_slice %arg25[%dma_start3A_529, %dma_start3A_530] : memref<10240x32xf32, #tpu.memory_space<vmem_shared>> -> memref<10240x32xf32, #tpu.memory_space<vmem_shared>>
        tpu.enqueue_indirect_dma source(%arg14 : memref<80x32xf32, #tpu.memory_space<vmem>>) target(%dma_start3A_531 : memref<10240x32xf32, #tpu.memory_space<vmem_shared>>) offsets(%dma_start3A_528 : memref<80xi32, #tpu.memory_space<vmem>>) semaphore(%run_scoped3A_525 : memref<!tpu.dma_semaphore, #tpu.memory_space<semaphore_mem>>) {add = true}
        %dma_wait3A_532 = arith.constant 0 : i32
        %dma_wait3A_533 = tpu.memref_slice %arg10[%add3A_486, %dma_wait3A_532] : memref<500x80xi32, #tpu.memory_space<vmem>> -> memref<1x80xi32, #tpu.memory_space<vmem>>
        %dma_wait3A_534 = tpu.memref_squeeze %dma_wait3A_533 : memref<1x80xi32, #tpu.memory_space<vmem>> -> memref<80xi32, #tpu.memory_space<vmem>>
        %dma_wait3A_535 = arith.constant 0 : i32
        %dma_wait3A_536 = arith.constant 0 : i32
        %dma_wait3A_537 = tpu.memref_slice %arg25[%dma_wait3A_535, %dma_wait3A_536] : memref<10240x32xf32, #tpu.memory_space<vmem_shared>> -> memref<10240x32xf32, #tpu.memory_space<vmem_shared>>
        tpu.wait_indirect_dma semaphore(%run_scoped3A_525 : memref<!tpu.dma_semaphore, #tpu.memory_space<semaphore_mem>>) src(%arg14 : memref<80x32xf32, #tpu.memory_space<vmem>>) dst(%dma_wait3A_537 : memref<10240x32xf32, #tpu.memory_space<vmem_shared>>)
        tpu.yield
      }) : () -> ()
      %add3A_505 = arith.constant 4 : i32
      %add3A_506 = arith.addi %mul3A_425, %add3A_505 : i32
      %add3A_507 = arith.constant 5 : i32
      %add3A_508 = arith.addi %add3A_506, %add3A_507 : i32
      %sub3A_509 = arith.constant 1 : i32
      %sub3A_510 = arith.subi %add3A_508, %sub3A_509 : i32
      %min3A_511 = arith.constant 499 : i32
      %min3A_512 = arith.minsi %sub3A_510, %min3A_511 : i32
      %dma_start3A_513 = arith.constant 0 : i32
      %dma_start3A_514 = tpu.memref_slice %arg9[%min3A_512, %dma_start3A_513] : memref<500x80xi32, #tpu.memory_space<vmem>> -> memref<1x80xi32, #tpu.memory_space<vmem>>
      %dma_start3A_515 = tpu.memref_squeeze %dma_start3A_514 : memref<1x80xi32, #tpu.memory_space<vmem>> -> memref<80xi32, #tpu.memory_space<vmem>>
      %dma_start3A_516 = arith.constant 0 : i32
      %dma_start3A_517 = arith.constant 0 : i32
      %dma_start3A_518 = tpu.memref_slice %arg2[%dma_start3A_516, %dma_start3A_517] : memref<40000x32xf32, #tpu.memory_space<hbm>> -> memref<40000x32xf32, #tpu.memory_space<hbm>>
      tpu.enqueue_indirect_dma source(%dma_start3A_518 : memref<40000x32xf32, #tpu.memory_space<hbm>>) target(%arg14 : memref<80x32xf32, #tpu.memory_space<vmem>>) offsets(%dma_start3A_515 : memref<80xi32, #tpu.memory_space<vmem>>) semaphore(%arg22 : memref<!tpu.dma_semaphore, #tpu.memory_space<semaphore_mem>>)
      %dma_wait3A_519 = arith.constant 0 : i32
      %dma_wait3A_520 = tpu.memref_slice %arg9[%add3A_506, %dma_wait3A_519] : memref<500x80xi32, #tpu.memory_space<vmem>> -> memref<1x80xi32, #tpu.memory_space<vmem>>
      %dma_wait3A_521 = tpu.memref_squeeze %dma_wait3A_520 : memref<1x80xi32, #tpu.memory_space<vmem>> -> memref<80xi32, #tpu.memory_space<vmem>>
      %dma_wait3A_522 = arith.constant 0 : i32
      %dma_wait3A_523 = arith.constant 0 : i32
      %dma_wait3A_524 = tpu.memref_slice %arg2[%dma_wait3A_522, %dma_wait3A_523] : memref<40000x32xf32, #tpu.memory_space<hbm>> -> memref<40000x32xf32, #tpu.memory_space<hbm>>
      tpu.wait_indirect_dma semaphore(%arg23 : memref<!tpu.dma_semaphore, #tpu.memory_space<semaphore_mem>>) src(%dma_wait3A_524 : memref<40000x32xf32, #tpu.memory_space<hbm>>) dst(%arg15 : memref<80x32xf32, #tpu.memory_space<vmem>>)
      "tpu.region"() ({
        %run_scoped3A_525 = tpu.sem_alloc : memref<!tpu.dma_semaphore, #tpu.memory_space<semaphore_mem>>
        %dma_start3A_526 = arith.constant 0 : i32
        %dma_start3A_527 = tpu.memref_slice %arg10[%add3A_506, %dma_start3A_526] : memref<500x80xi32, #tpu.memory_space<vmem>> -> memref<1x80xi32, #tpu.memory_space<vmem>>
        %dma_start3A_528 = tpu.memref_squeeze %dma_start3A_527 : memref<1x80xi32, #tpu.memory_space<vmem>> -> memref<80xi32, #tpu.memory_space<vmem>>
        %dma_start3A_529 = arith.constant 0 : i32
        %dma_start3A_530 = arith.constant 0 : i32
        %dma_start3A_531 = tpu.memref_slice %arg25[%dma_start3A_529, %dma_start3A_530] : memref<10240x32xf32, #tpu.memory_space<vmem_shared>> -> memref<10240x32xf32, #tpu.memory_space<vmem_shared>>
        tpu.enqueue_indirect_dma source(%arg15 : memref<80x32xf32, #tpu.memory_space<vmem>>) target(%dma_start3A_531 : memref<10240x32xf32, #tpu.memory_space<vmem_shared>>) offsets(%dma_start3A_528 : memref<80xi32, #tpu.memory_space<vmem>>) semaphore(%run_scoped3A_525 : memref<!tpu.dma_semaphore, #tpu.memory_space<semaphore_mem>>) {add = true}
        %dma_wait3A_532 = arith.constant 0 : i32
        %dma_wait3A_533 = tpu.memref_slice %arg10[%add3A_506, %dma_wait3A_532] : memref<500x80xi32, #tpu.memory_space<vmem>> -> memref<1x80xi32, #tpu.memory_space<vmem>>
        %dma_wait3A_534 = tpu.memref_squeeze %dma_wait3A_533 : memref<1x80xi32, #tpu.memory_space<vmem>> -> memref<80xi32, #tpu.memory_space<vmem>>
        %dma_wait3A_535 = arith.constant 0 : i32
        %dma_wait3A_536 = arith.constant 0 : i32
        %dma_wait3A_537 = tpu.memref_slice %arg25[%dma_wait3A_535, %dma_wait3A_536] : memref<10240x32xf32, #tpu.memory_space<vmem_shared>> -> memref<10240x32xf32, #tpu.memory_space<vmem_shared>>
        tpu.wait_indirect_dma semaphore(%run_scoped3A_525 : memref<!tpu.dma_semaphore, #tpu.memory_space<semaphore_mem>>) src(%arg15 : memref<80x32xf32, #tpu.memory_space<vmem>>) dst(%dma_wait3A_537 : memref<10240x32xf32, #tpu.memory_space<vmem_shared>>)
        tpu.yield
      }) : () -> ()
    }
    %scan3A_304 = arith.constant 99 : i32
    %min3A_305 = arith.constant 499 : i32
    %min3A_306 = arith.constant 499 : i32
    %min3A_307 = arith.minsi %min3A_305, %min3A_306 : i32
    %dma_start3A_308 = arith.constant 0 : i32
    %dma_start3A_309 = tpu.memref_slice %arg9[%min3A_307, %dma_start3A_308] : memref<500x80xi32, #tpu.memory_space<vmem>> -> memref<1x80xi32, #tpu.memory_space<vmem>>
    %dma_start3A_310 = tpu.memref_squeeze %dma_start3A_309 : memref<1x80xi32, #tpu.memory_space<vmem>> -> memref<80xi32, #tpu.memory_space<vmem>>
    %dma_start3A_311 = arith.constant 0 : i32
    %dma_start3A_312 = arith.constant 0 : i32
    %dma_start3A_313 = tpu.memref_slice %arg2[%dma_start3A_311, %dma_start3A_312] : memref<40000x32xf32, #tpu.memory_space<hbm>> -> memref<40000x32xf32, #tpu.memory_space<hbm>>
    tpu.enqueue_indirect_dma source(%dma_start3A_313 : memref<40000x32xf32, #tpu.memory_space<hbm>>) target(%arg15 : memref<80x32xf32, #tpu.memory_space<vmem>>) offsets(%dma_start3A_310 : memref<80xi32, #tpu.memory_space<vmem>>) semaphore(%arg23 : memref<!tpu.dma_semaphore, #tpu.memory_space<semaphore_mem>>)
    %dma_wait3A_314 = arith.constant 495 : i32
    %dma_wait3A_315 = arith.constant 0 : i32
    %dma_wait3A_316 = tpu.memref_slice %arg9[%dma_wait3A_314, %dma_wait3A_315] : memref<500x80xi32, #tpu.memory_space<vmem>> -> memref<1x80xi32, #tpu.memory_space<vmem>>
    %dma_wait3A_317 = tpu.memref_squeeze %dma_wait3A_316 : memref<1x80xi32, #tpu.memory_space<vmem>> -> memref<80xi32, #tpu.memory_space<vmem>>
    %dma_wait3A_318 = arith.constant 0 : i32
    %dma_wait3A_319 = arith.constant 0 : i32
    %dma_wait3A_320 = tpu.memref_slice %arg2[%dma_wait3A_318, %dma_wait3A_319] : memref<40000x32xf32, #tpu.memory_space<hbm>> -> memref<40000x32xf32, #tpu.memory_space<hbm>>
    tpu.wait_indirect_dma semaphore(%arg19 : memref<!tpu.dma_semaphore, #tpu.memory_space<semaphore_mem>>) src(%dma_wait3A_320 : memref<40000x32xf32, #tpu.memory_space<hbm>>) dst(%arg11 : memref<80x32xf32, #tpu.memory_space<vmem>>)
    %run_scoped3A_321 = arith.constant 495 : i32
    "tpu.region"() ({
      %run_scoped3A_423 = tpu.sem_alloc : memref<!tpu.dma_semaphore, #tpu.memory_space<semaphore_mem>>
      %dma_start3A_424 = arith.constant 0 : i32
      %dma_start3A_425 = tpu.memref_slice %arg10[%run_scoped3A_321, %dma_start3A_424] : memref<500x80xi32, #tpu.memory_space<vmem>> -> memref<1x80xi32, #tpu.memory_space<vmem>>
      %dma_start3A_426 = tpu.memref_squeeze %dma_start3A_425 : memref<1x80xi32, #tpu.memory_space<vmem>> -> memref<80xi32, #tpu.memory_space<vmem>>
      %dma_start3A_427 = arith.constant 0 : i32
      %dma_start3A_428 = arith.constant 0 : i32
      %dma_start3A_429 = tpu.memref_slice %arg25[%dma_start3A_427, %dma_start3A_428] : memref<10240x32xf32, #tpu.memory_space<vmem_shared>> -> memref<10240x32xf32, #tpu.memory_space<vmem_shared>>
      tpu.enqueue_indirect_dma source(%arg11 : memref<80x32xf32, #tpu.memory_space<vmem>>) target(%dma_start3A_429 : memref<10240x32xf32, #tpu.memory_space<vmem_shared>>) offsets(%dma_start3A_426 : memref<80xi32, #tpu.memory_space<vmem>>) semaphore(%run_scoped3A_423 : memref<!tpu.dma_semaphore, #tpu.memory_space<semaphore_mem>>) {add = true}
      %dma_wait3A_430 = arith.constant 0 : i32
      %dma_wait3A_431 = tpu.memref_slice %arg10[%run_scoped3A_321, %dma_wait3A_430] : memref<500x80xi32, #tpu.memory_space<vmem>> -> memref<1x80xi32, #tpu.memory_space<vmem>>
      %dma_wait3A_432 = tpu.memref_squeeze %dma_wait3A_431 : memref<1x80xi32, #tpu.memory_space<vmem>> -> memref<80xi32, #tpu.memory_space<vmem>>
      %dma_wait3A_433 = arith.constant 0 : i32
      %dma_wait3A_434 = arith.constant 0 : i32
      %dma_wait3A_435 = tpu.memref_slice %arg25[%dma_wait3A_433, %dma_wait3A_434] : memref<10240x32xf32, #tpu.memory_space<vmem_shared>> -> memref<10240x32xf32, #tpu.memory_space<vmem_shared>>
      tpu.wait_indirect_dma semaphore(%run_scoped3A_423 : memref<!tpu.dma_semaphore, #tpu.memory_space<semaphore_mem>>) src(%arg11 : memref<80x32xf32, #tpu.memory_space<vmem>>) dst(%dma_wait3A_435 : memref<10240x32xf32, #tpu.memory_space<vmem_shared>>)
      tpu.yield
    }) : () -> ()
    %min3A_322 = arith.constant 500 : i32
    %min3A_323 = arith.constant 499 : i32
    %min3A_324 = arith.minsi %min3A_322, %min3A_323 : i32
    %dma_start3A_325 = arith.constant 0 : i32
    %dma_start3A_326 = tpu.memref_slice %arg9[%min3A_324, %dma_start3A_325] : memref<500x80xi32, #tpu.memory_space<vmem>> -> memref<1x80xi32, #tpu.memory_space<vmem>>
    %dma_start3A_327 = tpu.memref_squeeze %dma_start3A_326 : memref<1x80xi32, #tpu.memory_space<vmem>> -> memref<80xi32, #tpu.memory_space<vmem>>
    %dma_start3A_328 = arith.constant 0 : i32
    %dma_start3A_329 = arith.constant 0 : i32
    %dma_start3A_330 = tpu.memref_slice %arg2[%dma_start3A_328, %dma_start3A_329] : memref<40000x32xf32, #tpu.memory_space<hbm>> -> memref<40000x32xf32, #tpu.memory_space<hbm>>
    tpu.enqueue_indirect_dma source(%dma_start3A_330 : memref<40000x32xf32, #tpu.memory_space<hbm>>) target(%arg11 : memref<80x32xf32, #tpu.memory_space<vmem>>) offsets(%dma_start3A_327 : memref<80xi32, #tpu.memory_space<vmem>>) semaphore(%arg19 : memref<!tpu.dma_semaphore, #tpu.memory_space<semaphore_mem>>)
    %dma_wait3A_331 = arith.constant 496 : i32
    %dma_wait3A_332 = arith.constant 0 : i32
    %dma_wait3A_333 = tpu.memref_slice %arg9[%dma_wait3A_331, %dma_wait3A_332] : memref<500x80xi32, #tpu.memory_space<vmem>> -> memref<1x80xi32, #tpu.memory_space<vmem>>
    %dma_wait3A_334 = tpu.memref_squeeze %dma_wait3A_333 : memref<1x80xi32, #tpu.memory_space<vmem>> -> memref<80xi32, #tpu.memory_space<vmem>>
    %dma_wait3A_335 = arith.constant 0 : i32
    %dma_wait3A_336 = arith.constant 0 : i32
    %dma_wait3A_337 = tpu.memref_slice %arg2[%dma_wait3A_335, %dma_wait3A_336] : memref<40000x32xf32, #tpu.memory_space<hbm>> -> memref<40000x32xf32, #tpu.memory_space<hbm>>
    tpu.wait_indirect_dma semaphore(%arg20 : memref<!tpu.dma_semaphore, #tpu.memory_space<semaphore_mem>>) src(%dma_wait3A_337 : memref<40000x32xf32, #tpu.memory_space<hbm>>) dst(%arg12 : memref<80x32xf32, #tpu.memory_space<vmem>>)
    %run_scoped3A_338 = arith.constant 496 : i32
    "tpu.region"() ({
      %run_scoped3A_423 = tpu.sem_alloc : memref<!tpu.dma_semaphore, #tpu.memory_space<semaphore_mem>>
      %dma_start3A_424 = arith.constant 0 : i32
      %dma_start3A_425 = tpu.memref_slice %arg10[%run_scoped3A_338, %dma_start3A_424] : memref<500x80xi32, #tpu.memory_space<vmem>> -> memref<1x80xi32, #tpu.memory_space<vmem>>
      %dma_start3A_426 = tpu.memref_squeeze %dma_start3A_425 : memref<1x80xi32, #tpu.memory_space<vmem>> -> memref<80xi32, #tpu.memory_space<vmem>>
      %dma_start3A_427 = arith.constant 0 : i32
      %dma_start3A_428 = arith.constant 0 : i32
      %dma_start3A_429 = tpu.memref_slice %arg25[%dma_start3A_427, %dma_start3A_428] : memref<10240x32xf32, #tpu.memory_space<vmem_shared>> -> memref<10240x32xf32, #tpu.memory_space<vmem_shared>>
      tpu.enqueue_indirect_dma source(%arg12 : memref<80x32xf32, #tpu.memory_space<vmem>>) target(%dma_start3A_429 : memref<10240x32xf32, #tpu.memory_space<vmem_shared>>) offsets(%dma_start3A_426 : memref<80xi32, #tpu.memory_space<vmem>>) semaphore(%run_scoped3A_423 : memref<!tpu.dma_semaphore, #tpu.memory_space<semaphore_mem>>) {add = true}
      %dma_wait3A_430 = arith.constant 0 : i32
      %dma_wait3A_431 = tpu.memref_slice %arg10[%run_scoped3A_338, %dma_wait3A_430] : memref<500x80xi32, #tpu.memory_space<vmem>> -> memref<1x80xi32, #tpu.memory_space<vmem>>
      %dma_wait3A_432 = tpu.memref_squeeze %dma_wait3A_431 : memref<1x80xi32, #tpu.memory_space<vmem>> -> memref<80xi32, #tpu.memory_space<vmem>>
      %dma_wait3A_433 = arith.constant 0 : i32
      %dma_wait3A_434 = arith.constant 0 : i32
      %dma_wait3A_435 = tpu.memref_slice %arg25[%dma_wait3A_433, %dma_wait3A_434] : memref<10240x32xf32, #tpu.memory_space<vmem_shared>> -> memref<10240x32xf32, #tpu.memory_space<vmem_shared>>
      tpu.wait_indirect_dma semaphore(%run_scoped3A_423 : memref<!tpu.dma_semaphore, #tpu.memory_space<semaphore_mem>>) src(%arg12 : memref<80x32xf32, #tpu.memory_space<vmem>>) dst(%dma_wait3A_435 : memref<10240x32xf32, #tpu.memory_space<vmem_shared>>)
      tpu.yield
    }) : () -> ()
    %min3A_339 = arith.constant 501 : i32
    %min3A_340 = arith.constant 499 : i32
    %min3A_341 = arith.minsi %min3A_339, %min3A_340 : i32
    %dma_start3A_342 = arith.constant 0 : i32
    %dma_start3A_343 = tpu.memref_slice %arg9[%min3A_341, %dma_start3A_342] : memref<500x80xi32, #tpu.memory_space<vmem>> -> memref<1x80xi32, #tpu.memory_space<vmem>>
    %dma_start3A_344 = tpu.memref_squeeze %dma_start3A_343 : memref<1x80xi32, #tpu.memory_space<vmem>> -> memref<80xi32, #tpu.memory_space<vmem>>
    %dma_start3A_345 = arith.constant 0 : i32
    %dma_start3A_346 = arith.constant 0 : i32
    %dma_start3A_347 = tpu.memref_slice %arg2[%dma_start3A_345, %dma_start3A_346] : memref<40000x32xf32, #tpu.memory_space<hbm>> -> memref<40000x32xf32, #tpu.memory_space<hbm>>
    tpu.enqueue_indirect_dma source(%dma_start3A_347 : memref<40000x32xf32, #tpu.memory_space<hbm>>) target(%arg12 : memref<80x32xf32, #tpu.memory_space<vmem>>) offsets(%dma_start3A_344 : memref<80xi32, #tpu.memory_space<vmem>>) semaphore(%arg20 : memref<!tpu.dma_semaphore, #tpu.memory_space<semaphore_mem>>)
    %dma_wait3A_348 = arith.constant 497 : i32
    %dma_wait3A_349 = arith.constant 0 : i32
    %dma_wait3A_350 = tpu.memref_slice %arg9[%dma_wait3A_348, %dma_wait3A_349] : memref<500x80xi32, #tpu.memory_space<vmem>> -> memref<1x80xi32, #tpu.memory_space<vmem>>
    %dma_wait3A_351 = tpu.memref_squeeze %dma_wait3A_350 : memref<1x80xi32, #tpu.memory_space<vmem>> -> memref<80xi32, #tpu.memory_space<vmem>>
    %dma_wait3A_352 = arith.constant 0 : i32
    %dma_wait3A_353 = arith.constant 0 : i32
    %dma_wait3A_354 = tpu.memref_slice %arg2[%dma_wait3A_352, %dma_wait3A_353] : memref<40000x32xf32, #tpu.memory_space<hbm>> -> memref<40000x32xf32, #tpu.memory_space<hbm>>
    tpu.wait_indirect_dma semaphore(%arg21 : memref<!tpu.dma_semaphore, #tpu.memory_space<semaphore_mem>>) src(%dma_wait3A_354 : memref<40000x32xf32, #tpu.memory_space<hbm>>) dst(%arg13 : memref<80x32xf32, #tpu.memory_space<vmem>>)
    %run_scoped3A_355 = arith.constant 497 : i32
    "tpu.region"() ({
      %run_scoped3A_423 = tpu.sem_alloc : memref<!tpu.dma_semaphore, #tpu.memory_space<semaphore_mem>>
      %dma_start3A_424 = arith.constant 0 : i32
      %dma_start3A_425 = tpu.memref_slice %arg10[%run_scoped3A_355, %dma_start3A_424] : memref<500x80xi32, #tpu.memory_space<vmem>> -> memref<1x80xi32, #tpu.memory_space<vmem>>
      %dma_start3A_426 = tpu.memref_squeeze %dma_start3A_425 : memref<1x80xi32, #tpu.memory_space<vmem>> -> memref<80xi32, #tpu.memory_space<vmem>>
      %dma_start3A_427 = arith.constant 0 : i32
      %dma_start3A_428 = arith.constant 0 : i32
      %dma_start3A_429 = tpu.memref_slice %arg25[%dma_start3A_427, %dma_start3A_428] : memref<10240x32xf32, #tpu.memory_space<vmem_shared>> -> memref<10240x32xf32, #tpu.memory_space<vmem_shared>>
      tpu.enqueue_indirect_dma source(%arg13 : memref<80x32xf32, #tpu.memory_space<vmem>>) target(%dma_start3A_429 : memref<10240x32xf32, #tpu.memory_space<vmem_shared>>) offsets(%dma_start3A_426 : memref<80xi32, #tpu.memory_space<vmem>>) semaphore(%run_scoped3A_423 : memref<!tpu.dma_semaphore, #tpu.memory_space<semaphore_mem>>) {add = true}
      %dma_wait3A_430 = arith.constant 0 : i32
      %dma_wait3A_431 = tpu.memref_slice %arg10[%run_scoped3A_355, %dma_wait3A_430] : memref<500x80xi32, #tpu.memory_space<vmem>> -> memref<1x80xi32, #tpu.memory_space<vmem>>
      %dma_wait3A_432 = tpu.memref_squeeze %dma_wait3A_431 : memref<1x80xi32, #tpu.memory_space<vmem>> -> memref<80xi32, #tpu.memory_space<vmem>>
      %dma_wait3A_433 = arith.constant 0 : i32
      %dma_wait3A_434 = arith.constant 0 : i32
      %dma_wait3A_435 = tpu.memref_slice %arg25[%dma_wait3A_433, %dma_wait3A_434] : memref<10240x32xf32, #tpu.memory_space<vmem_shared>> -> memref<10240x32xf32, #tpu.memory_space<vmem_shared>>
      tpu.wait_indirect_dma semaphore(%run_scoped3A_423 : memref<!tpu.dma_semaphore, #tpu.memory_space<semaphore_mem>>) src(%arg13 : memref<80x32xf32, #tpu.memory_space<vmem>>) dst(%dma_wait3A_435 : memref<10240x32xf32, #tpu.memory_space<vmem_shared>>)
      tpu.yield
    }) : () -> ()
    %min3A_356 = arith.constant 502 : i32
    %min3A_357 = arith.constant 499 : i32
    %min3A_358 = arith.minsi %min3A_356, %min3A_357 : i32
    %dma_start3A_359 = arith.constant 0 : i32
    %dma_start3A_360 = tpu.memref_slice %arg9[%min3A_358, %dma_start3A_359] : memref<500x80xi32, #tpu.memory_space<vmem>> -> memref<1x80xi32, #tpu.memory_space<vmem>>
    %dma_start3A_361 = tpu.memref_squeeze %dma_start3A_360 : memref<1x80xi32, #tpu.memory_space<vmem>> -> memref<80xi32, #tpu.memory_space<vmem>>
    %dma_start3A_362 = arith.constant 0 : i32
    %dma_start3A_363 = arith.constant 0 : i32
    %dma_start3A_364 = tpu.memref_slice %arg2[%dma_start3A_362, %dma_start3A_363] : memref<40000x32xf32, #tpu.memory_space<hbm>> -> memref<40000x32xf32, #tpu.memory_space<hbm>>
    tpu.enqueue_indirect_dma source(%dma_start3A_364 : memref<40000x32xf32, #tpu.memory_space<hbm>>) target(%arg13 : memref<80x32xf32, #tpu.memory_space<vmem>>) offsets(%dma_start3A_361 : memref<80xi32, #tpu.memory_space<vmem>>) semaphore(%arg21 : memref<!tpu.dma_semaphore, #tpu.memory_space<semaphore_mem>>)
    %dma_wait3A_365 = arith.constant 498 : i32
    %dma_wait3A_366 = arith.constant 0 : i32
    %dma_wait3A_367 = tpu.memref_slice %arg9[%dma_wait3A_365, %dma_wait3A_366] : memref<500x80xi32, #tpu.memory_space<vmem>> -> memref<1x80xi32, #tpu.memory_space<vmem>>
    %dma_wait3A_368 = tpu.memref_squeeze %dma_wait3A_367 : memref<1x80xi32, #tpu.memory_space<vmem>> -> memref<80xi32, #tpu.memory_space<vmem>>
    %dma_wait3A_369 = arith.constant 0 : i32
    %dma_wait3A_370 = arith.constant 0 : i32
    %dma_wait3A_371 = tpu.memref_slice %arg2[%dma_wait3A_369, %dma_wait3A_370] : memref<40000x32xf32, #tpu.memory_space<hbm>> -> memref<40000x32xf32, #tpu.memory_space<hbm>>
    tpu.wait_indirect_dma semaphore(%arg22 : memref<!tpu.dma_semaphore, #tpu.memory_space<semaphore_mem>>) src(%dma_wait3A_371 : memref<40000x32xf32, #tpu.memory_space<hbm>>) dst(%arg14 : memref<80x32xf32, #tpu.memory_space<vmem>>)
    %run_scoped3A_372 = arith.constant 498 : i32
    "tpu.region"() ({
      %run_scoped3A_423 = tpu.sem_alloc : memref<!tpu.dma_semaphore, #tpu.memory_space<semaphore_mem>>
      %dma_start3A_424 = arith.constant 0 : i32
      %dma_start3A_425 = tpu.memref_slice %arg10[%run_scoped3A_372, %dma_start3A_424] : memref<500x80xi32, #tpu.memory_space<vmem>> -> memref<1x80xi32, #tpu.memory_space<vmem>>
      %dma_start3A_426 = tpu.memref_squeeze %dma_start3A_425 : memref<1x80xi32, #tpu.memory_space<vmem>> -> memref<80xi32, #tpu.memory_space<vmem>>
      %dma_start3A_427 = arith.constant 0 : i32
      %dma_start3A_428 = arith.constant 0 : i32
      %dma_start3A_429 = tpu.memref_slice %arg25[%dma_start3A_427, %dma_start3A_428] : memref<10240x32xf32, #tpu.memory_space<vmem_shared>> -> memref<10240x32xf32, #tpu.memory_space<vmem_shared>>
      tpu.enqueue_indirect_dma source(%arg14 : memref<80x32xf32, #tpu.memory_space<vmem>>) target(%dma_start3A_429 : memref<10240x32xf32, #tpu.memory_space<vmem_shared>>) offsets(%dma_start3A_426 : memref<80xi32, #tpu.memory_space<vmem>>) semaphore(%run_scoped3A_423 : memref<!tpu.dma_semaphore, #tpu.memory_space<semaphore_mem>>) {add = true}
      %dma_wait3A_430 = arith.constant 0 : i32
      %dma_wait3A_431 = tpu.memref_slice %arg10[%run_scoped3A_372, %dma_wait3A_430] : memref<500x80xi32, #tpu.memory_space<vmem>> -> memref<1x80xi32, #tpu.memory_space<vmem>>
      %dma_wait3A_432 = tpu.memref_squeeze %dma_wait3A_431 : memref<1x80xi32, #tpu.memory_space<vmem>> -> memref<80xi32, #tpu.memory_space<vmem>>
      %dma_wait3A_433 = arith.constant 0 : i32
      %dma_wait3A_434 = arith.constant 0 : i32
      %dma_wait3A_435 = tpu.memref_slice %arg25[%dma_wait3A_433, %dma_wait3A_434] : memref<10240x32xf32, #tpu.memory_space<vmem_shared>> -> memref<10240x32xf32, #tpu.memory_space<vmem_shared>>
      tpu.wait_indirect_dma semaphore(%run_scoped3A_423 : memref<!tpu.dma_semaphore, #tpu.memory_space<semaphore_mem>>) src(%arg14 : memref<80x32xf32, #tpu.memory_space<vmem>>) dst(%dma_wait3A_435 : memref<10240x32xf32, #tpu.memory_space<vmem_shared>>)
      tpu.yield
    }) : () -> ()
    %min3A_373 = arith.constant 503 : i32
    %min3A_374 = arith.constant 499 : i32
    %min3A_375 = arith.minsi %min3A_373, %min3A_374 : i32
    %dma_start3A_376 = arith.constant 0 : i32
    %dma_start3A_377 = tpu.memref_slice %arg9[%min3A_375, %dma_start3A_376] : memref<500x80xi32, #tpu.memory_space<vmem>> -> memref<1x80xi32, #tpu.memory_space<vmem>>
    %dma_start3A_378 = tpu.memref_squeeze %dma_start3A_377 : memref<1x80xi32, #tpu.memory_space<vmem>> -> memref<80xi32, #tpu.memory_space<vmem>>
    %dma_start3A_379 = arith.constant 0 : i32
    %dma_start3A_380 = arith.constant 0 : i32
    %dma_start3A_381 = tpu.memref_slice %arg2[%dma_start3A_379, %dma_start3A_380] : memref<40000x32xf32, #tpu.memory_space<hbm>> -> memref<40000x32xf32, #tpu.memory_space<hbm>>
    tpu.enqueue_indirect_dma source(%dma_start3A_381 : memref<40000x32xf32, #tpu.memory_space<hbm>>) target(%arg14 : memref<80x32xf32, #tpu.memory_space<vmem>>) offsets(%dma_start3A_378 : memref<80xi32, #tpu.memory_space<vmem>>) semaphore(%arg22 : memref<!tpu.dma_semaphore, #tpu.memory_space<semaphore_mem>>)
    %dma_wait3A_382 = arith.constant 499 : i32
    %dma_wait3A_383 = arith.constant 0 : i32
    %dma_wait3A_384 = tpu.memref_slice %arg9[%dma_wait3A_382, %dma_wait3A_383] : memref<500x80xi32, #tpu.memory_space<vmem>> -> memref<1x80xi32, #tpu.memory_space<vmem>>
    %dma_wait3A_385 = tpu.memref_squeeze %dma_wait3A_384 : memref<1x80xi32, #tpu.memory_space<vmem>> -> memref<80xi32, #tpu.memory_space<vmem>>
    %dma_wait3A_386 = arith.constant 0 : i32
    %dma_wait3A_387 = arith.constant 0 : i32
    %dma_wait3A_388 = tpu.memref_slice %arg2[%dma_wait3A_386, %dma_wait3A_387] : memref<40000x32xf32, #tpu.memory_space<hbm>> -> memref<40000x32xf32, #tpu.memory_space<hbm>>
    tpu.wait_indirect_dma semaphore(%arg23 : memref<!tpu.dma_semaphore, #tpu.memory_space<semaphore_mem>>) src(%dma_wait3A_388 : memref<40000x32xf32, #tpu.memory_space<hbm>>) dst(%arg15 : memref<80x32xf32, #tpu.memory_space<vmem>>)
    %run_scoped3A_389 = arith.constant 499 : i32
    "tpu.region"() ({
      %run_scoped3A_423 = tpu.sem_alloc : memref<!tpu.dma_semaphore, #tpu.memory_space<semaphore_mem>>
      %dma_start3A_424 = arith.constant 0 : i32
      %dma_start3A_425 = tpu.memref_slice %arg10[%run_scoped3A_389, %dma_start3A_424] : memref<500x80xi32, #tpu.memory_space<vmem>> -> memref<1x80xi32, #tpu.memory_space<vmem>>
      %dma_start3A_426 = tpu.memref_squeeze %dma_start3A_425 : memref<1x80xi32, #tpu.memory_space<vmem>> -> memref<80xi32, #tpu.memory_space<vmem>>
      %dma_start3A_427 = arith.constant 0 : i32
      %dma_start3A_428 = arith.constant 0 : i32
      %dma_start3A_429 = tpu.memref_slice %arg25[%dma_start3A_427, %dma_start3A_428] : memref<10240x32xf32, #tpu.memory_space<vmem_shared>> -> memref<10240x32xf32, #tpu.memory_space<vmem_shared>>
      tpu.enqueue_indirect_dma source(%arg15 : memref<80x32xf32, #tpu.memory_space<vmem>>) target(%dma_start3A_429 : memref<10240x32xf32, #tpu.memory_space<vmem_shared>>) offsets(%dma_start3A_426 : memref<80xi32, #tpu.memory_space<vmem>>) semaphore(%run_scoped3A_423 : memref<!tpu.dma_semaphore, #tpu.memory_space<semaphore_mem>>) {add = true}
      %dma_wait3A_430 = arith.constant 0 : i32
      %dma_wait3A_431 = tpu.memref_slice %arg10[%run_scoped3A_389, %dma_wait3A_430] : memref<500x80xi32, #tpu.memory_space<vmem>> -> memref<1x80xi32, #tpu.memory_space<vmem>>
      %dma_wait3A_432 = tpu.memref_squeeze %dma_wait3A_431 : memref<1x80xi32, #tpu.memory_space<vmem>> -> memref<80xi32, #tpu.memory_space<vmem>>
      %dma_wait3A_433 = arith.constant 0 : i32
      %dma_wait3A_434 = arith.constant 0 : i32
      %dma_wait3A_435 = tpu.memref_slice %arg25[%dma_wait3A_433, %dma_wait3A_434] : memref<10240x32xf32, #tpu.memory_space<vmem_shared>> -> memref<10240x32xf32, #tpu.memory_space<vmem_shared>>
      tpu.wait_indirect_dma semaphore(%run_scoped3A_423 : memref<!tpu.dma_semaphore, #tpu.memory_space<semaphore_mem>>) src(%arg15 : memref<80x32xf32, #tpu.memory_space<vmem>>) dst(%dma_wait3A_435 : memref<10240x32xf32, #tpu.memory_space<vmem_shared>>)
      tpu.yield
    }) : () -> ()
    %dma_wait3A_390 = arith.constant 0 : i32
    %dma_wait3A_391 = arith.constant 0 : i32
    %dma_wait3A_392 = tpu.memref_slice %arg9[%dma_wait3A_390, %dma_wait3A_391] : memref<500x80xi32, #tpu.memory_space<vmem>> -> memref<1x80xi32, #tpu.memory_space<vmem>>
    %dma_wait3A_393 = tpu.memref_squeeze %dma_wait3A_392 : memref<1x80xi32, #tpu.memory_space<vmem>> -> memref<80xi32, #tpu.memory_space<vmem>>
    %dma_wait3A_394 = arith.constant 0 : i32
    %dma_wait3A_395 = arith.constant 0 : i32
    %dma_wait3A_396 = tpu.memref_slice %arg2[%dma_wait3A_394, %dma_wait3A_395] : memref<40000x32xf32, #tpu.memory_space<hbm>> -> memref<40000x32xf32, #tpu.memory_space<hbm>>
    tpu.wait_indirect_dma semaphore(%arg19 : memref<!tpu.dma_semaphore, #tpu.memory_space<semaphore_mem>>) src(%dma_wait3A_396 : memref<40000x32xf32, #tpu.memory_space<hbm>>) dst(%arg11 : memref<80x32xf32, #tpu.memory_space<vmem>>)
    %dma_wait3A_397 = arith.constant 0 : i32
    %dma_wait3A_398 = arith.constant 0 : i32
    %dma_wait3A_399 = tpu.memref_slice %arg9[%dma_wait3A_397, %dma_wait3A_398] : memref<500x80xi32, #tpu.memory_space<vmem>> -> memref<1x80xi32, #tpu.memory_space<vmem>>
    %dma_wait3A_400 = tpu.memref_squeeze %dma_wait3A_399 : memref<1x80xi32, #tpu.memory_space<vmem>> -> memref<80xi32, #tpu.memory_space<vmem>>
    %dma_wait3A_401 = arith.constant 0 : i32
    %dma_wait3A_402 = arith.constant 0 : i32
    %dma_wait3A_403 = tpu.memref_slice %arg2[%dma_wait3A_401, %dma_wait3A_402] : memref<40000x32xf32, #tpu.memory_space<hbm>> -> memref<40000x32xf32, #tpu.memory_space<hbm>>
    tpu.wait_indirect_dma semaphore(%arg20 : memref<!tpu.dma_semaphore, #tpu.memory_space<semaphore_mem>>) src(%dma_wait3A_403 : memref<40000x32xf32, #tpu.memory_space<hbm>>) dst(%arg12 : memref<80x32xf32, #tpu.memory_space<vmem>>)
    %dma_wait3A_404 = arith.constant 0 : i32
    %dma_wait3A_405 = arith.constant 0 : i32
    %dma_wait3A_406 = tpu.memref_slice %arg9[%dma_wait3A_404, %dma_wait3A_405] : memref<500x80xi32, #tpu.memory_space<vmem>> -> memref<1x80xi32, #tpu.memory_space<vmem>>
    %dma_wait3A_407 = tpu.memref_squeeze %dma_wait3A_406 : memref<1x80xi32, #tpu.memory_space<vmem>> -> memref<80xi32, #tpu.memory_space<vmem>>
    %dma_wait3A_408 = arith.constant 0 : i32
    %dma_wait3A_409 = arith.constant 0 : i32
    %dma_wait3A_410 = tpu.memref_slice %arg2[%dma_wait3A_408, %dma_wait3A_409] : memref<40000x32xf32, #tpu.memory_space<hbm>> -> memref<40000x32xf32, #tpu.memory_space<hbm>>
    tpu.wait_indirect_dma semaphore(%arg21 : memref<!tpu.dma_semaphore, #tpu.memory_space<semaphore_mem>>) src(%dma_wait3A_410 : memref<40000x32xf32, #tpu.memory_space<hbm>>) dst(%arg13 : memref<80x32xf32, #tpu.memory_space<vmem>>)
    %dma_wait3A_411 = arith.constant 0 : i32
    %dma_wait3A_412 = arith.constant 0 : i32
    %dma_wait3A_413 = tpu.memref_slice %arg9[%dma_wait3A_411, %dma_wait3A_412] : memref<500x80xi32, #tpu.memory_space<vmem>> -> memref<1x80xi32, #tpu.memory_space<vmem>>
    %dma_wait3A_414 = tpu.memref_squeeze %dma_wait3A_413 : memref<1x80xi32, #tpu.memory_space<vmem>> -> memref<80xi32, #tpu.memory_space<vmem>>
    %dma_wait3A_415 = arith.constant 0 : i32
    %dma_wait3A_416 = arith.constant 0 : i32
    %dma_wait3A_417 = tpu.memref_slice %arg2[%dma_wait3A_415, %dma_wait3A_416] : memref<40000x32xf32, #tpu.memory_space<hbm>> -> memref<40000x32xf32, #tpu.memory_space<hbm>>
    tpu.wait_indirect_dma semaphore(%arg22 : memref<!tpu.dma_semaphore, #tpu.memory_space<semaphore_mem>>) src(%dma_wait3A_417 : memref<40000x32xf32, #tpu.memory_space<hbm>>) dst(%arg14 : memref<80x32xf32, #tpu.memory_space<vmem>>)
    %barrier3A_418 = arith.constant 0 : index
    tpu.barrier barrier_id(%barrier3A_418)
    %mul3A_419 = arith.constant 2 : i32
    %mul3A_420 = arith.muli %arg0, %mul3A_419 : i32
    %add3A_421 = arith.constant 1 : i32
    %add3A_422 = arith.addi %mul3A_420, %add3A_421 : i32
    "tpu.region"() ({
      %run_scoped3A_423 = tpu.sem_alloc : memref<!tpu.dma_semaphore, #tpu.memory_space<semaphore_mem>>
      %dma_start3A_424 = arith.constant 0 : i32
      %dma_start3A_425 = tpu.memref_slice %arg7[%add3A_422, %mul3A_6, %dma_start3A_424] : memref<4x10240x32xf32, #tpu.memory_space<hbm>> -> memref<1x640x32xf32, #tpu.memory_space<hbm>>
      %dma_start3A_426 = tpu.memref_squeeze %dma_start3A_425 : memref<1x640x32xf32, #tpu.memory_space<hbm>> -> memref<640x32xf32, #tpu.memory_space<hbm>>
      %dma_start3A_427 = arith.constant 0 : i32
      %dma_start3A_428 = tpu.memref_slice %arg25[%mul3A_6, %dma_start3A_427] : memref<10240x32xf32, #tpu.memory_space<vmem_shared>> -> memref<640x32xf32, #tpu.memory_space<vmem_shared>>
      tpu.enqueue_dma source(%dma_start3A_428 : memref<640x32xf32, #tpu.memory_space<vmem_shared>>) target(%dma_start3A_426 : memref<640x32xf32, #tpu.memory_space<hbm>>) target_semaphore(%run_scoped3A_423 : memref<!tpu.dma_semaphore, #tpu.memory_space<semaphore_mem>>)
      %dma_wait3A_429 = arith.constant 0 : i32
      %dma_wait3A_430 = tpu.memref_slice %arg7[%add3A_422, %mul3A_6, %dma_wait3A_429] : memref<4x10240x32xf32, #tpu.memory_space<hbm>> -> memref<1x640x32xf32, #tpu.memory_space<hbm>>
      %dma_wait3A_431 = tpu.memref_squeeze %dma_wait3A_430 : memref<1x640x32xf32, #tpu.memory_space<hbm>> -> memref<640x32xf32, #tpu.memory_space<hbm>>
      %dma_wait3A_432 = arith.constant 0 : i32
      %dma_wait3A_433 = tpu.memref_slice %arg25[%mul3A_6, %dma_wait3A_432] : memref<10240x32xf32, #tpu.memory_space<vmem_shared>> -> memref<640x32xf32, #tpu.memory_space<vmem_shared>>
      tpu.wait_dma2 semaphore(%run_scoped3A_423 : memref<!tpu.dma_semaphore, #tpu.memory_space<semaphore_mem>>) src(%dma_wait3A_433 : memref<640x32xf32, #tpu.memory_space<vmem_shared>>) dst(%dma_wait3A_431 : memref<640x32xf32, #tpu.memory_space<hbm>>)
      tpu.yield
    }) : () -> ()
    return
  }
}

module attributes {stable_mosaic.version = 14 : i64} {
  func.func @_in_body(%arg0: i32, %arg1: memref<1000x128xf32, #tpu.memory_space<vmem>>, %arg2: memref<128x128xf32, #tpu.memory_space<vmem>>, %arg3: memref<1x128xf32, #tpu.memory_space<vmem>>, %arg4: memref<1000x128xf32, #tpu.memory_space<vmem>>) attributes {dimension_semantics = [#tpu.dimension_semantics<arbitrary>], iteration_bounds = array<i64: 10>, scalar_prefetch = 0 : i64, scratch_operands = 0 : i64, tpu.core_type = #tpu.core_type<tc>, window_params = [{transform_indices = @transform_0, window_bounds = array<i64: 1000, 128>}, {pipeline_mode = #tpu.pipeline_mode<synchronous>, transform_indices = @transform_1, window_bounds = array<i64: 128, 128>}, {pipeline_mode = #tpu.pipeline_mode<synchronous>, transform_indices = @transform_2, window_bounds = array<i64: 1, 128>}, {transform_indices = @transform_3, window_bounds = array<i64: 1000, 128>}]} {
    %get3A = arith.constant 0 : index
    %get3A_0 = arith.constant 0 : index
    %get3A_1 = vector.load %arg1[%get3A, %get3A_0] : memref<1000x128xf32, #tpu.memory_space<vmem>>, vector<1000x128xf32>
    %get3A_2 = arith.constant 0 : index
    %get3A_3 = arith.constant 0 : index
    %get3A_4 = vector.load %arg2[%get3A_2, %get3A_3] : memref<128x128xf32, #tpu.memory_space<vmem>>, vector<128x128xf32>
    %dot_general3A = arith.constant dense<0.000000e+00> : vector<1000x128xf32>
    %dot_general3A_5 = tpu.matmul %get3A_1, %get3A_4, %dot_general3A {dimension_numbers = #tpu.dot_dimension_numbers<[1], [1], [0], [0], [0, 0, 1, 0], [], []>, transpose_lhs_hint = false} : vector<1000x128xf32>, vector<128x128xf32>, vector<1000x128xf32> -> vector<1000x128xf32>
    %get3A_6 = arith.constant 0 : index
    %get3A_7 = arith.constant 0 : index
    %get3A_8 = vector.load %arg3[%get3A_6, %get3A_7] : memref<1x128xf32, #tpu.memory_space<vmem>>, vector<1x128xf32>
    %add3A = vector.broadcast %get3A_8 : vector<1x128xf32> to vector<1000x128xf32>
    %add3A_9 = arith.addf %dot_general3A_5, %add3A : vector<1000x128xf32>
    %max3A = arith.constant 0.000000e+00 : f32
    %max3A_10 = vector.broadcast %max3A : f32 to vector<1000x128xf32>
    %max3A_11 = arith.maximumf %add3A_9, %max3A_10 : vector<1000x128xf32>
    %swap3A = arith.constant 0 : index
    %swap3A_12 = arith.constant 0 : index
    %swap3A_13 = vector.load %arg4[%swap3A, %swap3A_12] : memref<1000x128xf32, #tpu.memory_space<vmem>>, vector<1000x128xf32>
    tpu.vector_store %arg4[%swap3A, %swap3A_12], %max3A_11 {strides = array<i32>} : memref<1000x128xf32, #tpu.memory_space<vmem>>, vector<1000x128xf32>,
    return
  }
  func.func @transform_0(%arg0: i32) -> (i32, i32) {
    %c0_i32 = arith.constant 0 : i32
    %c0_i32_0 = arith.constant 0 : i32
    return %arg0, %c0_i32 : i32, i32
  }
  func.func @transform_1(%arg0: i32) -> (i32, i32) {
    %c0_i32 = arith.constant 0 : i32
    %c0_i32_0 = arith.constant 0 : i32
    %c0_i32_1 = arith.constant 0 : i32
    return %c0_i32, %c0_i32_0 : i32, i32
  }
  func.func @transform_2(%arg0: i32) -> (i32, i32) {
    %c0_i32 = arith.constant 0 : i32
    %c0_i32_0 = arith.constant 0 : i32
    %c0_i32_1 = arith.constant 0 : i32
    return %c0_i32, %c0_i32_0 : i32, i32
  }
  func.func @transform_3(%arg0: i32) -> (i32, i32) {
    %c0_i32 = arith.constant 0 : i32
    %c0_i32_0 = arith.constant 0 : i32
    return %arg0, %c0_i32 : i32, i32
  }
}

module attributes {stable_mosaic.version = 14 : i64} {
  func.func @_layer_body(%arg0: i32, %arg1: memref<1000x128xf32, #tpu.memory_space<vmem>>, %arg2: memref<1x1000x32xf32, #tpu.memory_space<vmem>>, %arg3: memref<1x1000x32xf32, #tpu.memory_space<vmem>>, %arg4: memref<1x1000x32xf32, #tpu.memory_space<vmem>>, %arg5: memref<1x1000x32xf32, #tpu.memory_space<vmem>>, %arg6: memref<1x1000x8xf32, #tpu.memory_space<vmem>>, %arg7: memref<128x128xf32, #tpu.memory_space<vmem>>, %arg8: memref<1x128xf32, #tpu.memory_space<vmem>>, %arg9: memref<128x128xf32, #tpu.memory_space<vmem>>, %arg10: memref<1x128xf32, #tpu.memory_space<vmem>>, %arg11: memref<1x128xf32, #tpu.memory_space<vmem>>, %arg12: memref<1000x128xf32, #tpu.memory_space<vmem>>) attributes {dimension_semantics = [#tpu.dimension_semantics<arbitrary>], iteration_bounds = array<i64: 10>, scalar_prefetch = 0 : i64, scratch_operands = 0 : i64, tpu.core_type = #tpu.core_type<tc>, window_params = [{transform_indices = @transform_0, window_bounds = array<i64: 1000, 128>}, {transform_indices = @transform_1, window_bounds = array<i64: 1, 1000, 32>}, {transform_indices = @transform_2, window_bounds = array<i64: 1, 1000, 32>}, {transform_indices = @transform_3, window_bounds = array<i64: 1, 1000, 32>}, {transform_indices = @transform_4, window_bounds = array<i64: 1, 1000, 32>}, {transform_indices = @transform_5, window_bounds = array<i64: 1, 1000, 8>}, {pipeline_mode = #tpu.pipeline_mode<synchronous>, transform_indices = @transform_6, window_bounds = array<i64: 128, 128>}, {pipeline_mode = #tpu.pipeline_mode<synchronous>, transform_indices = @transform_7, window_bounds = array<i64: 1, 128>}, {pipeline_mode = #tpu.pipeline_mode<synchronous>, transform_indices = @transform_8, window_bounds = array<i64: 128, 128>}, {pipeline_mode = #tpu.pipeline_mode<synchronous>, transform_indices = @transform_9, window_bounds = array<i64: 1, 128>}, {pipeline_mode = #tpu.pipeline_mode<synchronous>, transform_indices = @transform_10, window_bounds = array<i64: 1, 128>}, {transform_indices = @transform_11, window_bounds = array<i64: 1000, 128>}]} {
    %get3A = arith.constant 0 : index
    %get3A_0 = arith.constant 0 : index
    %get3A_1 = vector.load %arg1[%get3A, %get3A_0] : memref<1000x128xf32, #tpu.memory_space<vmem>>, vector<1000x128xf32>
    %get3A_2 = arith.constant 0 : index
    %get3A_3 = arith.constant 0 : index
    %get3A_4 = arith.constant 0 : index
    %get3A_5 = vector.load %arg2[%get3A_2, %get3A_3, %get3A_4] : memref<1x1000x32xf32, #tpu.memory_space<vmem>>, vector<1x1000x32xf32>
    %get3A_6 = vector.shape_cast %get3A_5 : vector<1x1000x32xf32> to vector<1000x32xf32>
    %get3A_7 = arith.constant 0 : index
    %get3A_8 = arith.constant 0 : index
    %get3A_9 = arith.constant 0 : index
    %get3A_10 = vector.load %arg3[%get3A_7, %get3A_8, %get3A_9] : memref<1x1000x32xf32, #tpu.memory_space<vmem>>, vector<1x1000x32xf32>
    %get3A_11 = vector.shape_cast %get3A_10 : vector<1x1000x32xf32> to vector<1000x32xf32>
    %get3A_12 = arith.constant 0 : index
    %get3A_13 = arith.constant 0 : index
    %get3A_14 = arith.constant 0 : index
    %get3A_15 = vector.load %arg4[%get3A_12, %get3A_13, %get3A_14] : memref<1x1000x32xf32, #tpu.memory_space<vmem>>, vector<1x1000x32xf32>
    %get3A_16 = vector.shape_cast %get3A_15 : vector<1x1000x32xf32> to vector<1000x32xf32>
    %get3A_17 = arith.constant 0 : index
    %get3A_18 = arith.constant 0 : index
    %get3A_19 = arith.constant 0 : index
    %get3A_20 = vector.load %arg5[%get3A_17, %get3A_18, %get3A_19] : memref<1x1000x32xf32, #tpu.memory_space<vmem>>, vector<1x1000x32xf32>
    %get3A_21 = vector.shape_cast %get3A_20 : vector<1x1000x32xf32> to vector<1000x32xf32>
    %concatenate3A = tpu.concatenate %get3A_6, %get3A_11, %get3A_16, %get3A_21 in 1 : vector<1000x32xf32>, vector<1000x32xf32>, vector<1000x32xf32>, vector<1000x32xf32> -> vector<1000x128xf32>
    %get3A_22 = arith.constant 0 : index
    %get3A_23 = arith.constant 0 : index
    %get3A_24 = arith.constant 0 : index
    %get3A_25 = vector.load %arg6[%get3A_22, %get3A_23, %get3A_24] : memref<1x1000x8xf32, #tpu.memory_space<vmem>>, vector<1x1000x8xf32>
    %get3A_26 = vector.shape_cast %get3A_25 : vector<1x1000x8xf32> to vector<1000x8xf32>
    %slice3A = vector.extract_strided_slice %get3A_26 {offsets = [0, 0], sizes = [1000, 1], strides = [1, 1]} : vector<1000x8xf32> to vector<1000x1xf32>
    %max3A = arith.constant 1.000000e+00 : f32
    %max3A_27 = vector.broadcast %max3A : f32 to vector<1000x1xf32>
    %max3A_28 = arith.maximumf %slice3A, %max3A_27 : vector<1000x1xf32>
    %div3A = arith.constant 1.000000e+00 : f32
    %div3A_29 = vector.broadcast %div3A : f32 to vector<1000x1xf32>
    %div3A_30 = arith.divf %div3A_29, %max3A_28 : vector<1000x1xf32>
    %mul3A = vector.broadcast %div3A_30 : vector<1000x1xf32> to vector<1000x128xf32>
    %mul3A_31 = arith.mulf %concatenate3A, %mul3A : vector<1000x128xf32>
    %get3A_32 = arith.constant 0 : index
    %get3A_33 = arith.constant 0 : index
    %get3A_34 = vector.load %arg7[%get3A_32, %get3A_33] : memref<128x128xf32, #tpu.memory_space<vmem>>, vector<128x128xf32>
    %dot_general3A = arith.constant dense<0.000000e+00> : vector<1000x128xf32>
    %dot_general3A_35 = tpu.matmul %mul3A_31, %get3A_34, %dot_general3A {dimension_numbers = #tpu.dot_dimension_numbers<[1], [1], [0], [0], [0, 0, 1, 0], [], []>, transpose_lhs_hint = false} : vector<1000x128xf32>, vector<128x128xf32>, vector<1000x128xf32> -> vector<1000x128xf32>
    %get3A_36 = arith.constant 0 : index
    %get3A_37 = arith.constant 0 : index
    %get3A_38 = vector.load %arg8[%get3A_36, %get3A_37] : memref<1x128xf32, #tpu.memory_space<vmem>>, vector<1x128xf32>
    %add3A = vector.broadcast %get3A_38 : vector<1x128xf32> to vector<1000x128xf32>
    %add3A_39 = arith.addf %dot_general3A_35, %add3A : vector<1000x128xf32>
    %get3A_40 = arith.constant 0 : index
    %get3A_41 = arith.constant 0 : index
    %get3A_42 = vector.load %arg9[%get3A_40, %get3A_41] : memref<128x128xf32, #tpu.memory_space<vmem>>, vector<128x128xf32>
    %dot_general3A_43 = arith.constant dense<0.000000e+00> : vector<1000x128xf32>
    %dot_general3A_44 = tpu.matmul %get3A_1, %get3A_42, %dot_general3A_43 {dimension_numbers = #tpu.dot_dimension_numbers<[1], [1], [0], [0], [0, 0, 1, 0], [], []>, transpose_lhs_hint = false} : vector<1000x128xf32>, vector<128x128xf32>, vector<1000x128xf32> -> vector<1000x128xf32>
    %add3A_45 = arith.addf %add3A_39, %dot_general3A_44 : vector<1000x128xf32>
    %reduce_sum3A = arith.constant dense<0.000000e+00> : vector<1000xf32>
    %reduce_sum3A_46 = vector.multi_reduction <add>, %add3A_45, %reduce_sum3A [1] : vector<1000x128xf32> to vector<1000xf32>
    %broadcast_in_dim3A = vector.shape_cast %reduce_sum3A_46 : vector<1000xf32> to vector<1000x1xf32>
    %div3A_47 = arith.constant 1.280000e+02 : f32
    %div3A_48 = vector.broadcast %div3A_47 : f32 to vector<1000x1xf32>
    %div3A_49 = arith.divf %broadcast_in_dim3A, %div3A_48 : vector<1000x1xf32>
    %sub3A = vector.broadcast %div3A_49 : vector<1000x1xf32> to vector<1000x128xf32>
    %sub3A_50 = arith.subf %add3A_45, %sub3A : vector<1000x128xf32>
    %integer_pow3A = arith.mulf %sub3A_50, %sub3A_50 : vector<1000x128xf32>
    %reduce_sum3A_51 = arith.constant dense<0.000000e+00> : vector<1000xf32>
    %reduce_sum3A_52 = vector.multi_reduction <add>, %integer_pow3A, %reduce_sum3A_51 [1] : vector<1000x128xf32> to vector<1000xf32>
    %broadcast_in_dim3A_53 = vector.shape_cast %reduce_sum3A_52 : vector<1000xf32> to vector<1000x1xf32>
    %div3A_54 = arith.constant 1.280000e+02 : f32
    %div3A_55 = vector.broadcast %div3A_54 : f32 to vector<1000x1xf32>
    %div3A_56 = arith.divf %broadcast_in_dim3A_53, %div3A_55 : vector<1000x1xf32>
    %sub3A_57 = vector.broadcast %div3A_49 : vector<1000x1xf32> to vector<1000x128xf32>
    %sub3A_58 = arith.subf %add3A_45, %sub3A_57 : vector<1000x128xf32>
    %add3A_59 = arith.constant 9.99999974E-6 : f32
    %add3A_60 = vector.broadcast %add3A_59 : f32 to vector<1000x1xf32>
    %add3A_61 = arith.addf %div3A_56, %add3A_60 : vector<1000x1xf32>
    %rsqrt3A = math.rsqrt %add3A_61 : vector<1000x1xf32>
    %mul3A_62 = vector.broadcast %rsqrt3A : vector<1000x1xf32> to vector<1000x128xf32>
    %mul3A_63 = arith.mulf %sub3A_58, %mul3A_62 : vector<1000x128xf32>
    %get3A_64 = arith.constant 0 : index
    %get3A_65 = arith.constant 0 : index
    %get3A_66 = vector.load %arg10[%get3A_64, %get3A_65] : memref<1x128xf32, #tpu.memory_space<vmem>>, vector<1x128xf32>
    %mul3A_67 = vector.broadcast %get3A_66 : vector<1x128xf32> to vector<1000x128xf32>
    %mul3A_68 = arith.mulf %mul3A_63, %mul3A_67 : vector<1000x128xf32>
    %get3A_69 = arith.constant 0 : index
    %get3A_70 = arith.constant 0 : index
    %get3A_71 = vector.load %arg11[%get3A_69, %get3A_70] : memref<1x128xf32, #tpu.memory_space<vmem>>, vector<1x128xf32>
    %add3A_72 = vector.broadcast %get3A_71 : vector<1x128xf32> to vector<1000x128xf32>
    %add3A_73 = arith.addf %mul3A_68, %add3A_72 : vector<1000x128xf32>
    %max3A_74 = arith.constant 0.000000e+00 : f32
    %max3A_75 = vector.broadcast %max3A_74 : f32 to vector<1000x128xf32>
    %max3A_76 = arith.maximumf %add3A_73, %max3A_75 : vector<1000x128xf32>
    %add3A_77 = arith.addf %get3A_1, %max3A_76 : vector<1000x128xf32>
    %swap3A = arith.constant 0 : index
    %swap3A_78 = arith.constant 0 : index
    %swap3A_79 = vector.load %arg12[%swap3A, %swap3A_78] : memref<1000x128xf32, #tpu.memory_space<vmem>>, vector<1000x128xf32>
    tpu.vector_store %arg12[%swap3A, %swap3A_78], %add3A_77 {strides = array<i32>} : memref<1000x128xf32, #tpu.memory_space<vmem>>, vector<1000x128xf32>,
    return
  }
  func.func @transform_0(%arg0: i32) -> (i32, i32) {
    %c0_i32 = arith.constant 0 : i32
    %c0_i32_0 = arith.constant 0 : i32
    return %arg0, %c0_i32 : i32, i32
  }
  func.func @transform_1(%arg0: i32) -> (i32, i32, i32) {
    %c0_i32 = arith.constant 0 : i32
    %c0_i32_0 = arith.constant 0 : i32
    %c0_i32_1 = arith.constant 0 : i32
    return %c0_i32, %arg0, %c0_i32_0 : i32, i32, i32
  }
  func.func @transform_2(%arg0: i32) -> (i32, i32, i32) {
    %c1_i32 = arith.constant 1 : i32
    %c0_i32 = arith.constant 0 : i32
    %c0_i32_0 = arith.constant 0 : i32
    return %c1_i32, %arg0, %c0_i32 : i32, i32, i32
  }
  func.func @transform_3(%arg0: i32) -> (i32, i32, i32) {
    %c2_i32 = arith.constant 2 : i32
    %c0_i32 = arith.constant 0 : i32
    %c0_i32_0 = arith.constant 0 : i32
    return %c2_i32, %arg0, %c0_i32 : i32, i32, i32
  }
  func.func @transform_4(%arg0: i32) -> (i32, i32, i32) {
    %c3_i32 = arith.constant 3 : i32
    %c0_i32 = arith.constant 0 : i32
    %c0_i32_0 = arith.constant 0 : i32
    return %c3_i32, %arg0, %c0_i32 : i32, i32, i32
  }
  func.func @transform_5(%arg0: i32) -> (i32, i32, i32) {
    %c0_i32 = arith.constant 0 : i32
    %c0_i32_0 = arith.constant 0 : i32
    %c0_i32_1 = arith.constant 0 : i32
    return %c0_i32, %arg0, %c0_i32_0 : i32, i32, i32
  }
  func.func @transform_6(%arg0: i32) -> (i32, i32) {
    %c0_i32 = arith.constant 0 : i32
    %c0_i32_0 = arith.constant 0 : i32
    %c0_i32_1 = arith.constant 0 : i32
    return %c0_i32, %c0_i32_0 : i32, i32
  }
  func.func @transform_7(%arg0: i32) -> (i32, i32) {
    %c0_i32 = arith.constant 0 : i32
    %c0_i32_0 = arith.constant 0 : i32
    %c0_i32_1 = arith.constant 0 : i32
    return %c0_i32, %c0_i32_0 : i32, i32
  }
  func.func @transform_8(%arg0: i32) -> (i32, i32) {
    %c0_i32 = arith.constant 0 : i32
    %c0_i32_0 = arith.constant 0 : i32
    %c0_i32_1 = arith.constant 0 : i32
    return %c0_i32, %c0_i32_0 : i32, i32
  }
  func.func @transform_9(%arg0: i32) -> (i32, i32) {
    %c0_i32 = arith.constant 0 : i32
    %c0_i32_0 = arith.constant 0 : i32
    %c0_i32_1 = arith.constant 0 : i32
    return %c0_i32, %c0_i32_0 : i32, i32
  }
  func.func @transform_10(%arg0: i32) -> (i32, i32) {
    %c0_i32 = arith.constant 0 : i32
    %c0_i32_0 = arith.constant 0 : i32
    %c0_i32_1 = arith.constant 0 : i32
    return %c0_i32, %c0_i32_0 : i32, i32
  }
  func.func @transform_11(%arg0: i32) -> (i32, i32) {
    %c0_i32 = arith.constant 0 : i32
    %c0_i32_0 = arith.constant 0 : i32
    return %arg0, %c0_i32 : i32, i32
  }
}

module attributes {stable_mosaic.version = 14 : i64} {
  func.func @_cls_body(%arg0: i32, %arg1: memref<1000x128xf32, #tpu.memory_space<vmem>>, %arg2: memref<64x128xf32, #tpu.memory_space<vmem>>, %arg3: memref<1x64xf32, #tpu.memory_space<vmem>>, %arg4: memref<6x64xf32, #tpu.memory_space<vmem>>, %arg5: memref<1x6xf32, #tpu.memory_space<vmem>>, %arg6: memref<1000x6xf32, #tpu.memory_space<vmem>>) attributes {dimension_semantics = [#tpu.dimension_semantics<arbitrary>], iteration_bounds = array<i64: 10>, scalar_prefetch = 0 : i64, scratch_operands = 0 : i64, tpu.core_type = #tpu.core_type<tc>, window_params = [{transform_indices = @transform_0, window_bounds = array<i64: 1000, 128>}, {pipeline_mode = #tpu.pipeline_mode<synchronous>, transform_indices = @transform_1, window_bounds = array<i64: 64, 128>}, {pipeline_mode = #tpu.pipeline_mode<synchronous>, transform_indices = @transform_2, window_bounds = array<i64: 1, 64>}, {pipeline_mode = #tpu.pipeline_mode<synchronous>, transform_indices = @transform_3, window_bounds = array<i64: 6, 64>}, {pipeline_mode = #tpu.pipeline_mode<synchronous>, transform_indices = @transform_4, window_bounds = array<i64: 1, 6>}, {transform_indices = @transform_5, window_bounds = array<i64: 1000, 6>}]} {
    %get3A = arith.constant 0 : index
    %get3A_0 = arith.constant 0 : index
    %get3A_1 = vector.load %arg1[%get3A, %get3A_0] : memref<1000x128xf32, #tpu.memory_space<vmem>>, vector<1000x128xf32>
    %get3A_2 = arith.constant 0 : index
    %get3A_3 = arith.constant 0 : index
    %get3A_4 = vector.load %arg2[%get3A_2, %get3A_3] : memref<64x128xf32, #tpu.memory_space<vmem>>, vector<64x128xf32>
    %dot_general3A = arith.constant dense<0.000000e+00> : vector<1000x64xf32>
    %dot_general3A_5 = tpu.matmul %get3A_1, %get3A_4, %dot_general3A {dimension_numbers = #tpu.dot_dimension_numbers<[1], [1], [0], [0], [0, 0, 1, 0], [], []>, transpose_lhs_hint = false} : vector<1000x128xf32>, vector<64x128xf32>, vector<1000x64xf32> -> vector<1000x64xf32>
    %get3A_6 = arith.constant 0 : index
    %get3A_7 = arith.constant 0 : index
    %get3A_8 = vector.load %arg3[%get3A_6, %get3A_7] : memref<1x64xf32, #tpu.memory_space<vmem>>, vector<1x64xf32>
    %add3A = vector.broadcast %get3A_8 : vector<1x64xf32> to vector<1000x64xf32>
    %add3A_9 = arith.addf %dot_general3A_5, %add3A : vector<1000x64xf32>
    %max3A = arith.constant 0.000000e+00 : f32
    %max3A_10 = vector.broadcast %max3A : f32 to vector<1000x64xf32>
    %max3A_11 = arith.maximumf %add3A_9, %max3A_10 : vector<1000x64xf32>
    %get3A_12 = arith.constant 0 : index
    %get3A_13 = arith.constant 0 : index
    %get3A_14 = vector.load %arg4[%get3A_12, %get3A_13] : memref<6x64xf32, #tpu.memory_space<vmem>>, vector<6x64xf32>
    %dot_general3A_15 = arith.constant dense<0.000000e+00> : vector<1000x6xf32>
    %dot_general3A_16 = tpu.matmul %max3A_11, %get3A_14, %dot_general3A_15 {dimension_numbers = #tpu.dot_dimension_numbers<[1], [1], [0], [0], [0, 0, 1, 0], [], []>, transpose_lhs_hint = false} : vector<1000x64xf32>, vector<6x64xf32>, vector<1000x6xf32> -> vector<1000x6xf32>
    %get3A_17 = arith.constant 0 : index
    %get3A_18 = arith.constant 0 : index
    %get3A_19 = vector.load %arg5[%get3A_17, %get3A_18] : memref<1x6xf32, #tpu.memory_space<vmem>>, vector<1x6xf32>
    %add3A_20 = vector.broadcast %get3A_19 : vector<1x6xf32> to vector<1000x6xf32>
    %add3A_21 = arith.addf %dot_general3A_16, %add3A_20 : vector<1000x6xf32>
    %swap3A = arith.constant 0 : index
    %swap3A_22 = arith.constant 0 : index
    %swap3A_23 = vector.load %arg6[%swap3A, %swap3A_22] : memref<1000x6xf32, #tpu.memory_space<vmem>>, vector<1000x6xf32>
    tpu.vector_store %arg6[%swap3A, %swap3A_22], %add3A_21 {strides = array<i32>} : memref<1000x6xf32, #tpu.memory_space<vmem>>, vector<1000x6xf32>,
    return
  }
  func.func @transform_0(%arg0: i32) -> (i32, i32) {
    %c0_i32 = arith.constant 0 : i32
    %c0_i32_0 = arith.constant 0 : i32
    return %arg0, %c0_i32 : i32, i32
  }
  func.func @transform_1(%arg0: i32) -> (i32, i32) {
    %c0_i32 = arith.constant 0 : i32
    %c0_i32_0 = arith.constant 0 : i32
    %c0_i32_1 = arith.constant 0 : i32
    return %c0_i32, %c0_i32_0 : i32, i32
  }
  func.func @transform_2(%arg0: i32) -> (i32, i32) {
    %c0_i32 = arith.constant 0 : i32
    %c0_i32_0 = arith.constant 0 : i32
    %c0_i32_1 = arith.constant 0 : i32
    return %c0_i32, %c0_i32_0 : i32, i32
  }
  func.func @transform_3(%arg0: i32) -> (i32, i32) {
    %c0_i32 = arith.constant 0 : i32
    %c0_i32_0 = arith.constant 0 : i32
    %c0_i32_1 = arith.constant 0 : i32
    return %c0_i32, %c0_i32_0 : i32, i32
  }
  func.func @transform_4(%arg0: i32) -> (i32, i32) {
    %c0_i32 = arith.constant 0 : i32
    %c0_i32_0 = arith.constant 0 : i32
    %c0_i32_1 = arith.constant 0 : i32
    return %c0_i32, %c0_i32_0 : i32, i32
  }
  func.func @transform_5(%arg0: i32) -> (i32, i32) {
    %c0_i32 = arith.constant 0 : i32
    %c0_i32_0 = arith.constant 0 : i32
    return %arg0, %c0_i32 : i32, i32
  }
}

</mosaic_0001>

<sc_bundles>
// kernel: closed_call.11.cloned.1.call-start
scs
__scs_entry_jumppad:
0x0: {  	(pc) =	sbr.rel $0x88, $3  }
0x1: {  	(tag) =	ssettag $0x0;
	lr =	simm.s32 $0x1  }
0x2: {  	[smem:$0x3F8F] =	sst lr;
	_ =	strace $0xD0000000  }
0x3: {  	_ = 	snop  }
0x4: {  	_ = 	snop  }
0x5: {  	_ = 	snop  }
0x6: {  	_ = 	snop  }
0x7: {  	_ = 	snop  }
__scs_overlays_trampoline_lowered:
0x8: {  	[smem:$0x3F9E] =	sst s0  }
0x9: {  	[smem:$0x3F9F] =	sst s1  }
0xa: {  	[smem:$0x3FA0] =	sst s2  }
0xb: {  	[smem:$0x3FA1] =	sst s3  }
0xc: {  	[smem:$0x3FA2] =	sst s4  }
0xd: {  	[smem:$0x3FA3] =	sst s5  }
0xe: {  	[smem:$0x3FA4] =	sst s6  }
0xf: {  	[smem:$0x3FA5] =	sst s7  }
0x10: {  	[smem:$0x3FA6] =	sst s8  }
0x11: {  	[smem:$0x3FA7] =	sst s9;
	s0 =	simm.s32 @!p0 $0x0  }
0x12: {  	s1 =	sld [smem:$0x3F8D];
	s0 =	simm.s32 @p0 $0x1  }
0x13: {  	[smem:$0x3FA8] =	sst s0;
	s0 =	simm.s32 @!p1 $0x0  }
0x14: {  	s2 =	sld [smem:$0x3F8C];
	s0 =	simm.s32 @p1 $0x1  }
0x15: {  	[smem:$0x3FA9] =	sst s0;
	s0 =	simm.s32 @!p2 $0x0  }
0x16: {  	s3 =	sld [smem:$0x3FDB];
	s0 =	simm.s32 @p2 $0x1  }
0x17: {  	s4 =	simm.s32 $0x1BF5;
	[smem:$0x3FAB] =	sst s0  }
0x18: {  	s0 =	sld [smem:$0x3F8E];
	_ =	swait.ge [sflag:s4], $0x0  }
0x19: {  	s7 =	sld [smem:$0x3F8F]  }
0x1a: {  	s8 =	sadd.s32 $0xFFFFE003, lr  }
0x1b: {  	s9 =	sadd.s32 $0xFFFFFEF7, lr;
	s5 =	simm.s32 $0xFFFFFFFF;
	p2 =	slt.u32 s8, $0xFFFFF086  }
0x1c: {  	p1 =	slt.u32 s9, $0xF7A;
	s5 =	simm.s32 @!p2 $0x0  }
0x1d: {  	s5 =	simm.s32 @p1 $0x1;
	p0 =	seq.s32 s7, s2  }
0x1e: {  	s7 =	smul.u32 @!p0 $0xF7A, s2;
	p2 =	seq.s32 @!p0 s5, $0x0  }
0x1f: {  	s9 =	smul.u32 $0xF7A, s1;
	s8 =	simm.s32 @!p0 $0x1BF5;
	p2 =	por !p2, p0  }
0x20: {  	[sflag:s8] =	ssyncset.s32 @!p0 $0xFFFFF086;
	s6 =	sadd.s32 @!p0 s3, s7;
	s7 =	simm.s32 @!p0 $0x108  }
0x21: {  	s3 =	sadd.s32 s3, s9;
	s6 =	sadd.s32 @!p0 $0x88, s6;
	s7 =	simm.s32 @p2 $0x1082  }
0x22: {  	[simem:s7], [sflag:s8] =	dma.local @!p0 [hbm:s6], $0xF7A  }
0x23: {  	s9 =	sor.u32 $0xD0000000, s2;
	s6 =	simm.s32 $0x108;
	_ =	swait.ge @!p0 [sflag:s8], $0x0  }
0x24: {  	s3 =	sadd.s32 $0x88, s3;
	s6 =	simm.s32 @!p1 $0x1082;
	[sflag:s4] =	ssyncset.s32 $0xFFFFF086  }
0x25: {  	[simem:s6], [sflag:s4] =	dma.local [hbm:s3], $0xF7A  }
0x26: {  	[smem:$0x3F8F] =	sst s1;
	(tag) =	ssettag s2;
	_ =	strace s9  }
0x27: {  	s1 =	sld [smem:$0x3F9F]  }
0x28: {  	s2 =	sld [smem:$0x3FA0]  }
0x29: {  	s4 =	sld [smem:$0x3FA2]  }
0x2a: {  	p0 =	seq.s32 s5, $0x0;
	s5 =	sld [smem:$0x3FA3]  }
0x2b: {  	s6 =	sld [smem:$0x3FA4]  }
0x2c: {  	s7 =	sld [smem:$0x3FA5]  }
0x2d: {  	s3 =	simm.s32 $0x108;
	s8 =	sld [smem:$0x3FA6]  }
0x2e: {  	s3 =	simm.s32 @!p0 $0x1082;
	s9 =	sld [smem:$0x3FA7]  }
0x2f: {  	lr =	sadd.s32 s0, s3;
	s0 =	sld [smem:$0x3F9E]  }
0x30: {  	s3 =	sld [smem:$0x3FA1]  }
0x31: {  	[smem:$0x3FAA] =	sst s10  }
0x32: {  	s10 =	sld [smem:$0x3FA8];
	_ =	sdelay $0x3  }
0x33: {  	p0 =	seq.s32 s10, $0x1;
	s10 =	sld [smem:$0x3FAA];
	_ =	sdelay $0x3  }
0x34: {  	[smem:$0x3FAA] =	sst s10  }
0x35: {  	s10 =	sld [smem:$0x3FA9];
	_ =	sdelay $0x3  }
0x36: {  	p1 =	seq.s32 s10, $0x1;
	s10 =	sld [smem:$0x3FAA];
	_ =	sdelay $0x3  }
0x37: {  	[smem:$0x3FAA] =	sst s10  }
0x38: {  	s10 =	sld [smem:$0x3FAB]  }
0x39: {  	_ = 	snop;
	(pc) =	sbr.ind lr, $3  }
0x3a: {  	_ = 	snop  }
0x3b: {  	_ = 	snop  }
0x3c: {  	p2 =	seq.s32 s10, $0x1;
	s10 =	sld [smem:$0x3FAA]  }
0x3d: {  	_ =	shalt  }
0x3e: {  	_ =	shalt  }
0x3f: {  	_ =	shalt  }
0x40: {  	_ =	shalt  }
0x41: {  	_ =	shalt  }
0x42: {  	_ =	shalt  }
0x43: {  	_ =	shalt  }
0x44: {  	_ =	shalt  }
0x45: {  	_ =	shalt  }
0x46: {  	_ =	shalt  }
0x47: {  	_ =	shalt  }
0x48: {  	_ =	shalt  }
0x49: {  	_ =	shalt  }
0x4a: {  	_ =	shalt  }
0x4b: {  	_ =	shalt  }
0x4c: {  	_ =	shalt  }
0x4d: {  	_ =	shalt  }
0x4e: {  	_ =	shalt  }
0x4f: {  	_ =	shalt  }
0x50: {  	_ =	shalt  }
0x51: {  	_ =	shalt  }
0x52: {  	_ =	shalt  }
0x53: {  	_ =	shalt  }
0x54: {  	_ =	shalt  }
0x55: {  	_ =	shalt  }
0x56: {  	_ =	shalt  }
0x57: {  	_ =	shalt  }
0x58: {  	_ =	shalt  }
0x59: {  	_ =	shalt  }
0x5a: {  	_ =	shalt  }
0x5b: {  	_ =	shalt  }
0x5c: {  	_ =	shalt  }
0x5d: {  	_ =	shalt  }
0x5e: {  	_ =	shalt  }
0x5f: {  	_ =	shalt  }
0x60: {  	_ =	shalt  }
0x61: {  	_ =	shalt  }
0x62: {  	_ =	shalt  }
0x63: {  	_ =	shalt  }
0x64: {  	_ =	shalt  }
0x65: {  	_ =	shalt  }
0x66: {  	_ =	shalt  }
0x67: {  	_ =	shalt  }
0x68: {  	_ =	shalt  }
0x69: {  	_ =	shalt  }
0x6a: {  	_ =	shalt  }
0x6b: {  	_ =	shalt  }
0x6c: {  	_ =	shalt  }
0x6d: {  	_ =	shalt  }
0x6e: {  	_ =	shalt  }
0x6f: {  	_ =	shalt  }
0x70: {  	_ =	shalt  }
0x71: {  	_ =	shalt  }
0x72: {  	_ =	shalt  }
0x73: {  	_ =	shalt  }
0x74: {  	_ =	shalt  }
0x75: {  	_ =	shalt  }
0x76: {  	_ =	shalt  }
0x77: {  	_ =	shalt  }
0x78: {  	_ =	shalt  }
0x79: {  	_ =	shalt  }
0x7a: {  	_ =	shalt  }
0x7b: {  	_ =	shalt  }
0x7c: {  	_ =	shalt  }
0x7d: {  	_ =	shalt  }
0x7e: {  	_ =	shalt  }
0x7f: {  	_ =	shalt  }
0x80: {  	_ =	shalt  }
0x81: {  	_ =	shalt  }
0x82: {  	_ =	shalt  }
0x83: {  	_ =	shalt  }
0x84: {  	_ =	shalt  }
0x85: {  	_ =	shalt  }
0x86: {  	_ =	shalt  }
0x87: {  	_ =	shalt  }
.Lfunc_end0:
.L_simem_size_0:
called_computation_lowered:
.L_overlay_start_0:
0x88: {  	s2 =	sld [smem:$0x3FD9]  }
0x89: {  	s3 =	sld [smem:$0x3FFE];
	_ =	sdelay $0x1  }
0x8a: {  	s1 =	srdreg.scid  }
0x8b: {  	s0 =	sand.u32 $0x1, s1  }
0x8c: {  	s17 =	sshll.u32 s0, $0xA;
	s2 =	sadd.s32 s3, s2  }
0x8d: {  	s2 =	sadd.s32 s2, s17  }
0x8e: {  	[smem:$0x3FB6] =	sst s2  }
0x8f: {  	_ = 	snop  }
0x90: {  	s2 =	sld [smem:$0x3FD0];
	(tm) =	ssettm $0x1  }
0x91: {  	s18 =	sld [smem:$0x3FFB];
	_ =	sdelay $0x3  }
0x92: {  	_ =	strace s18  }
0x93: {  	s3 =	sld [smem:$0x3FFC];
	_ =	sdelay $0x3  }
0x94: {  	_ =	strace s3  }
0x95: {  	s3 =	sld [smem:$0x3FFD];
	_ =	sdelay $0x3  }
0x96: {  	_ =	strace s3  }
0x97: {  	_ =	strace $0x8FFFFFFF  }
0x98: {  	s19 =	sld [smem:$0x3FDB];
	_ =	sdelay $0x1  }
0x99: {  	s4 =	simm.s32 $_scs_section_size  }
0x9a: {  	s5 =	simm.s32 $_size__tile_overlayer_lowered;
	s6 =	simm.s32 $_tile_overlayer_lowered  }
0x9b: {  	s22 =	simm.s32 $0x1BFF;
	s21 =	sshll.u32 s6, $0x1;
	s3 =	sadd.s32 s4, s19  }
0x9c: {  	s7 =	simm.s32 $0x0;
	s20 =	sshll.u32 s5, $0x1;
	s5 =	sadd.s32 s21, s3  }
0x9d: {  	[timem:s7], [sflag:s22] =	dma.local [hbm:s5], s20  }
0x9e: {  	_ =	swait.ge [sflag:s22], s20  }
0x9f: {  	s4 =	ssub.s32 $0x0, s20;
	[sflag:s22] =	ssyncset.done $0x0  }
0xa0: {  	[sflag:s22] =	ssyncadd.s32 s4;
	_ =	sdelay $0x1  }
0xa1: {  	s23 =	simm.s32 $0x1B8B  }
0xa2: {  	_ =	swait.ge [sflag:s23], $0x1  }
0xa3: {  	[sflag:s23] =	ssyncset.done $0x0  }
0xa4: {  	s25 =	simm.s32 $0x1B8E;
	s24 =	sld [smem:$0x3FFE];
	[sflag:s23] =	ssyncadd.s32 $0xFFFFFFFF  }
0xa5: {  	s26 =	simm.s32 $execute0_lowered;
	[smem:$0x3FD2] =	sst s25  }
0xa6: {  	s5 =	sshll.u32 s26, $0x1;
	_ =	strace $0x80000046;
	[dreg:$0x1] =	wrdreg $0xFFFFFFFF  }
0xa7: {  	s28 =	simm.s32 $_size_execute0_lowered;
	s3 =	sadd.s32 s3, s5;
	[dreg:$0x0] =	wrdreg $0x0  }
0xa8: {  	s5 =	sshll.u32 s28, $0x1;
	[dreg:$0x2] =	wrdreg s3  }
0xa9: {  	[dreg:$0x3] =	wrdreg s5  }
0xaa: {  	[dreg:$0x4] =	wrdreg $0xC0  }
0xab: {  	_ =	task [dreg:s7], $0x5FFFF  }
0xac: {  	[dreg:$0x1] =	wrdreg $0xFFFFFFFF  }
0xad: {  	[dreg:$0x0] =	wrdreg $0x60  }
0xae: {  	[dreg:$0x2] =	wrdreg s24  }
0xaf: {  	[dreg:$0x3] =	wrdreg s2  }
0xb0: {  	[dreg:$0x4] =	wrdreg $0x17F800  }
0xb1: {  	[dreg:$0x5] =	wrdreg $0x1CF800  }
0xb2: {  	[dreg:$0x6] =	wrdreg $0x9  }
0xb3: {  	_ =	task.clear_ibuf [dreg:s7], $0x7FFFF;
	_ =	strace $0x90000046  }
0xb4: {  	s29 =	simm.s32 $0x9;
	_ =	strace $0x80000048  }
0xb5: {  	_ =	swait.ge [sflag:s29], $0x1  }
0xb6: {  	[sflag:s29] =	ssyncadd.s32 $0xFFFFFFFF  }
0xb7: {  	_ =	strace $0x90000048  }
0xb8: {  	_ =	sfence  }
0xb9: {  	s30 =	sld [smem:$0x0];
	_ =	sdelay $0x2  }
0xba: {  	s31 =	sshll.u32 s1, $0xD;
	s1 =	sshrl.u32 s1, $0x2  }
0xbb: {  	s3 =	sand.u32 $0x4000, s31;
	s1 =	sadd.s32 s1, s30  }
0xbc: {  	s0 =	sor.u32 s3, s0;
	s1 =	sshll.u32 s1, $0x11  }
0xbd: {  	s0 =	sor.u32 s1, s0  }
0xbe: {  	s0 =	sadd.s32 $0x8F2B, s0  }
0xbf: {  	[sflag:s0] =	ssyncadd.remote.s32 $0x1  }
0xc0: {  	_ =	sfence.sel $0xFFFF  }
0xc1: {  	[dreg:$0x0] =	wrdreg $0xFFFFFFFF;
	(pc) =	sbr.abs _section_cstart, $3  }
0xc2: {  	[dreg:$0x1] =	wrdreg $0xFFFFFFFF  }
0xc3: {  	_ =	task.clear_ibuf [dreg:s7], $0x2FFFF;
	_ =	strace $0x9FFFFFFF  }
0xc4: {  	(tm) =	ssettm $0x7FFFFFFF  }
0xc5: {  	_ =	shalt  }
tec
execute0_lowered:
.L_overlay_start_1:
0x0: {  	(tag) =	ssettag $0x1  }
0x1: {  	s0 =	rddreg [dreg:$0x0]  }
0x2: {  	s1 =	srdreg.scid;
	s3 =	rddreg [dreg:$0x2]  }
0x3: {  	s11 =	stileid.u32;
	s4 =	rddreg [dreg:$0x3]  }
0x4: {  	s6 =	simm.s32 $0x0;
	s28 =	simm.s32 $0x50;
	s2 =	smul.u32 $0x9C40, s11  }
0x5: {  	s29 =	simm.s32 $0x13880;
	s30 =	simm.s32 $0x14280;
	s7 =	smul.u32 $0x5000, s11  }
0x6: {  	s15 =	simm.s32 $0x4;
	s1 =	sand.u32 $0x1, s1;
	s10 =	smul.u32 $0x1400, s11  }
0x7: {  	[smem:$0x7FF] =	sst s6;
	s6 =	sadd.s32 $0x1C7C00, s0;
	s11 =	smul.u32 $0x14000, s11  }
0x8: {  	s16 =	simm.s32 $0x5;
	s14 =	sadd.s32 $0x12B800, s0;
	s5 =	smul.u32 $0x138800, s1  }
0x9: {  	s13 =	simm.s32 $0x13790;
	_ =	strace $0x80000047;
	s8 =	smul.u32 $0xA0000, s1  }
0xa: {  	s9 =	smul.u32 $0x14000, s1;
	s1 =	ssub.s32 $0x2, s1;
	[dreg:$0x5] =	wrdreg s14  }
0xb: {  	s12 =	sshrl.u32 s1, $0x1;
	s11 =	sshrl.u32 s11, $0x2;
	s21 =	sadd.s32 s10, s4  }
0xc: {  	s22 =	sshrl.u32 s10, $0x3;
	s5 =	sadd.s32 s2, s5;
	s2 =	sshrl.u32 s2, $0x3  }
0xd: {  	s8 =	sadd.s32 s7, s8;
	s9 =	sadd.s32 s10, s9;
	s1 =	ssub.s32 s1, s12  }
0xe: {  	s17 =	sadd.s32 s11, s3;
	[dreg:$0x9] =	wrdreg s21;
	s12 =	simm.s32 $0x13830  }
0xf: {  	s5 =	sshrl.u32 s5, $0x3;
	s2 =	sadd.s32 s2, s0;
	s18 =	sadd.s32 $0x1000, s17  }
0x10: {  	s8 =	sshrl.u32 s8, $0x3;
	s19 =	sadd.s32 $0x2000, s17;
	[dreg:$0x7] =	wrdreg s18  }
0x11: {  	s9 =	sshrl.u32 s9, $0x3;
	s20 =	sadd.s32 $0x3000, s17;
	[dreg:$0x8] =	wrdreg s19  }
0x12: {  	s31 =	smax.u32 s1, $0x1;
	s1 =	simm.s32 $0x137E0;
	[dreg:$0x11] =	wrdreg s20  }
0x13: {  	s5 =	sadd.s32 s5, s0;
	s2 =	sadd.s32 $0x117E00, s2;
	[dreg:$0x10] =	wrdreg s31  }
0x14: {  	s8 =	sadd.s32 s8, s0;
	[dreg:$0x6] =	wrdreg s2;
	s2 =	sadd.s32 $0x4000, s17  }
0x15: {  	s0 =	sadd.s32 s9, s0;
	s23 =	sadd.s32 $0xC9C00, s5;
	[dreg:$0x12] =	wrdreg s2  }
0x16: {  	s9 =	sadd.s32 s7, s3;
	s24 =	sadd.s32 $0x12E000, s8;
	[dreg:$0xb] =	wrdreg s23  }
0x17: {  	s20 =	simm.s32 $0x0;
	s0 =	sadd.s32 $0x156000, s0;
	[dreg:$0xc] =	wrdreg s24  }
0x18: {  	s25 =	sadd.s32 $0xDD480, s5;
	s26 =	sadd.s32 $0x138000, s8;
	[dreg:$0xd] =	wrdreg s0  }
0x19: {  	s5 =	simm.s32 $0x16080;
	s8 =	simm.s32 $0x1;
	[dreg:$0xe] =	wrdreg s25  }
0x1a: {  	s17 =	simm.s32 $0x9BF0;
	s2 =	sadd.s32 s14, s22;
	[dreg:$0xf] =	wrdreg s26  }
0x1b: {  	s22 =	simm.s32 $0x17A80;
	s23 =	simm.s32 $0x7;
	s26 =	simm.s32 $0x16A80  }
0x1c: {  	s0 =	simm.s32 $0x15680;
	s24 =	simm.s32 $0x6;
	s25 =	simm.s32 $0x2  }
0x1d: {  	v0 =	vimm.f32 $0.0e+00;
	s14 =	simm.s32 $0x3;
	[dreg:$0xa] =	wrdreg s2;
	s2 =	simm.s32 $0x14C80  }
.LBB2_1:
0x1e: {  	s10 =	simm.s32 $0x0  }
0x1f: {  	s7 =	sand.u32 $0x3F80, s10  }
0x20: {  	s10 =	sand.u32 $0x10, s10;
	s11 =	sshrl.u32 s7, $0x2  }
0x21: {  	s18 =	simm.s32 $0x0;
	s7 =	simm.s32 $0x40;
	s10 =	sor.u32 s10, s11  }
.LBB2_2:
0x22: {  	p0 =	sne.s32 s7, $0x3FC0  }
0x23: {  	[tilespmem:s10+$0x16A80] =	vst v0;
	s18 =	sadd.s32 $0x10, s18;
	s10 =	smov.u32 s7;
	s7 =	sadd.s32 $0x40, s7  }
.Ltmp0:
0x24: {  	(pc) =	sbr.rel @p0 .LBB2_2-.Ltmp0, $4  }
0x25: {  	_ = 	snop  }
0x26: {  	s10 =	sand.u32 $0x3F80, s10  }
0x27: {  	s11 =	sand.u32 $0x10, s18;
	s10 =	sshrl.u32 s10, $0x2  }
0x28: {  	s10 =	sor.u32 s11, s10  }
0x29: {  	[tilespmem:s10+$0x16A80] =	vst v0;
	s7 =	simm.s32 $0x0;
	s11 =	rddreg [dreg:$0x1]  }
0x2a: {  	[tilespmem:s22], [sflag:$0x7] =	stream.linear.gather [hbm4b:s11+s7], $0x280, $0x38;
	[tilespmem:$0x1E380] =	vst v63  }
0x2b: {  	_ =	swait.ge [sflag:s23], $0x280  }
0x2c: {  	[sflag:s23] =	ssyncset.done $0x0  }
0x2d: {  	s11 =	simm.s32 $0x17D00;
	s18 =	rddreg [dreg:$0x5];
	[sflag:s23] =	ssyncadd.s32 $0xFFFFFD80  }
0x2e: {  	[tilespmem:s11], [sflag:$0x7] =	stream.linear.gather [hbm4b:s18+s7], $0x280, $0x38;
	[tilespmem:$0x1E380] =	vst v63  }
0x2f: {  	_ =	swait.ge [sflag:s23], $0x280  }
0x30: {  	[sflag:s23] =	ssyncset.done $0x0  }
0x31: {  	s11 =	simm.s32 $0x9C40;
	s19 =	rddreg [dreg:$0x6];
	[sflag:s23] =	ssyncadd.s32 $0xFFFFFD80  }
0x32: {  	[tilespmem:s11], [sflag:$0x7] =	stream.linear.gather [hbm4b:s19+s7], $0x9C40, $0x38;
	[tilespmem:$0x1E380] =	vst v63  }
0x33: {  	_ =	swait.ge [sflag:s23], $0x9C40  }
0x34: {  	[sflag:s23] =	ssyncset.done $0x0  }
0x35: {  	[sflag:s23] =	ssyncadd.s32 $0xFFFF63C0  }
0x36: {  	[spmem:s9] =	stream.linear.scatter [tilespmem:s26], [sflag:$0x7], $0x1000, $0x38;
	[tilespmem:$0x1E380] =	vst v63  }
0x37: {  	_ =	swait.ge [sflag:s23], $0x1000  }
0x38: {  	[sflag:s23] =	ssyncset.done $0x0  }
0x39: {  	s21 =	rddreg [dreg:$0x7];
	[sflag:s23] =	ssyncadd.s32 $0xFFFFF000  }
0x3a: {  	[spmem:s21] =	stream.linear.scatter [tilespmem:s26], [sflag:$0x7], $0x1000, $0x38;
	[tilespmem:$0x1E380] =	vst v63  }
0x3b: {  	_ =	swait.ge [sflag:s23], $0x1000  }
0x3c: {  	[sflag:s23] =	ssyncset.done $0x0  }
0x3d: {  	s18 =	rddreg [dreg:$0x8];
	[sflag:s23] =	ssyncadd.s32 $0xFFFFF000  }
0x3e: {  	[spmem:s18] =	stream.linear.scatter [tilespmem:s26], [sflag:$0x7], $0x1000, $0x38;
	[tilespmem:$0x1E380] =	vst v63  }
0x3f: {  	_ =	swait.ge [sflag:s23], $0x1000  }
0x40: {  	[sflag:s23] =	ssyncset.done $0x0  }
0x41: {  	s19 =	rddreg [dreg:$0x11];
	[sflag:s23] =	ssyncadd.s32 $0xFFFFF000  }
0x42: {  	[spmem:s19] =	stream.linear.scatter [tilespmem:s26], [sflag:$0x7], $0x1000, $0x38;
	[tilespmem:$0x1E380] =	vst v63  }
0x43: {  	_ =	swait.ge [sflag:s23], $0x1000  }
0x44: {  	[sflag:s23] =	ssyncset.done $0x0  }
0x45: {  	s18 =	stileid.u32;
	s21 =	rddreg [dreg:$0x12];
	[sflag:s23] =	ssyncadd.s32 $0xFFFFF000  }
0x46: {  	[spmem:s21] =	stream.linear.scatter [tilespmem:s26], [sflag:$0x7], $0x1000, $0x38;
	[tilespmem:$0x1E380] =	vst v63  }
0x47: {  	s10 =	sshll.u32 s18, $0x6;
	_ =	swait.ge [sflag:s23], $0x1000  }
0x48: {  	s21 =	sor.u32 $0x1C07, s10;
	[sflag:s23] =	ssyncset.done $0x0;
	s19 =	rddreg [dreg:$0x9]  }
0x49: {  	s18 =	rddreg [dreg:$0xa];
	[sflag:s23] =	ssyncadd.s32 $0xFFFFF000;
	s31 =	sshrl.u32 s19, $0x3  }
0x4a: {  	[spmem:s31], [sflag:s21] =	dma.local [hbm:s18], $0x280  }
0x4b: {  	_ =	swait.ge [sflag:s23], $0x280  }
0x4c: {  	[sflag:s23] =	ssyncset.done $0x0  }
0x4d: {  	[sflag:s23] =	ssyncadd.s32 $0xFFFFFD80  }
0x4e: {  	[bflag:$0x0] =	sbarrier.arrive $0xFFFF  }
0x4f: {  	s19 =	rddreg [dreg:$0xb]  }
0x50: {  	[tilespmem:s7], [sflag:$0x7] =	stream.linear.gather [hbm4b:s19+s7], $0x9C40, $0x38;
	[tilespmem:$0x1E380] =	vst v63  }
0x51: {  	_ =	swait.ge [sflag:s23], $0x9C40  }
0x52: {  	[sflag:s23] =	ssyncset.done $0x0  }
0x53: {  	[sflag:s23] =	ssyncadd.s32 $0xFFFF63C0  }
0x54: {  	[tilespmem:s29], [sflag:$0x1] =	stream.indirect.gather [hbm4b:s6+s28], $0x20, s7, s28, $0xb8;
	[tilespmem:$0x1E380] =	vst v63  }
0x55: {  	_ = 	snop  }
0x56: {  	[tilespmem:s30], [sflag:$0x2] =	stream.indirect.gather [hbm4b:s6+s28], $0x20, s28, s28, $0xb8;
	[tilespmem:$0x1E380] =	vst v63  }
0x57: {  	s18 =	simm.s32 $0xA0  }
0x58: {  	[tilespmem:s2], [sflag:$0x3] =	stream.indirect.gather [hbm4b:s6+s28], $0x20, s18, s28, $0xb8;
	[tilespmem:$0x1E380] =	vst v63  }
0x59: {  	s19 =	simm.s32 $0xF0  }
0x5a: {  	[tilespmem:s0], [sflag:$0x4] =	stream.indirect.gather [hbm4b:s6+s28], $0x20, s19, s28, $0xb8;
	[tilespmem:$0x1E380] =	vst v63  }
0x5b: {  	_ = 	snop  }
0x5c: {  	[spmem:s4] =	stream.indirect.scatter.add.f32 [tilespmem:s22], [sflag:$0x6], $0x8, s11, s28, $0xb8;
	[tilespmem:$0x1E380] =	vst v63  }
0x5d: {  	s10 =	simm.s32 $0x140  }
0x5e: {  	[tilespmem:s5], [sflag:$0x5] =	stream.indirect.gather [hbm4b:s6+s28], $0x20, s10, s28, $0xb8;
	[tilespmem:$0x1E380] =	vst v63  }
0x5f: {  	_ =	swait.ge [sflag:s8], $0xA00  }
0x60: {  	[sflag:s8] =	ssyncset.done $0x0  }
0x61: {  	s11 =	simm.s32 $0x9C40;
	[sflag:s8] =	ssyncadd.s32 $0xFFFFF600  }
0x62: {  	[spmem:s3] =	stream.indirect.scatter.add.f32 [tilespmem:s29], [sflag:$0x7], $0x20, s11, s28, $0xb8;
	[tilespmem:$0x1E380] =	vst v63  }
0x63: {  	_ =	swait.ge [sflag:s23], $0xA00  }
0x64: {  	[sflag:s23] =	ssyncset.done $0x0  }
0x65: {  	[sflag:s23] =	ssyncadd.s32 $0xFFFFF600  }
0x66: {  	_ =	swait.ge [sflag:s24], $0x280  }
0x67: {  	[sflag:s24] =	ssyncset.done $0x0  }
0x68: {  	s18 =	simm.s32 $0x9C90;
	[sflag:s24] =	ssyncadd.s32 $0xFFFFFD80  }
0x69: {  	[spmem:s4] =	stream.indirect.scatter.add.f32 [tilespmem:s22], [sflag:$0x6], $0x8, s18, s28, $0xb8;
	[tilespmem:$0x1E380] =	vst v63  }
0x6a: {  	s19 =	simm.s32 $0x190  }
0x6b: {  	[tilespmem:s29], [sflag:$0x1] =	stream.indirect.gather [hbm4b:s6+s28], $0x20, s19, s28, $0xb8;
	[tilespmem:$0x1E380] =	vst v63  }
0x6c: {  	_ =	swait.ge [sflag:s25], $0xA00  }
0x6d: {  	[sflag:s25] =	ssyncset.done $0x0  }
0x6e: {  	[sflag:s25] =	ssyncadd.s32 $0xFFFFF600  }
0x6f: {  	[spmem:s3] =	stream.indirect.scatter.add.f32 [tilespmem:s30], [sflag:$0x7], $0x20, s18, s28, $0xb8;
	[tilespmem:$0x1E380] =	vst v63  }
0x70: {  	_ =	swait.ge [sflag:s23], $0xA00  }
0x71: {  	[sflag:s23] =	ssyncset.done $0x0  }
0x72: {  	[sflag:s23] =	ssyncadd.s32 $0xFFFFF600  }
0x73: {  	_ =	swait.ge [sflag:s24], $0x280  }
0x74: {  	[sflag:s24] =	ssyncset.done $0x0  }
0x75: {  	s11 =	simm.s32 $0x9CE0;
	[sflag:s24] =	ssyncadd.s32 $0xFFFFFD80  }
0x76: {  	[spmem:s4] =	stream.indirect.scatter.add.f32 [tilespmem:s22], [sflag:$0x6], $0x8, s11, s28, $0xb8;
	[tilespmem:$0x1E380] =	vst v63  }
0x77: {  	s18 =	simm.s32 $0x1E0  }
0x78: {  	[tilespmem:s30], [sflag:$0x2] =	stream.indirect.gather [hbm4b:s6+s28], $0x20, s18, s28, $0xb8;
	[tilespmem:$0x1E380] =	vst v63  }
0x79: {  	_ =	swait.ge [sflag:s14], $0xA00  }
0x7a: {  	[sflag:s14] =	ssyncset.done $0x0  }
0x7b: {  	[sflag:s14] =	ssyncadd.s32 $0xFFFFF600  }
0x7c: {  	[spmem:s3] =	stream.indirect.scatter.add.f32 [tilespmem:s2], [sflag:$0x7], $0x20, s11, s28, $0xb8;
	[tilespmem:$0x1E380] =	vst v63  }
0x7d: {  	_ =	swait.ge [sflag:s23], $0xA00  }
0x7e: {  	[sflag:s23] =	ssyncset.done $0x0  }
0x7f: {  	[sflag:s23] =	ssyncadd.s32 $0xFFFFF600  }
0x80: {  	_ =	swait.ge [sflag:s24], $0x280  }
0x81: {  	[sflag:s24] =	ssyncset.done $0x0  }
0x82: {  	s19 =	simm.s32 $0x9D30;
	[sflag:s24] =	ssyncadd.s32 $0xFFFFFD80  }
0x83: {  	[spmem:s4] =	stream.indirect.scatter.add.f32 [tilespmem:s22], [sflag:$0x6], $0x8, s19, s28, $0xb8;
	[tilespmem:$0x1E380] =	vst v63  }
0x84: {  	s11 =	simm.s32 $0x230  }
0x85: {  	[tilespmem:s2], [sflag:$0x3] =	stream.indirect.gather [hbm4b:s6+s28], $0x20, s11, s28, $0xb8;
	[tilespmem:$0x1E380] =	vst v63  }
0x86: {  	_ =	swait.ge [sflag:s15], $0xA00  }
0x87: {  	[sflag:s15] =	ssyncset.done $0x0  }
0x88: {  	[sflag:s15] =	ssyncadd.s32 $0xFFFFF600  }
0x89: {  	[spmem:s3] =	stream.indirect.scatter.add.f32 [tilespmem:s0], [sflag:$0x7], $0x20, s19, s28, $0xb8;
	[tilespmem:$0x1E380] =	vst v63  }
0x8a: {  	_ =	swait.ge [sflag:s23], $0xA00  }
0x8b: {  	[sflag:s23] =	ssyncset.done $0x0  }
0x8c: {  	[sflag:s23] =	ssyncadd.s32 $0xFFFFF600  }
0x8d: {  	_ =	swait.ge [sflag:s24], $0x280  }
0x8e: {  	[sflag:s24] =	ssyncset.done $0x0  }
0x8f: {  	s18 =	simm.s32 $0x9D80;
	[sflag:s24] =	ssyncadd.s32 $0xFFFFFD80  }
0x90: {  	[spmem:s4] =	stream.indirect.scatter.add.f32 [tilespmem:s22], [sflag:$0x6], $0x8, s18, s28, $0xb8;
	[tilespmem:$0x1E380] =	vst v63  }
0x91: {  	s19 =	simm.s32 $0x280  }
0x92: {  	[tilespmem:s0], [sflag:$0x4] =	stream.indirect.gather [hbm4b:s6+s28], $0x20, s19, s28, $0xb8;
	[tilespmem:$0x1E380] =	vst v63  }
0x93: {  	_ =	swait.ge [sflag:s16], $0xA00  }
0x94: {  	[sflag:s16] =	ssyncset.done $0x0  }
0x95: {  	[sflag:s16] =	ssyncadd.s32 $0xFFFFF600  }
0x96: {  	[spmem:s3] =	stream.indirect.scatter.add.f32 [tilespmem:s5], [sflag:$0x7], $0x20, s18, s28, $0xb8;
	[tilespmem:$0x1E380] =	vst v63  }
0x97: {  	_ =	swait.ge [sflag:s23], $0xA00  }
0x98: {  	[sflag:s23] =	ssyncset.done $0x0  }
0x99: {  	[sflag:s23] =	ssyncadd.s32 $0xFFFFF600  }
0x9a: {  	_ =	swait.ge [sflag:s24], $0x280  }
0x9b: {  	s11 =	simm.s32 $0x9DD0;
	[sflag:s24] =	ssyncset.done $0x0  }
0x9c: {  	s19 =	simm.s32 $0xC80;
	s18 =	simm.s32 $0x190;
	[sflag:s24] =	ssyncadd.s32 $0xFFFFFD80  }
.LBB2_4:
0x9d: {  	[spmem:s4] =	stream.indirect.scatter.add.f32 [tilespmem:s22], [sflag:$0x6], $0x8, s11, s28, $0xb8;
	[tilespmem:$0x1E380] =	vst v63  }
0x9e: {  	s7 =	smov.u32 s19  }
0x9f: {  	s10 =	sadd.s32 $0x640, s19;
	s11 =	sadd.s32 $0x140, s18;
	s7 =	sshra.s32 s7, $0x2  }
0xa0: {  	[tilespmem:s5], [sflag:$0x5] =	stream.indirect.gather [hbm4b:s6+s28], $0x20, s11, s28, $0xb8;
	[tilespmem:$0x1E380] =	vst v63  }
0xa1: {  	p0 =	sne.s32 s19, $0x26480;
	_ =	swait.ge [sflag:s8], $0xA00  }
0xa2: {  	[sflag:s8] =	ssyncset.done $0x0  }
0xa3: {  	s11 =	sadd.s32 $0x9C40, s18;
	[sflag:s8] =	ssyncadd.s32 $0xFFFFF600  }
0xa4: {  	[spmem:s3] =	stream.indirect.scatter.add.f32 [tilespmem:s29], [sflag:$0x7], $0x20, s11, s28, $0xb8;
	[tilespmem:$0x1E380] =	vst v63  }
0xa5: {  	_ =	swait.ge [sflag:s23], $0xA00  }
0xa6: {  	[sflag:s23] =	ssyncset.done $0x0  }
0xa7: {  	[sflag:s23] =	ssyncadd.s32 $0xFFFFF600  }
0xa8: {  	_ =	swait.ge [sflag:s24], $0x280  }
0xa9: {  	[sflag:s24] =	ssyncset.done $0x0  }
0xaa: {  	s11 =	sadd.s32 $0x9C90, s18;
	[sflag:s24] =	ssyncadd.s32 $0xFFFFFD80  }
0xab: {  	[spmem:s4] =	stream.indirect.scatter.add.f32 [tilespmem:s22], [sflag:$0x6], $0x8, s11, s28, $0xb8;
	[tilespmem:$0x1E380] =	vst v63  }
0xac: {  	s19 =	sadd.s32 $0x190, s18  }
0xad: {  	[tilespmem:s29], [sflag:$0x1] =	stream.indirect.gather [hbm4b:s6+s28], $0x20, s19, s28, $0xb8;
	[tilespmem:$0x1E380] =	vst v63  }
0xae: {  	_ =	swait.ge [sflag:s25], $0xA00  }
0xaf: {  	[sflag:s25] =	ssyncset.done $0x0  }
0xb0: {  	[sflag:s25] =	ssyncadd.s32 $0xFFFFF600  }
0xb1: {  	[spmem:s3] =	stream.indirect.scatter.add.f32 [tilespmem:s30], [sflag:$0x7], $0x20, s11, s28, $0xb8;
	[tilespmem:$0x1E380] =	vst v63  }
0xb2: {  	_ =	swait.ge [sflag:s23], $0xA00  }
0xb3: {  	[sflag:s23] =	ssyncset.done $0x0  }
0xb4: {  	[sflag:s23] =	ssyncadd.s32 $0xFFFFF600  }
0xb5: {  	_ =	swait.ge [sflag:s24], $0x280  }
0xb6: {  	[sflag:s24] =	ssyncset.done $0x0  }
0xb7: {  	s11 =	sadd.s32 $0x9CE0, s18;
	[sflag:s24] =	ssyncadd.s32 $0xFFFFFD80  }
0xb8: {  	[spmem:s4] =	stream.indirect.scatter.add.f32 [tilespmem:s22], [sflag:$0x6], $0x8, s11, s28, $0xb8;
	[tilespmem:$0x1E380] =	vst v63  }
0xb9: {  	s19 =	sadd.s32 $0x1E0, s18  }
0xba: {  	[tilespmem:s30], [sflag:$0x2] =	stream.indirect.gather [hbm4b:s6+s28], $0x20, s19, s28, $0xb8;
	[tilespmem:$0x1E380] =	vst v63  }
0xbb: {  	_ =	swait.ge [sflag:s14], $0xA00  }
0xbc: {  	[sflag:s14] =	ssyncset.done $0x0  }
0xbd: {  	[sflag:s14] =	ssyncadd.s32 $0xFFFFF600  }
0xbe: {  	[spmem:s3] =	stream.indirect.scatter.add.f32 [tilespmem:s2], [sflag:$0x7], $0x20, s11, s28, $0xb8;
	[tilespmem:$0x1E380] =	vst v63  }
0xbf: {  	_ =	swait.ge [sflag:s23], $0xA00  }
0xc0: {  	[sflag:s23] =	ssyncset.done $0x0  }
0xc1: {  	[sflag:s23] =	ssyncadd.s32 $0xFFFFF600  }
0xc2: {  	_ =	swait.ge [sflag:s24], $0x280  }
0xc3: {  	[sflag:s24] =	ssyncset.done $0x0  }
0xc4: {  	s11 =	sadd.s32 $0x9D30, s18;
	[sflag:s24] =	ssyncadd.s32 $0xFFFFFD80  }
0xc5: {  	[spmem:s4] =	stream.indirect.scatter.add.f32 [tilespmem:s22], [sflag:$0x6], $0x8, s11, s28, $0xb8;
	[tilespmem:$0x1E380] =	vst v63  }
0xc6: {  	s19 =	sadd.s32 $0x230, s18  }
0xc7: {  	[tilespmem:s2], [sflag:$0x3] =	stream.indirect.gather [hbm4b:s6+s28], $0x20, s19, s28, $0xb8;
	[tilespmem:$0x1E380] =	vst v63  }
0xc8: {  	_ =	swait.ge [sflag:s15], $0xA00  }
0xc9: {  	[sflag:s15] =	ssyncset.done $0x0  }
0xca: {  	[sflag:s15] =	ssyncadd.s32 $0xFFFFF600  }
0xcb: {  	[spmem:s3] =	stream.indirect.scatter.add.f32 [tilespmem:s0], [sflag:$0x7], $0x20, s11, s28, $0xb8;
	[tilespmem:$0x1E380] =	vst v63  }
0xcc: {  	_ =	swait.ge [sflag:s23], $0xA00  }
0xcd: {  	[sflag:s23] =	ssyncset.done $0x0  }
0xce: {  	[sflag:s23] =	ssyncadd.s32 $0xFFFFF600  }
0xcf: {  	_ =	swait.ge [sflag:s24], $0x280  }
0xd0: {  	[sflag:s24] =	ssyncset.done $0x0  }
0xd1: {  	s11 =	sadd.s32 $0x9D80, s18;
	[sflag:s24] =	ssyncadd.s32 $0xFFFFFD80  }
0xd2: {  	[spmem:s4] =	stream.indirect.scatter.add.f32 [tilespmem:s22], [sflag:$0x6], $0x8, s11, s28, $0xb8;
	[tilespmem:$0x1E380] =	vst v63  }
0xd3: {  	s19 =	sadd.s32 $0x280, s18  }
0xd4: {  	[tilespmem:s0], [sflag:$0x4] =	stream.indirect.gather [hbm4b:s6+s28], $0x20, s19, s28, $0xb8;
	[tilespmem:$0x1E380] =	vst v63  }
0xd5: {  	_ =	swait.ge [sflag:s16], $0xA00  }
0xd6: {  	[sflag:s16] =	ssyncset.done $0x0  }
0xd7: {  	[sflag:s16] =	ssyncadd.s32 $0xFFFFF600  }
0xd8: {  	[spmem:s3] =	stream.indirect.scatter.add.f32 [tilespmem:s5], [sflag:$0x7], $0x20, s11, s28, $0xb8;
	[tilespmem:$0x1E380] =	vst v63  }
0xd9: {  	_ =	swait.ge [sflag:s23], $0xA00  }
.Ltmp1:
0xda: {  	[sflag:s23] =	ssyncset.done $0x0;
	(pc) =	sbr.rel @p0 .LBB2_4-.Ltmp1, $4  }
0xdb: {  	[sflag:s23] =	ssyncadd.s32 $0xFFFFF600  }
0xdc: {  	_ =	swait.ge [sflag:s24], $0x280  }
0xdd: {  	s19 =	smov.u32 s10;
	[sflag:s24] =	ssyncset.done $0x0  }
0xde: {  	s11 =	sadd.s32 $0x9DD0, s18;
	s18 =	smov.u32 s7;
	[sflag:s24] =	ssyncadd.s32 $0xFFFFFD80  }
0xdf: {  	[spmem:s4] =	stream.indirect.scatter.add.f32 [tilespmem:s22], [sflag:$0x6], $0x8, s11, s28, $0xb8;
	[tilespmem:$0x1E380] =	vst v63  }
0xe0: {  	s7 =	sadd.s32 $0x140, s18  }
0xe1: {  	[tilespmem:s5], [sflag:$0x5] =	stream.indirect.gather [hbm4b:s6+s28], $0x20, s7, s28, $0xb8;
	[tilespmem:$0x1E380] =	vst v63  }
0xe2: {  	_ =	swait.ge [sflag:s8], $0xA00  }
0xe3: {  	[sflag:s8] =	ssyncset.done $0x0  }
0xe4: {  	s11 =	sadd.s32 $0x9C40, s18;
	[sflag:s8] =	ssyncadd.s32 $0xFFFFF600  }
0xe5: {  	[spmem:s3] =	stream.indirect.scatter.add.f32 [tilespmem:s29], [sflag:$0x7], $0x20, s11, s28, $0xb8;
	[tilespmem:$0x1E380] =	vst v63  }
0xe6: {  	_ =	swait.ge [sflag:s23], $0xA00  }
0xe7: {  	[sflag:s23] =	ssyncset.done $0x0  }
0xe8: {  	[sflag:s23] =	ssyncadd.s32 $0xFFFFF600  }
0xe9: {  	_ =	swait.ge [sflag:s24], $0x280  }
0xea: {  	[sflag:s24] =	ssyncset.done $0x0  }
0xeb: {  	s19 =	sadd.s32 $0x9C90, s18;
	[sflag:s24] =	ssyncadd.s32 $0xFFFFFD80  }
0xec: {  	[spmem:s4] =	stream.indirect.scatter.add.f32 [tilespmem:s22], [sflag:$0x6], $0x8, s19, s28, $0xb8;
	[tilespmem:$0x1E380] =	vst v63  }
0xed: {  	s10 =	sadd.s32 $0x190, s18  }
0xee: {  	[tilespmem:s29], [sflag:$0x1] =	stream.indirect.gather [hbm4b:s6+s28], $0x20, s10, s28, $0xb8;
	[tilespmem:$0x1E380] =	vst v63  }
0xef: {  	_ =	swait.ge [sflag:s25], $0xA00  }
0xf0: {  	[sflag:s25] =	ssyncset.done $0x0  }
0xf1: {  	[sflag:s25] =	ssyncadd.s32 $0xFFFFF600  }
0xf2: {  	[spmem:s3] =	stream.indirect.scatter.add.f32 [tilespmem:s30], [sflag:$0x7], $0x20, s19, s28, $0xb8;
	[tilespmem:$0x1E380] =	vst v63  }
0xf3: {  	_ =	swait.ge [sflag:s23], $0xA00  }
0xf4: {  	[sflag:s23] =	ssyncset.done $0x0  }
0xf5: {  	[sflag:s23] =	ssyncadd.s32 $0xFFFFF600  }
0xf6: {  	_ =	swait.ge [sflag:s24], $0x280  }
0xf7: {  	[sflag:s24] =	ssyncset.done $0x0  }
0xf8: {  	s11 =	sadd.s32 $0x9CE0, s18;
	[sflag:s24] =	ssyncadd.s32 $0xFFFFFD80  }
0xf9: {  	[spmem:s4] =	stream.indirect.scatter.add.f32 [tilespmem:s22], [sflag:$0x6], $0x8, s11, s28, $0xb8;
	[tilespmem:$0x1E380] =	vst v63  }
0xfa: {  	s19 =	sadd.s32 $0x1E0, s18  }
0xfb: {  	[tilespmem:s30], [sflag:$0x2] =	stream.indirect.gather [hbm4b:s6+s28], $0x20, s19, s28, $0xb8;
	[tilespmem:$0x1E380] =	vst v63  }
0xfc: {  	_ =	swait.ge [sflag:s14], $0xA00  }
0xfd: {  	[sflag:s14] =	ssyncset.done $0x0  }
0xfe: {  	[sflag:s14] =	ssyncadd.s32 $0xFFFFF600  }
0xff: {  	[spmem:s3] =	stream.indirect.scatter.add.f32 [tilespmem:s2], [sflag:$0x7], $0x20, s11, s28, $0xb8;
	[tilespmem:$0x1E380] =	vst v63  }
0x100: {  	_ =	swait.ge [sflag:s23], $0xA00  }
0x101: {  	[sflag:s23] =	ssyncset.done $0x0  }
0x102: {  	[sflag:s23] =	ssyncadd.s32 $0xFFFFF600  }
0x103: {  	_ =	swait.ge [sflag:s24], $0x280  }
0x104: {  	[sflag:s24] =	ssyncset.done $0x0  }
0x105: {  	s11 =	sadd.s32 $0x9D30, s18;
	[sflag:s24] =	ssyncadd.s32 $0xFFFFFD80  }
0x106: {  	[spmem:s4] =	stream.indirect.scatter.add.f32 [tilespmem:s22], [sflag:$0x6], $0x8, s11, s28, $0xb8;
	[tilespmem:$0x1E380] =	vst v63  }
0x107: {  	s19 =	sadd.s32 $0x230, s18  }
0x108: {  	[tilespmem:s2], [sflag:$0x3] =	stream.indirect.gather [hbm4b:s6+s28], $0x20, s19, s28, $0xb8;
	[tilespmem:$0x1E380] =	vst v63  }
0x109: {  	_ =	swait.ge [sflag:s15], $0xA00  }
0x10a: {  	[sflag:s15] =	ssyncset.done $0x0  }
0x10b: {  	[sflag:s15] =	ssyncadd.s32 $0xFFFFF600  }
0x10c: {  	[spmem:s3] =	stream.indirect.scatter.add.f32 [tilespmem:s0], [sflag:$0x7], $0x20, s11, s28, $0xb8;
	[tilespmem:$0x1E380] =	vst v63  }
0x10d: {  	_ =	swait.ge [sflag:s23], $0xA00  }
0x10e: {  	[sflag:s23] =	ssyncset.done $0x0  }
0x10f: {  	[sflag:s23] =	ssyncadd.s32 $0xFFFFF600  }
0x110: {  	_ =	swait.ge [sflag:s24], $0x280  }
0x111: {  	[sflag:s24] =	ssyncset.done $0x0  }
0x112: {  	s11 =	sadd.s32 $0x9D80, s18;
	[sflag:s24] =	ssyncadd.s32 $0xFFFFFD80  }
0x113: {  	[spmem:s4] =	stream.indirect.scatter.add.f32 [tilespmem:s22], [sflag:$0x6], $0x8, s11, s28, $0xb8;
	[tilespmem:$0x1E380] =	vst v63  }
0x114: {  	s19 =	sadd.s32 $0x280, s18  }
0x115: {  	[tilespmem:s0], [sflag:$0x4] =	stream.indirect.gather [hbm4b:s6+s28], $0x20, s19, s28, $0xb8;
	[tilespmem:$0x1E380] =	vst v63  }
0x116: {  	_ =	swait.ge [sflag:s16], $0xA00  }
0x117: {  	[sflag:s16] =	ssyncset.done $0x0  }
0x118: {  	[sflag:s16] =	ssyncadd.s32 $0xFFFFF600  }
0x119: {  	[spmem:s3] =	stream.indirect.scatter.add.f32 [tilespmem:s5], [sflag:$0x7], $0x20, s11, s28, $0xb8;
	[tilespmem:$0x1E380] =	vst v63  }
0x11a: {  	_ =	swait.ge [sflag:s23], $0xA00  }
0x11b: {  	[sflag:s23] =	ssyncset.done $0x0  }
0x11c: {  	[sflag:s23] =	ssyncadd.s32 $0xFFFFF600  }
0x11d: {  	_ =	swait.ge [sflag:s24], $0x280  }
0x11e: {  	[sflag:s24] =	ssyncset.done $0x0  }
0x11f: {  	s11 =	sadd.s32 $0x9DD0, s18;
	[sflag:s24] =	ssyncadd.s32 $0xFFFFFD80  }
0x120: {  	[spmem:s4] =	stream.indirect.scatter.add.f32 [tilespmem:s22], [sflag:$0x6], $0x8, s11, s28, $0xb8;
	[tilespmem:$0x1E380] =	vst v63  }
0x121: {  	_ = 	snop  }
0x122: {  	[tilespmem:s5], [sflag:$0x5] =	stream.indirect.gather [hbm4b:s6+s28], $0x20, s17, s28, $0xb8;
	[tilespmem:$0x1E380] =	vst v63  }
0x123: {  	_ =	swait.ge [sflag:s8], $0xA00  }
0x124: {  	[sflag:s8] =	ssyncset.done $0x0  }
0x125: {  	s18 =	simm.s32 $0x136F0;
	[sflag:s8] =	ssyncadd.s32 $0xFFFFF600  }
0x126: {  	[spmem:s3] =	stream.indirect.scatter.add.f32 [tilespmem:s29], [sflag:$0x7], $0x20, s18, s28, $0xb8;
	[tilespmem:$0x1E380] =	vst v63  }
0x127: {  	_ =	swait.ge [sflag:s23], $0xA00  }
0x128: {  	[sflag:s23] =	ssyncset.done $0x0  }
0x129: {  	[sflag:s23] =	ssyncadd.s32 $0xFFFFF600  }
0x12a: {  	_ =	swait.ge [sflag:s24], $0x280  }
0x12b: {  	[sflag:s24] =	ssyncset.done $0x0  }
0x12c: {  	s19 =	simm.s32 $0x13740;
	[sflag:s24] =	ssyncadd.s32 $0xFFFFFD80  }
0x12d: {  	[spmem:s4] =	stream.indirect.scatter.add.f32 [tilespmem:s22], [sflag:$0x6], $0x8, s19, s28, $0xb8;
	[tilespmem:$0x1E380] =	vst v63  }
0x12e: {  	_ = 	snop  }
0x12f: {  	[tilespmem:s29], [sflag:$0x1] =	stream.indirect.gather [hbm4b:s6+s28], $0x20, s17, s28, $0xb8;
	[tilespmem:$0x1E380] =	vst v63  }
0x130: {  	_ =	swait.ge [sflag:s25], $0xA00  }
0x131: {  	[sflag:s25] =	ssyncset.done $0x0  }
0x132: {  	[sflag:s25] =	ssyncadd.s32 $0xFFFFF600  }
0x133: {  	[spmem:s3] =	stream.indirect.scatter.add.f32 [tilespmem:s30], [sflag:$0x7], $0x20, s19, s28, $0xb8;
	[tilespmem:$0x1E380] =	vst v63  }
0x134: {  	_ =	swait.ge [sflag:s23], $0xA00  }
0x135: {  	[sflag:s23] =	ssyncset.done $0x0  }
0x136: {  	[sflag:s23] =	ssyncadd.s32 $0xFFFFF600  }
0x137: {  	_ =	swait.ge [sflag:s24], $0x280  }
0x138: {  	[sflag:s24] =	ssyncset.done $0x0  }
0x139: {  	s10 =	simm.s32 $0x13790;
	[sflag:s24] =	ssyncadd.s32 $0xFFFFFD80  }
0x13a: {  	[spmem:s4] =	stream.indirect.scatter.add.f32 [tilespmem:s22], [sflag:$0x6], $0x8, s10, s28, $0xb8;
	[tilespmem:$0x1E380] =	vst v63  }
0x13b: {  	_ = 	snop  }
0x13c: {  	[tilespmem:s30], [sflag:$0x2] =	stream.indirect.gather [hbm4b:s6+s28], $0x20, s17, s28, $0xb8;
	[tilespmem:$0x1E380] =	vst v63  }
0x13d: {  	_ =	swait.ge [sflag:s14], $0xA00  }
0x13e: {  	[sflag:s14] =	ssyncset.done $0x0  }
0x13f: {  	[sflag:s14] =	ssyncadd.s32 $0xFFFFF600  }
0x140: {  	[spmem:s3] =	stream.indirect.scatter.add.f32 [tilespmem:s2], [sflag:$0x7], $0x20, s10, s28, $0xb8;
	[tilespmem:$0x1E380] =	vst v63  }
0x141: {  	_ =	swait.ge [sflag:s23], $0xA00  }
0x142: {  	[sflag:s23] =	ssyncset.done $0x0  }
0x143: {  	[sflag:s23] =	ssyncadd.s32 $0xFFFFF600  }
0x144: {  	_ =	swait.ge [sflag:s24], $0x280  }
0x145: {  	[sflag:s24] =	ssyncset.done $0x0  }
0x146: {  	s11 =	simm.s32 $0x137E0;
	[sflag:s24] =	ssyncadd.s32 $0xFFFFFD80  }
0x147: {  	[spmem:s4] =	stream.indirect.scatter.add.f32 [tilespmem:s22], [sflag:$0x6], $0x8, s11, s28, $0xb8;
	[tilespmem:$0x1E380] =	vst v63  }
0x148: {  	_ = 	snop  }
0x149: {  	[tilespmem:s2], [sflag:$0x3] =	stream.indirect.gather [hbm4b:s6+s28], $0x20, s17, s28, $0xb8;
	[tilespmem:$0x1E380] =	vst v63  }
0x14a: {  	_ =	swait.ge [sflag:s15], $0xA00  }
0x14b: {  	[sflag:s15] =	ssyncset.done $0x0  }
0x14c: {  	[sflag:s15] =	ssyncadd.s32 $0xFFFFF600  }
0x14d: {  	[spmem:s3] =	stream.indirect.scatter.add.f32 [tilespmem:s0], [sflag:$0x7], $0x20, s11, s28, $0xb8;
	[tilespmem:$0x1E380] =	vst v63  }
0x14e: {  	_ =	swait.ge [sflag:s23], $0xA00  }
0x14f: {  	[sflag:s23] =	ssyncset.done $0x0  }
0x150: {  	[sflag:s23] =	ssyncadd.s32 $0xFFFFF600  }
0x151: {  	_ =	swait.ge [sflag:s24], $0x280  }
0x152: {  	[sflag:s24] =	ssyncset.done $0x0  }
0x153: {  	s18 =	simm.s32 $0x13830;
	[sflag:s24] =	ssyncadd.s32 $0xFFFFFD80  }
0x154: {  	[spmem:s4] =	stream.indirect.scatter.add.f32 [tilespmem:s22], [sflag:$0x6], $0x8, s18, s28, $0xb8;
	[tilespmem:$0x1E380] =	vst v63  }
0x155: {  	_ = 	snop  }
0x156: {  	[tilespmem:s0], [sflag:$0x4] =	stream.indirect.gather [hbm4b:s6+s28], $0x20, s17, s28, $0xb8;
	[tilespmem:$0x1E380] =	vst v63  }
0x157: {  	_ =	swait.ge [sflag:s16], $0xA00  }
0x158: {  	[sflag:s16] =	ssyncset.done $0x0  }
0x159: {  	[sflag:s16] =	ssyncadd.s32 $0xFFFFF600  }
0x15a: {  	[spmem:s3] =	stream.indirect.scatter.add.f32 [tilespmem:s5], [sflag:$0x7], $0x20, s18, s28, $0xb8;
	[tilespmem:$0x1E380] =	vst v63  }
0x15b: {  	_ =	swait.ge [sflag:s23], $0xA00  }
0x15c: {  	[sflag:s23] =	ssyncset.done $0x0  }
0x15d: {  	[sflag:s23] =	ssyncadd.s32 $0xFFFFF600  }
0x15e: {  	_ =	swait.ge [sflag:s24], $0x280  }
0x15f: {  	[sflag:s24] =	ssyncset.done $0x0  }
0x160: {  	s19 =	simm.s32 $0x17D00;
	[sflag:s24] =	ssyncadd.s32 $0xFFFFFD80  }
0x161: {  	[spmem:s4] =	stream.indirect.scatter.add.f32 [tilespmem:s19], [sflag:$0x6], $0x8, s18, s28, $0xb8;
	[tilespmem:$0x1E380] =	vst v63  }
0x162: {  	_ =	swait.ge [sflag:s8], $0xA00  }
0x163: {  	[sflag:s8] =	ssyncset.done $0x0  }
0x164: {  	[sflag:s8] =	ssyncadd.s32 $0xFFFFF600  }
0x165: {  	_ =	swait.ge [sflag:s25], $0xA00  }
0x166: {  	[sflag:s25] =	ssyncset.done $0x0  }
0x167: {  	[sflag:s25] =	ssyncadd.s32 $0xFFFFF600  }
0x168: {  	_ =	swait.ge [sflag:s14], $0xA00  }
0x169: {  	[sflag:s14] =	ssyncset.done $0x0  }
0x16a: {  	[sflag:s14] =	ssyncadd.s32 $0xFFFFF600  }
0x16b: {  	_ =	swait.ge [sflag:s15], $0xA00  }
0x16c: {  	[sflag:s15] =	ssyncset.done $0x0  }
0x16d: {  	[sflag:s15] =	ssyncadd.s32 $0xFFFFF600  }
0x16e: {  	_ =	swait.ge [sflag:s24], $0x280  }
0x16f: {  	[sflag:s24] =	ssyncset.done $0x0  }
0x170: {  	[sflag:s24] =	ssyncadd.s32 $0xFFFFFD80  }
0x171: {  	[bflag:$0x0] =	sbarrier.arrive $0xFFFF  }
0x172: {  	s18 =	sshrl.u32 s9, $0x3;
	s11 =	rddreg [dreg:$0xc]  }
0x173: {  	[hbm:s11], [sflag:s21] =	dma.local [spmem:s18], $0xA00  }
0x174: {  	_ =	swait.ge [sflag:s23], $0xA00  }
0x175: {  	[sflag:s23] =	ssyncset.done $0x0  }
0x176: {  	s19 =	rddreg [dreg:$0xd];
	[sflag:s23] =	ssyncadd.s32 $0xFFFFF600  }
0x177: {  	[hbm:s19], [sflag:s21] =	dma.local [spmem:s31], $0x280  }
0x178: {  	_ =	swait.ge [sflag:s23], $0x280  }
0x179: {  	[sflag:s23] =	ssyncset.done $0x0  }
0x17a: {  	[sflag:s23] =	ssyncadd.s32 $0xFFFFFD80  }
0x17b: {  	[spmem:s9] =	stream.linear.scatter [tilespmem:s26], [sflag:$0x7], $0x1000, $0x38;
	[tilespmem:$0x1E380] =	vst v63  }
0x17c: {  	_ =	swait.ge [sflag:s23], $0x1000  }
0x17d: {  	[sflag:s23] =	ssyncset.done $0x0  }
0x17e: {  	s10 =	rddreg [dreg:$0x7];
	[sflag:s23] =	ssyncadd.s32 $0xFFFFF000  }
0x17f: {  	[spmem:s10] =	stream.linear.scatter [tilespmem:s26], [sflag:$0x7], $0x1000, $0x38;
	[tilespmem:$0x1E380] =	vst v63  }
0x180: {  	_ =	swait.ge [sflag:s23], $0x1000  }
0x181: {  	[sflag:s23] =	ssyncset.done $0x0  }
0x182: {  	s11 =	rddreg [dreg:$0x8];
	[sflag:s23] =	ssyncadd.s32 $0xFFFFF000  }
0x183: {  	[spmem:s11] =	stream.linear.scatter [tilespmem:s26], [sflag:$0x7], $0x1000, $0x38;
	[tilespmem:$0x1E380] =	vst v63  }
0x184: {  	_ =	swait.ge [sflag:s23], $0x1000  }
0x185: {  	[sflag:s23] =	ssyncset.done $0x0  }
0x186: {  	s19 =	rddreg [dreg:$0x11];
	[sflag:s23] =	ssyncadd.s32 $0xFFFFF000  }
0x187: {  	[spmem:s19] =	stream.linear.scatter [tilespmem:s26], [sflag:$0x7], $0x1000, $0x38;
	[tilespmem:$0x1E380] =	vst v63  }
0x188: {  	_ =	swait.ge [sflag:s23], $0x1000  }
0x189: {  	[sflag:s23] =	ssyncset.done $0x0  }
0x18a: {  	s10 =	rddreg [dreg:$0x12];
	[sflag:s23] =	ssyncadd.s32 $0xFFFFF000  }
0x18b: {  	[spmem:s10] =	stream.linear.scatter [tilespmem:s26], [sflag:$0x7], $0x1000, $0x38;
	[tilespmem:$0x1E380] =	vst v63  }
0x18c: {  	_ =	swait.ge [sflag:s23], $0x1000  }
0x18d: {  	[sflag:s23] =	ssyncset.done $0x0  }
0x18e: {  	[sflag:s23] =	ssyncadd.s32 $0xFFFFF000  }
0x18f: {  	[bflag:$0x0] =	sbarrier.arrive $0xFFFF  }
0x190: {  	s11 =	simm.s32 $0x0;
	s19 =	rddreg [dreg:$0xe]  }
0x191: {  	[tilespmem:s11], [sflag:$0x7] =	stream.linear.gather [hbm4b:s19+s11], $0x9C40, $0x38;
	[tilespmem:$0x1E380] =	vst v63  }
0x192: {  	_ =	swait.ge [sflag:s23], $0x9C40  }
0x193: {  	[sflag:s23] =	ssyncset.done $0x0  }
0x194: {  	[sflag:s23] =	ssyncadd.s32 $0xFFFF63C0  }
0x195: {  	[tilespmem:s29], [sflag:$0x1] =	stream.indirect.gather [hbm4b:s6+s28], $0x20, s11, s28, $0xb8;
	[tilespmem:$0x1E380] =	vst v63  }
0x196: {  	_ = 	snop  }
0x197: {  	[tilespmem:s30], [sflag:$0x2] =	stream.indirect.gather [hbm4b:s6+s28], $0x20, s28, s28, $0xb8;
	[tilespmem:$0x1E380] =	vst v63  }
0x198: {  	s10 =	simm.s32 $0xA0  }
0x199: {  	[tilespmem:s2], [sflag:$0x3] =	stream.indirect.gather [hbm4b:s6+s28], $0x20, s10, s28, $0xb8;
	[tilespmem:$0x1E380] =	vst v63  }
0x19a: {  	s11 =	simm.s32 $0xF0  }
0x19b: {  	[tilespmem:s0], [sflag:$0x4] =	stream.indirect.gather [hbm4b:s6+s28], $0x20, s11, s28, $0xb8;
	[tilespmem:$0x1E380] =	vst v63  }
0x19c: {  	s19 =	simm.s32 $0x140  }
0x19d: {  	[tilespmem:s5], [sflag:$0x5] =	stream.indirect.gather [hbm4b:s6+s28], $0x20, s19, s28, $0xb8;
	[tilespmem:$0x1E380] =	vst v63  }
0x19e: {  	_ =	swait.ge [sflag:s8], $0xA00  }
0x19f: {  	[sflag:s8] =	ssyncset.done $0x0  }
0x1a0: {  	s10 =	simm.s32 $0x9C40;
	[sflag:s8] =	ssyncadd.s32 $0xFFFFF600  }
0x1a1: {  	[spmem:s3] =	stream.indirect.scatter.add.f32 [tilespmem:s29], [sflag:$0x7], $0x20, s10, s28, $0xb8;
	[tilespmem:$0x1E380] =	vst v63  }
0x1a2: {  	_ =	swait.ge [sflag:s23], $0xA00  }
0x1a3: {  	[sflag:s23] =	ssyncset.done $0x0  }
0x1a4: {  	s11 =	simm.s32 $0x190;
	[sflag:s23] =	ssyncadd.s32 $0xFFFFF600  }
0x1a5: {  	[tilespmem:s29], [sflag:$0x1] =	stream.indirect.gather [hbm4b:s6+s28], $0x20, s11, s28, $0xb8;
	[tilespmem:$0x1E380] =	vst v63  }
0x1a6: {  	_ =	swait.ge [sflag:s25], $0xA00  }
0x1a7: {  	[sflag:s25] =	ssyncset.done $0x0  }
0x1a8: {  	s19 =	simm.s32 $0x9C90;
	[sflag:s25] =	ssyncadd.s32 $0xFFFFF600  }
0x1a9: {  	[spmem:s3] =	stream.indirect.scatter.add.f32 [tilespmem:s30], [sflag:$0x7], $0x20, s19, s28, $0xb8;
	[tilespmem:$0x1E380] =	vst v63  }
0x1aa: {  	_ =	swait.ge [sflag:s23], $0xA00  }
0x1ab: {  	[sflag:s23] =	ssyncset.done $0x0  }
0x1ac: {  	s10 =	simm.s32 $0x1E0;
	[sflag:s23] =	ssyncadd.s32 $0xFFFFF600  }
0x1ad: {  	[tilespmem:s30], [sflag:$0x2] =	stream.indirect.gather [hbm4b:s6+s28], $0x20, s10, s28, $0xb8;
	[tilespmem:$0x1E380] =	vst v63  }
0x1ae: {  	_ =	swait.ge [sflag:s14], $0xA00  }
0x1af: {  	[sflag:s14] =	ssyncset.done $0x0  }
0x1b0: {  	s11 =	simm.s32 $0x9CE0;
	[sflag:s14] =	ssyncadd.s32 $0xFFFFF600  }
0x1b1: {  	[spmem:s3] =	stream.indirect.scatter.add.f32 [tilespmem:s2], [sflag:$0x7], $0x20, s11, s28, $0xb8;
	[tilespmem:$0x1E380] =	vst v63  }
0x1b2: {  	_ =	swait.ge [sflag:s23], $0xA00  }
0x1b3: {  	[sflag:s23] =	ssyncset.done $0x0  }
0x1b4: {  	s19 =	simm.s32 $0x230;
	[sflag:s23] =	ssyncadd.s32 $0xFFFFF600  }
0x1b5: {  	[tilespmem:s2], [sflag:$0x3] =	stream.indirect.gather [hbm4b:s6+s28], $0x20, s19, s28, $0xb8;
	[tilespmem:$0x1E380] =	vst v63  }
0x1b6: {  	_ =	swait.ge [sflag:s15], $0xA00  }
0x1b7: {  	[sflag:s15] =	ssyncset.done $0x0  }
0x1b8: {  	s10 =	simm.s32 $0x9D30;
	[sflag:s15] =	ssyncadd.s32 $0xFFFFF600  }
0x1b9: {  	[spmem:s3] =	stream.indirect.scatter.add.f32 [tilespmem:s0], [sflag:$0x7], $0x20, s10, s28, $0xb8;
	[tilespmem:$0x1E380] =	vst v63  }
0x1ba: {  	_ =	swait.ge [sflag:s23], $0xA00  }
0x1bb: {  	[sflag:s23] =	ssyncset.done $0x0  }
0x1bc: {  	s11 =	simm.s32 $0x280;
	[sflag:s23] =	ssyncadd.s32 $0xFFFFF600  }
0x1bd: {  	[tilespmem:s0], [sflag:$0x4] =	stream.indirect.gather [hbm4b:s6+s28], $0x20, s11, s28, $0xb8;
	[tilespmem:$0x1E380] =	vst v63  }
0x1be: {  	_ =	swait.ge [sflag:s16], $0xA00  }
0x1bf: {  	[sflag:s16] =	ssyncset.done $0x0  }
0x1c0: {  	s19 =	simm.s32 $0x9D80;
	[sflag:s16] =	ssyncadd.s32 $0xFFFFF600  }
0x1c1: {  	[spmem:s3] =	stream.indirect.scatter.add.f32 [tilespmem:s5], [sflag:$0x7], $0x20, s19, s28, $0xb8;
	[tilespmem:$0x1E380] =	vst v63  }
0x1c2: {  	_ =	swait.ge [sflag:s23], $0xA00  }
0x1c3: {  	s31 =	simm.s32 $0x190;
	s10 =	simm.s32 $0xC80;
	[sflag:s23] =	ssyncset.done $0x0  }
.LBB2_6:
0x1c4: {  	s11 =	sadd.s32 $0x140, s31  }
0x1c5: {  	[sflag:s23] =	ssyncadd.s32 $0xFFFFF600;
	s19 =	smov.u32 s10;
	s7 =	sadd.s32 $0x640, s10  }
0x1c6: {  	[tilespmem:s5], [sflag:$0x5] =	stream.indirect.gather [hbm4b:s6+s28], $0x20, s11, s28, $0xb8;
	[tilespmem:$0x1E380] =	vst v63  }
0x1c7: {  	p0 =	sne.s32 s10, $0x26480;
	_ =	swait.ge [sflag:s8], $0xA00  }
0x1c8: {  	[sflag:s8] =	ssyncset.done $0x0  }
0x1c9: {  	s10 =	sadd.s32 $0x9C40, s31;
	[sflag:s8] =	ssyncadd.s32 $0xFFFFF600  }
0x1ca: {  	[spmem:s3] =	stream.indirect.scatter.add.f32 [tilespmem:s29], [sflag:$0x7], $0x20, s10, s28, $0xb8;
	[tilespmem:$0x1E380] =	vst v63  }
0x1cb: {  	_ =	swait.ge [sflag:s23], $0xA00  }
0x1cc: {  	[sflag:s23] =	ssyncset.done $0x0  }
0x1cd: {  	s10 =	sadd.s32 $0x190, s31;
	[sflag:s23] =	ssyncadd.s32 $0xFFFFF600  }
0x1ce: {  	[tilespmem:s29], [sflag:$0x1] =	stream.indirect.gather [hbm4b:s6+s28], $0x20, s10, s28, $0xb8;
	[tilespmem:$0x1E380] =	vst v63  }
0x1cf: {  	_ =	swait.ge [sflag:s25], $0xA00  }
0x1d0: {  	[sflag:s25] =	ssyncset.done $0x0  }
0x1d1: {  	s10 =	sadd.s32 $0x9C90, s31;
	[sflag:s25] =	ssyncadd.s32 $0xFFFFF600  }
0x1d2: {  	[spmem:s3] =	stream.indirect.scatter.add.f32 [tilespmem:s30], [sflag:$0x7], $0x20, s10, s28, $0xb8;
	[tilespmem:$0x1E380] =	vst v63  }
0x1d3: {  	_ =	swait.ge [sflag:s23], $0xA00  }
0x1d4: {  	[sflag:s23] =	ssyncset.done $0x0  }
0x1d5: {  	s10 =	sadd.s32 $0x1E0, s31;
	[sflag:s23] =	ssyncadd.s32 $0xFFFFF600  }
0x1d6: {  	[tilespmem:s30], [sflag:$0x2] =	stream.indirect.gather [hbm4b:s6+s28], $0x20, s10, s28, $0xb8;
	[tilespmem:$0x1E380] =	vst v63  }
0x1d7: {  	_ =	swait.ge [sflag:s14], $0xA00  }
0x1d8: {  	[sflag:s14] =	ssyncset.done $0x0  }
0x1d9: {  	s10 =	sadd.s32 $0x9CE0, s31;
	[sflag:s14] =	ssyncadd.s32 $0xFFFFF600  }
0x1da: {  	[spmem:s3] =	stream.indirect.scatter.add.f32 [tilespmem:s2], [sflag:$0x7], $0x20, s10, s28, $0xb8;
	[tilespmem:$0x1E380] =	vst v63  }
0x1db: {  	_ =	swait.ge [sflag:s23], $0xA00  }
0x1dc: {  	[sflag:s23] =	ssyncset.done $0x0  }
0x1dd: {  	s10 =	sadd.s32 $0x230, s31;
	[sflag:s23] =	ssyncadd.s32 $0xFFFFF600  }
0x1de: {  	[tilespmem:s2], [sflag:$0x3] =	stream.indirect.gather [hbm4b:s6+s28], $0x20, s10, s28, $0xb8;
	[tilespmem:$0x1E380] =	vst v63  }
0x1df: {  	_ =	swait.ge [sflag:s15], $0xA00  }
0x1e0: {  	[sflag:s15] =	ssyncset.done $0x0  }
0x1e1: {  	s10 =	sadd.s32 $0x9D30, s31;
	[sflag:s15] =	ssyncadd.s32 $0xFFFFF600  }
0x1e2: {  	[spmem:s3] =	stream.indirect.scatter.add.f32 [tilespmem:s0], [sflag:$0x7], $0x20, s10, s28, $0xb8;
	[tilespmem:$0x1E380] =	vst v63  }
0x1e3: {  	_ =	swait.ge [sflag:s23], $0xA00  }
0x1e4: {  	[sflag:s23] =	ssyncset.done $0x0  }
0x1e5: {  	s10 =	sadd.s32 $0x280, s31;
	[sflag:s23] =	ssyncadd.s32 $0xFFFFF600  }
0x1e6: {  	[tilespmem:s0], [sflag:$0x4] =	stream.indirect.gather [hbm4b:s6+s28], $0x20, s10, s28, $0xb8;
	[tilespmem:$0x1E380] =	vst v63  }
0x1e7: {  	_ =	swait.ge [sflag:s16], $0xA00  }
.Ltmp2:
0x1e8: {  	[sflag:s16] =	ssyncset.done $0x0;
	(pc) =	sbr.rel @p0 .LBB2_6-.Ltmp2, $4  }
0x1e9: {  	s10 =	sadd.s32 $0x9D80, s31;
	[sflag:s16] =	ssyncadd.s32 $0xFFFFF600  }
0x1ea: {  	[spmem:s3] =	stream.indirect.scatter.add.f32 [tilespmem:s5], [sflag:$0x7], $0x20, s10, s28, $0xb8;
	[tilespmem:$0x1E380] =	vst v63  }
0x1eb: {  	_ =	swait.ge [sflag:s23], $0xA00  }
0x1ec: {  	s31 =	sshra.s32 s19, $0x2;
	s10 =	smov.u32 s7;
	[sflag:s23] =	ssyncset.done $0x0  }
0x1ed: {  	s7 =	sadd.s32 $0x140, s31;
	[sflag:s23] =	ssyncadd.s32 $0xFFFFF600  }
0x1ee: {  	[tilespmem:s5], [sflag:$0x5] =	stream.indirect.gather [hbm4b:s6+s28], $0x20, s7, s28, $0xb8;
	[tilespmem:$0x1E380] =	vst v63  }
0x1ef: {  	_ =	swait.ge [sflag:s8], $0xA00  }
0x1f0: {  	[sflag:s8] =	ssyncset.done $0x0  }
0x1f1: {  	s11 =	sadd.s32 $0x9C40, s31;
	[sflag:s8] =	ssyncadd.s32 $0xFFFFF600  }
0x1f2: {  	[spmem:s3] =	stream.indirect.scatter.add.f32 [tilespmem:s29], [sflag:$0x7], $0x20, s11, s28, $0xb8;
	[tilespmem:$0x1E380] =	vst v63  }
0x1f3: {  	_ =	swait.ge [sflag:s23], $0xA00  }
0x1f4: {  	[sflag:s23] =	ssyncset.done $0x0  }
0x1f5: {  	s19 =	sadd.s32 $0x190, s31;
	[sflag:s23] =	ssyncadd.s32 $0xFFFFF600  }
0x1f6: {  	[tilespmem:s29], [sflag:$0x1] =	stream.indirect.gather [hbm4b:s6+s28], $0x20, s19, s28, $0xb8;
	[tilespmem:$0x1E380] =	vst v63  }
0x1f7: {  	_ =	swait.ge [sflag:s25], $0xA00  }
0x1f8: {  	[sflag:s25] =	ssyncset.done $0x0  }
0x1f9: {  	s10 =	sadd.s32 $0x9C90, s31;
	[sflag:s25] =	ssyncadd.s32 $0xFFFFF600  }
0x1fa: {  	[spmem:s3] =	stream.indirect.scatter.add.f32 [tilespmem:s30], [sflag:$0x7], $0x20, s10, s28, $0xb8;
	[tilespmem:$0x1E380] =	vst v63  }
0x1fb: {  	_ =	swait.ge [sflag:s23], $0xA00  }
0x1fc: {  	[sflag:s23] =	ssyncset.done $0x0  }
0x1fd: {  	s11 =	sadd.s32 $0x1E0, s31;
	[sflag:s23] =	ssyncadd.s32 $0xFFFFF600  }
0x1fe: {  	[tilespmem:s30], [sflag:$0x2] =	stream.indirect.gather [hbm4b:s6+s28], $0x20, s11, s28, $0xb8;
	[tilespmem:$0x1E380] =	vst v63  }
0x1ff: {  	_ =	swait.ge [sflag:s14], $0xA00  }
0x200: {  	[sflag:s14] =	ssyncset.done $0x0  }
0x201: {  	s19 =	sadd.s32 $0x9CE0, s31;
	[sflag:s14] =	ssyncadd.s32 $0xFFFFF600  }
0x202: {  	[spmem:s3] =	stream.indirect.scatter.add.f32 [tilespmem:s2], [sflag:$0x7], $0x20, s19, s28, $0xb8;
	[tilespmem:$0x1E380] =	vst v63  }
0x203: {  	_ =	swait.ge [sflag:s23], $0xA00  }
0x204: {  	[sflag:s23] =	ssyncset.done $0x0  }
0x205: {  	s10 =	sadd.s32 $0x230, s31;
	[sflag:s23] =	ssyncadd.s32 $0xFFFFF600  }
0x206: {  	[tilespmem:s2], [sflag:$0x3] =	stream.indirect.gather [hbm4b:s6+s28], $0x20, s10, s28, $0xb8;
	[tilespmem:$0x1E380] =	vst v63  }
0x207: {  	_ =	swait.ge [sflag:s15], $0xA00  }
0x208: {  	[sflag:s15] =	ssyncset.done $0x0  }
0x209: {  	s11 =	sadd.s32 $0x9D30, s31;
	[sflag:s15] =	ssyncadd.s32 $0xFFFFF600  }
0x20a: {  	[spmem:s3] =	stream.indirect.scatter.add.f32 [tilespmem:s0], [sflag:$0x7], $0x20, s11, s28, $0xb8;
	[tilespmem:$0x1E380] =	vst v63  }
0x20b: {  	_ =	swait.ge [sflag:s23], $0xA00  }
0x20c: {  	[sflag:s23] =	ssyncset.done $0x0  }
0x20d: {  	s19 =	sadd.s32 $0x280, s31;
	[sflag:s23] =	ssyncadd.s32 $0xFFFFF600  }
0x20e: {  	[tilespmem:s0], [sflag:$0x4] =	stream.indirect.gather [hbm4b:s6+s28], $0x20, s19, s28, $0xb8;
	[tilespmem:$0x1E380] =	vst v63  }
0x20f: {  	_ =	swait.ge [sflag:s16], $0xA00  }
0x210: {  	[sflag:s16] =	ssyncset.done $0x0  }
0x211: {  	s31 =	sadd.s32 $0x9D80, s31;
	[sflag:s16] =	ssyncadd.s32 $0xFFFFF600  }
0x212: {  	[spmem:s3] =	stream.indirect.scatter.add.f32 [tilespmem:s5], [sflag:$0x7], $0x20, s31, s28, $0xb8;
	[tilespmem:$0x1E380] =	vst v63  }
0x213: {  	_ =	swait.ge [sflag:s23], $0xA00  }
0x214: {  	[sflag:s23] =	ssyncset.done $0x0  }
0x215: {  	[sflag:s23] =	ssyncadd.s32 $0xFFFFF600  }
0x216: {  	[tilespmem:s5], [sflag:$0x5] =	stream.indirect.gather [hbm4b:s6+s28], $0x20, s17, s28, $0xb8;
	[tilespmem:$0x1E380] =	vst v63  }
0x217: {  	_ =	swait.ge [sflag:s8], $0xA00  }
0x218: {  	[sflag:s8] =	ssyncset.done $0x0  }
0x219: {  	s10 =	simm.s32 $0x136F0;
	[sflag:s8] =	ssyncadd.s32 $0xFFFFF600  }
0x21a: {  	[spmem:s3] =	stream.indirect.scatter.add.f32 [tilespmem:s29], [sflag:$0x7], $0x20, s10, s28, $0xb8;
	[tilespmem:$0x1E380] =	vst v63  }
0x21b: {  	_ =	swait.ge [sflag:s23], $0xA00  }
0x21c: {  	[sflag:s23] =	ssyncset.done $0x0  }
0x21d: {  	[sflag:s23] =	ssyncadd.s32 $0xFFFFF600  }
0x21e: {  	[tilespmem:s29], [sflag:$0x1] =	stream.indirect.gather [hbm4b:s6+s28], $0x20, s17, s28, $0xb8;
	[tilespmem:$0x1E380] =	vst v63  }
0x21f: {  	_ =	swait.ge [sflag:s25], $0xA00  }
0x220: {  	[sflag:s25] =	ssyncset.done $0x0  }
0x221: {  	s11 =	simm.s32 $0x13740;
	[sflag:s25] =	ssyncadd.s32 $0xFFFFF600  }
0x222: {  	[spmem:s3] =	stream.indirect.scatter.add.f32 [tilespmem:s30], [sflag:$0x7], $0x20, s11, s28, $0xb8;
	[tilespmem:$0x1E380] =	vst v63  }
0x223: {  	_ =	swait.ge [sflag:s23], $0xA00  }
0x224: {  	[sflag:s23] =	ssyncset.done $0x0  }
0x225: {  	[sflag:s23] =	ssyncadd.s32 $0xFFFFF600  }
0x226: {  	[tilespmem:s30], [sflag:$0x2] =	stream.indirect.gather [hbm4b:s6+s28], $0x20, s17, s28, $0xb8;
	[tilespmem:$0x1E380] =	vst v63  }
0x227: {  	_ =	swait.ge [sflag:s14], $0xA00  }
0x228: {  	[sflag:s14] =	ssyncset.done $0x0  }
0x229: {  	[sflag:s14] =	ssyncadd.s32 $0xFFFFF600  }
0x22a: {  	[spmem:s3] =	stream.indirect.scatter.add.f32 [tilespmem:s2], [sflag:$0x7], $0x20, s13, s28, $0xb8;
	[tilespmem:$0x1E380] =	vst v63  }
0x22b: {  	_ =	swait.ge [sflag:s23], $0xA00  }
0x22c: {  	[sflag:s23] =	ssyncset.done $0x0  }
0x22d: {  	[sflag:s23] =	ssyncadd.s32 $0xFFFFF600  }
0x22e: {  	[tilespmem:s2], [sflag:$0x3] =	stream.indirect.gather [hbm4b:s6+s28], $0x20, s17, s28, $0xb8;
	[tilespmem:$0x1E380] =	vst v63  }
0x22f: {  	_ =	swait.ge [sflag:s15], $0xA00  }
0x230: {  	[sflag:s15] =	ssyncset.done $0x0  }
0x231: {  	[sflag:s15] =	ssyncadd.s32 $0xFFFFF600  }
0x232: {  	[spmem:s3] =	stream.indirect.scatter.add.f32 [tilespmem:s0], [sflag:$0x7], $0x20, s1, s28, $0xb8;
	[tilespmem:$0x1E380] =	vst v63  }
0x233: {  	_ =	swait.ge [sflag:s23], $0xA00  }
0x234: {  	[sflag:s23] =	ssyncset.done $0x0  }
0x235: {  	[sflag:s23] =	ssyncadd.s32 $0xFFFFF600  }
0x236: {  	[tilespmem:s0], [sflag:$0x4] =	stream.indirect.gather [hbm4b:s6+s28], $0x20, s17, s28, $0xb8;
	[tilespmem:$0x1E380] =	vst v63  }
0x237: {  	_ =	swait.ge [sflag:s16], $0xA00  }
0x238: {  	[sflag:s16] =	ssyncset.done $0x0  }
0x239: {  	[sflag:s16] =	ssyncadd.s32 $0xFFFFF600  }
0x23a: {  	[spmem:s3] =	stream.indirect.scatter.add.f32 [tilespmem:s5], [sflag:$0x7], $0x20, s12, s28, $0xb8;
	[tilespmem:$0x1E380] =	vst v63  }
0x23b: {  	_ =	swait.ge [sflag:s23], $0xA00  }
0x23c: {  	[sflag:s23] =	ssyncset.done $0x0  }
0x23d: {  	[sflag:s23] =	ssyncadd.s32 $0xFFFFF600  }
0x23e: {  	_ =	swait.ge [sflag:s8], $0xA00  }
0x23f: {  	[sflag:s8] =	ssyncset.done $0x0  }
0x240: {  	[sflag:s8] =	ssyncadd.s32 $0xFFFFF600  }
0x241: {  	_ =	swait.ge [sflag:s25], $0xA00  }
0x242: {  	[sflag:s25] =	ssyncset.done $0x0  }
0x243: {  	[sflag:s25] =	ssyncadd.s32 $0xFFFFF600  }
0x244: {  	_ =	swait.ge [sflag:s14], $0xA00  }
0x245: {  	[sflag:s14] =	ssyncset.done $0x0  }
0x246: {  	[sflag:s14] =	ssyncadd.s32 $0xFFFFF600  }
0x247: {  	_ =	swait.ge [sflag:s15], $0xA00  }
0x248: {  	[sflag:s15] =	ssyncset.done $0x0  }
0x249: {  	[sflag:s15] =	ssyncadd.s32 $0xFFFFF600  }
0x24a: {  	[bflag:$0x0] =	sbarrier.arrive $0xFFFF  }
0x24b: {  	s19 =	rddreg [dreg:$0xf]  }
0x24c: {  	[hbm:s19], [sflag:s21] =	dma.local [spmem:s18], $0xA00  }
0x24d: {  	_ =	swait.ge [sflag:s23], $0xA00  }
0x24e: {  	s20 =	sadd.s32 $0x1, s20;
	s31 =	rddreg [dreg:$0x10]  }
0x24f: {  	p0 =	sne.s32 s20, s31  }
.Ltmp3:
0x250: {  	_ = 	snop;
	(pc) =	sbr.rel @p0 .LBB2_1-.Ltmp3, $3  }
0x251: {  	_ =	sdelay $0x1  }
0x252: {  	[sflag:s23] =	ssyncset.done $0x0  }
0x253: {  	[sflag:s23] =	ssyncadd.s32 $0xFFFFF600  }
0x254: {  	_ =	sfence.sel $0x180000  }
0x255: {  	[bflag:$0x0] =	sbarrier.arrive $0xFFFF  }
0x256: {  	_ =	strace $0x90000047  }
0x257: {  	s0 =	stileid.u32;
	[bflag:$0x2] =	sbarrier.arrive $0xFFFF  }
0x258: {  	p0 =	sne.s32 s0, $0x0;
	s0 =	rddreg [dreg:$0x4]  }
0x259: {  	s0 =	sadd.s32 @!p0 $0x100000, s0  }
0x25a: {  	[sflag:s0] =	ssyncadd.tile.s32 @!p0 $0x1;
	_ =	shalt  }
.Lfunc_end2:
_tile_overlayer_lowered:
.L_overlay_start_2:
0x25b: {  	(tag) =	ssettag $0x2  }
0x25c: {  	s0 =	rddreg [dreg:$0x0];
	s2 =	stileid.u32  }
0x25d: {  	s1 =	rddreg [dreg:$0x1];
	p0 =	sne.s32 s2, $0x0  }
0x25e: {  	s3 =	rddreg [dreg:$0x2];
	[bflag:$0x3] =	sbarrier.arrive $0xFFFF;
	s2 =	simm.s32 @!p0 $0x1C07  }
0x25f: {  	[timem:s3], [sflag:s2] =	dma.local @!p0 [hbm:s0], s1  }
0x260: {  	s0 =	simm.s32 @!p0 $0x7  }
0x261: {  	_ =	swait.ge @!p0 [sflag:s0], s1  }
0x262: {  	s1 =	ssub.s32 @!p0 $0x0, s1;
	[sflag:s0] =	ssyncset.done @!p0 $0x0  }
0x263: {  	[sflag:s0] =	ssyncadd.s32 @!p0 s1  }
0x264: {  	[bflag:$0x3] =	sbarrier.arrive $0xFFFF  }
0x265: {  	_ =	shalt  }

</sc_bundles>
